<compile_context>
chip_gen: v7x
topology: tpu7x:2x2x1
jax: 0.10.2.dev20260603
libtpu: 0.0.44.dev20260713+nightly
codegen_flags: <defaults>
</compile_context>

<pallas_src>
import functools

import jax
import jax.numpy as jnp
from jax import lax
from jax.experimental import pallas as pl
from jax.experimental.pallas import tpu as pltpu
from jax.experimental.pallas import tpu_sc as plsc

N_NODES = 10000
N_EDGES = 320000
NUM_CORES = 2
NUM_SUBCORES = 16
NUM_TILES = NUM_CORES * NUM_SUBCORES
EDGES_PER_TILE = N_EDGES // NUM_TILES
CHUNK = 100
N_CHUNKS = EDGES_PER_TILE // CHUNK
N_HALF = N_CHUNKS // 2
ROWS_PER_SUBCORE = N_NODES // NUM_SUBCORES


def _sc_aggregate(h, src, dst, feat):
    mesh = plsc.VectorSubcoreMesh(core_axis_name="c", subcore_axis_name="s")
    nb = 3 if feat == 128 else 6

    @functools.partial(
        pl.kernel,
        out_type=jax.ShapeDtypeStruct((NUM_CORES, N_NODES, feat), jnp.float32),
        mesh=mesh,
        compiler_params=pltpu.CompilerParams(use_tc_tiling_on_sc=False),
        scratch_types=(
            [pltpu.VMEM((N_HALF, CHUNK), jnp.int32),
             pltpu.VMEM((N_HALF, CHUNK), jnp.int32)]
            + [pltpu.VMEM((CHUNK, feat), jnp.float32) for _ in range(nb)]
            + [pltpu.VMEM_SHARED((N_NODES, feat), jnp.float32)]
            + [pltpu.SemaphoreType.DMA for _ in range(nb)]
        ),
    )
    def agg(h_hbm, src_hbm, dst_hbm, out_hbm, src_v, dst_v, *rest):
        rows = rest[:nb]
        acc_sh = rest[nb]
        sems = rest[nb + 1:]
        c = lax.axis_index("c")
        s = lax.axis_index("s")
        wid = s * NUM_CORES + c

        pltpu.async_copy(src_hbm.at[wid, pl.ds(0, N_HALF)], src_v, sems[0])
        pltpu.async_copy(dst_hbm.at[wid, pl.ds(0, N_HALF)], dst_v, sems[1])

        @pl.loop(0, CHUNK)
        def _(i):
            @pl.loop(0, feat, step=16)
            def _(j):
                rows[0][pl.ds(i, 1), pl.ds(j, 16)] = jnp.zeros((1, 16),
                                                               jnp.float32)

        row0 = s * ROWS_PER_SUBCORE

        @pl.loop(0, ROWS_PER_SUBCORE - CHUNK, step=CHUNK)
        def _(r):
            pltpu.sync_copy(rows[0], acc_sh.at[pl.ds(row0 + r, CHUNK)])
        rem = ROWS_PER_SUBCORE % CHUNK
        pltpu.sync_copy(rows[0].at[pl.ds(0, rem)],
                        acc_sh.at[pl.ds(row0 + ROWS_PER_SUBCORE - rem, rem)])

        plsc.subcore_barrier()

        for half in range(2):
            if half == 0:
                pltpu.make_async_copy(
                    src_hbm.at[wid, pl.ds(0, N_HALF)], src_v, sems[0]).wait()
                pltpu.make_async_copy(
                    dst_hbm.at[wid, pl.ds(0, N_HALF)], dst_v, sems[1]).wait()
            else:
                pltpu.sync_copy(src_hbm.at[wid, pl.ds(N_HALF, N_HALF)], src_v)
                pltpu.sync_copy(dst_hbm.at[wid, pl.ds(N_HALF, N_HALF)], dst_v)

            for j in range(nb):
                pltpu.async_copy(h_hbm.at[src_v.at[j]], rows[j], sems[j])

            @pl.loop(0, N_HALF, step=nb)
            def _(i):
                for j in range(nb):
                    @pl.when(i + j < N_HALF)
                    def _(j=j):
                        pltpu.make_async_copy(h_hbm.at[src_v.at[i + j]],
                                              rows[j], sems[j]).wait()
                        pltpu.sync_copy(rows[j], acc_sh.at[dst_v.at[i + j]],
                                        add=True)

                        @pl.when(i + j + nb < N_HALF)
                        def _():
                            pltpu.async_copy(h_hbm.at[src_v.at[i + j + nb]],
                                             rows[j], sems[j])

        plsc.subcore_barrier()

        out0 = s * 632

        @pl.when(s < NUM_SUBCORES - 1)
        def _():
            pltpu.sync_copy(acc_sh.at[pl.ds(out0, 632)],
                            out_hbm.at[c, pl.ds(out0, 632)])

        @pl.when(s == NUM_SUBCORES - 1)
        def _():
            pltpu.sync_copy(acc_sh.at[pl.ds(out0, 520)],
                            out_hbm.at[c, pl.ds(out0, 520)])

    return agg(h, src, dst)


def _tc_matmul(x, W):
    m, k = x.shape
    n = W.shape[1]
    bm = 1000

    def body(x_ref, w_ref, o_ref):
        o_ref[...] = jnp.dot(x_ref[...], w_ref[...],
                             preferred_element_type=jnp.float32)

    return pl.pallas_call(
        body,
        grid=(m // bm,),
        in_specs=[
            pl.BlockSpec((bm, k), lambda i: (i, 0)),
            pl.BlockSpec((k, n), lambda i: (0, 0)),
        ],
        out_specs=pl.BlockSpec((bm, n), lambda i: (i, 0)),
        out_shape=jax.ShapeDtypeStruct((m, n), jnp.float32),
    )(x, W)


def _tc_relu_add_matmul(p0, p1, W):
    m, k = p0.shape
    n = W.shape[1]
    bm = 1000

    def body(a_ref, b_ref, w_ref, o_ref):
        t = jnp.maximum(a_ref[...] + b_ref[...], 0.0)
        o_ref[...] = jnp.dot(t, w_ref[...], preferred_element_type=jnp.float32)

    return pl.pallas_call(
        body,
        grid=(m // bm,),
        in_specs=[
            pl.BlockSpec((bm, k), lambda i: (i, 0)),
            pl.BlockSpec((bm, k), lambda i: (i, 0)),
            pl.BlockSpec((k, n), lambda i: (0, 0)),
        ],
        out_specs=pl.BlockSpec((bm, n), lambda i: (i, 0)),
        out_shape=jax.ShapeDtypeStruct((m, n), jnp.float32),
    )(p0, p1, W)


def _tc_add(a, b):
    m, n = a.shape

    def body(a_ref, b_ref, o_ref):
        o_ref[...] = a_ref[...] + b_ref[...]

    return pl.pallas_call(
        body,
        out_shape=jax.ShapeDtypeStruct((m, n), jnp.float32),
    )(a, b)


def kernel(x, edge_index, W1, W2):
    ei = edge_index.astype(jnp.int32)
    src = ei[0].reshape(NUM_TILES, N_CHUNKS, CHUNK)
    dst = ei[1].reshape(NUM_TILES, N_CHUNKS, CHUNK)
    h1 = _tc_matmul(x, W1)
    p = _sc_aggregate(h1, src, dst, 128)
    h2 = _tc_relu_add_matmul(p[0], p[1], W2)
    q = _sc_aggregate(h2, src, dst, 64)
    return _tc_add(q[0], q[1])

# --- scband reference (transcript-rebuilt; emitter-appended) ---
"""Pipeline reference for scband-gcn-90993177133179 (READ-ONLY COPY).

The authoritative reference and input builder live on the scoring server;
editing this copy changes nothing except your own understanding.
"""

import jax, jax.numpy as jnp
import numpy as np

N_NODES = 10000
N_EDGES = 320000
NFEAT = 128
NHID = 128
NCLASS = 64


def setup_inputs(seed: int = 0) -> dict:
    key = jax.random.key(seed)
    k1, k2, k3, k4 = jax.random.split(key, 4)
    x = jax.random.normal(k1, (N_NODES, NFEAT), dtype=jnp.float32)
    edge_index = jax.random.randint(k2, (2, N_EDGES), 0, N_NODES, dtype=jnp.int64)
    # GCNConv linear weights (bias=False). torch_geometric stores lin.weight as [out, in];
    # we keep [in, out] and matmul directly. Glorot-style init.
    W1 = jax.random.normal(k3, (NFEAT, NHID), dtype=jnp.float32) * (1.0 / np.sqrt(NFEAT))
    W2 = jax.random.normal(k4, (NHID, NCLASS), dtype=jnp.float32) * (1.0 / np.sqrt(NHID))
    return {"x": x, "edge_index": edge_index, "W1": W1, "W2": W2}


def _gcn_conv(x, edge_index, W):
    # GCNConv with normalize=False, add_self_loops=False, bias=False:
    # h = x @ W; out[dst] = sum over incoming edges of h[src]
    h = x @ W
    src = edge_index[0]
    dst = edge_index[1]
    msgs = jnp.take(h, src, axis=0)
    out = jnp.zeros((x.shape[0], W.shape[1]), dtype=h.dtype).at[dst].add(msgs)
    return out


def reference(x, edge_index, W1, W2):
    h = _gcn_conv(x, edge_index, W1)
    h = jax.nn.relu(h)
    # dropout is identity in eval mode (training=False)
    out = _gcn_conv(h, edge_index, W2)
    return out

if __name__ == "__main__":
    import jax
    _d = setup_inputs()
    print(jax.jit(kernel)(*tuple(_d.values())))

</pallas_src>

<mosaic_0001>
#map = affine_map<(d0, d1) -> (0, 0)>
#map1 = affine_map<(d0, d1) -> (0, 0, 0)>
module attributes {stable_mosaic.version = 14 : i64} {
  func.func @agg(%arg0: i32, %arg1: i32, %arg2: memref<10000x64xf32, #tpu.memory_space<hbm>>, %arg3: memref<32x100x100xi32, #tpu.memory_space<hbm>>, %arg4: memref<32x100x100xi32, #tpu.memory_space<hbm>>, %arg5: memref<2x10000x64xf32, #tpu.memory_space<hbm>>, %arg6: memref<50x100xi32, #tpu.memory_space<vmem>>, %arg7: memref<50x100xi32, #tpu.memory_space<vmem>>, %arg8: memref<100x64xf32, #tpu.memory_space<vmem>>, %arg9: memref<100x64xf32, #tpu.memory_space<vmem>>, %arg10: memref<100x64xf32, #tpu.memory_space<vmem>>, %arg11: memref<100x64xf32, #tpu.memory_space<vmem>>, %arg12: memref<100x64xf32, #tpu.memory_space<vmem>>, %arg13: memref<100x64xf32, #tpu.memory_space<vmem>>, %arg14: memref<10000x64xf32, #tpu.memory_space<vmem_shared>>, %arg15: memref<!tpu.dma_semaphore, #tpu.memory_space<semaphore_mem>>, %arg16: memref<!tpu.dma_semaphore, #tpu.memory_space<semaphore_mem>>, %arg17: memref<!tpu.dma_semaphore, #tpu.memory_space<semaphore_mem>>, %arg18: memref<!tpu.dma_semaphore, #tpu.memory_space<semaphore_mem>>, %arg19: memref<!tpu.dma_semaphore, #tpu.memory_space<semaphore_mem>>, %arg20: memref<!tpu.dma_semaphore, #tpu.memory_space<semaphore_mem>>) attributes {dimension_semantics = [#tpu.dimension_semantics<core_parallel>, #tpu.dimension_semantics<subcore_parallel>], iteration_bounds = array<i64: 2, 16>, scalar_prefetch = 0 : i64, scratch_operands = 15 : i64, tpu.core_type = #tpu.core_type<sc_vector_subcore>, window_params = [{transform_indices = #map}, {transform_indices = #map1}, {transform_indices = #map1}, {transform_indices = #map1}]} {
    %mul3A = arith.constant 2 : i32
    %mul3A_0 = arith.muli %arg1, %mul3A : i32
    %add3A = arith.addi %mul3A_0, %arg0 : i32
    %dma_start3A = arith.constant 0 : i32
    %dma_start3A_1 = arith.constant 0 : i32
    %dma_start3A_2 = tpu.memref_slice %arg3[%add3A, %dma_start3A, %dma_start3A_1] : memref<32x100x100xi32, #tpu.memory_space<hbm>> -> memref<1x50x100xi32, #tpu.memory_space<hbm>>
    %dma_start3A_3 = tpu.memref_squeeze %dma_start3A_2 : memref<1x50x100xi32, #tpu.memory_space<hbm>> -> memref<50x100xi32, #tpu.memory_space<hbm>>
    %dma_start3A_4 = arith.constant 0 : i32
    %dma_start3A_5 = arith.constant 0 : i32
    %dma_start3A_6 = tpu.memref_slice %arg3[%add3A, %dma_start3A_4, %dma_start3A_5] : memref<32x100x100xi32, #tpu.memory_space<hbm>> -> memref<1x50x100xi32, #tpu.memory_space<hbm>>
    %dma_start3A_7 = tpu.memref_squeeze %dma_start3A_6 : memref<1x50x100xi32, #tpu.memory_space<hbm>> -> memref<50x100xi32, #tpu.memory_space<hbm>>
    tpu.enqueue_dma source(%dma_start3A_7 : memref<50x100xi32, #tpu.memory_space<hbm>>) target(%arg6 : memref<50x100xi32, #tpu.memory_space<vmem>>) target_semaphore(%arg15 : memref<!tpu.dma_semaphore, #tpu.memory_space<semaphore_mem>>)
    %dma_start3A_8 = arith.constant 0 : i32
    %dma_start3A_9 = arith.constant 0 : i32
    %dma_start3A_10 = tpu.memref_slice %arg4[%add3A, %dma_start3A_8, %dma_start3A_9] : memref<32x100x100xi32, #tpu.memory_space<hbm>> -> memref<1x50x100xi32, #tpu.memory_space<hbm>>
    %dma_start3A_11 = tpu.memref_squeeze %dma_start3A_10 : memref<1x50x100xi32, #tpu.memory_space<hbm>> -> memref<50x100xi32, #tpu.memory_space<hbm>>
    %dma_start3A_12 = arith.constant 0 : i32
    %dma_start3A_13 = arith.constant 0 : i32
    %dma_start3A_14 = tpu.memref_slice %arg4[%add3A, %dma_start3A_12, %dma_start3A_13] : memref<32x100x100xi32, #tpu.memory_space<hbm>> -> memref<1x50x100xi32, #tpu.memory_space<hbm>>
    %dma_start3A_15 = tpu.memref_squeeze %dma_start3A_14 : memref<1x50x100xi32, #tpu.memory_space<hbm>> -> memref<50x100xi32, #tpu.memory_space<hbm>>
    tpu.enqueue_dma source(%dma_start3A_15 : memref<50x100xi32, #tpu.memory_space<hbm>>) target(%arg7 : memref<50x100xi32, #tpu.memory_space<vmem>>) target_semaphore(%arg16 : memref<!tpu.dma_semaphore, #tpu.memory_space<semaphore_mem>>)
    %scan3A = arith.constant 0 : i32
    %scan3A_16 = arith.constant 100 : i32
    %scan3A_17 = arith.addi %scan3A, %scan3A_16 : i32
    %scan3A_18 = arith.constant 1 : i32
    scf.for %scan3A_148 = %scan3A to %scan3A_17 step %scan3A_18  : i32 {
      %mul3A_149 = arith.constant 1 : i32
      %mul3A_150 = arith.muli %scan3A_148, %mul3A_149 : i32
      %add3A_151 = arith.constant 0 : i32
      %add3A_152 = arith.addi %add3A_151, %mul3A_150 : i32
      %scan3A_153 = arith.constant 0 : i32
      %scan3A_154 = arith.constant 4 : i32
      %scan3A_155 = arith.addi %scan3A_153, %scan3A_154 : i32
      %scan3A_156 = arith.constant 1 : i32
      scf.for %scan3A_158 = %scan3A_153 to %scan3A_155 step %scan3A_156  : i32 {
        %mul3A_159 = arith.constant 16 : i32
        %mul3A_160 = arith.muli %scan3A_158, %mul3A_159 : i32
        %add3A_161 = arith.constant 0 : i32
        %add3A_162 = arith.addi %add3A_161, %mul3A_160 : i32
        %broadcast_in_dim3A = arith.constant 0.000000e+00 : f32
        %broadcast_in_dim3A_163 = vector.broadcast %broadcast_in_dim3A : f32 to vector<1x16xf32>
        %swap3A = arith.index_cast %add3A_152 : i32 to index
        %swap3A_164 = arith.index_cast %add3A_162 : i32 to index
        %swap3A_165 = tpu.vector_load %arg8[%swap3A, %swap3A_164] {strides = array<i32>} : memref<100x64xf32, #tpu.memory_space<vmem>>, vector<1x16xf32>,
        %swap3A_166 = vector.shape_cast %swap3A_165 : vector<1x16xf32> to vector<1x16xf32>
        %swap3A_167 = vector.shape_cast %broadcast_in_dim3A_163 : vector<1x16xf32> to vector<1x16xf32>
        tpu.vector_store %arg8[%swap3A, %swap3A_164], %swap3A_167 {strides = array<i32>} : memref<100x64xf32, #tpu.memory_space<vmem>>, vector<1x16xf32>,
      }
      %scan3A_157 = arith.constant 4 : i32
    }
    %scan3A_19 = arith.constant 100 : i32
    %mul3A_20 = arith.constant 625 : i32
    %mul3A_21 = arith.muli %arg1, %mul3A_20 : i32
    %scan3A_22 = arith.constant 0 : i32
    %scan3A_23 = arith.constant 6 : i32
    %scan3A_24 = arith.addi %scan3A_22, %scan3A_23 : i32
    %scan3A_25 = arith.constant 1 : i32
    scf.for %scan3A_148 = %scan3A_22 to %scan3A_24 step %scan3A_25  : i32 {
      %mul3A_149 = arith.constant 100 : i32
      %mul3A_150 = arith.muli %scan3A_148, %mul3A_149 : i32
      %add3A_151 = arith.constant 0 : i32
      %add3A_152 = arith.addi %add3A_151, %mul3A_150 : i32
      %add3A_153 = arith.addi %mul3A_21, %add3A_152 : i32
      "tpu.region"() ({
        %run_scoped3A = tpu.sem_alloc : memref<!tpu.dma_semaphore, #tpu.memory_space<semaphore_mem>>
        %dma_start3A_154 = arith.constant 0 : i32
        %dma_start3A_155 = tpu.memref_slice %arg14[%add3A_153, %dma_start3A_154] : memref<10000x64xf32, #tpu.memory_space<vmem_shared>> -> memref<100x64xf32, #tpu.memory_space<vmem_shared>>
        %dma_start3A_156 = arith.constant 0 : i32
        %dma_start3A_157 = tpu.memref_slice %arg14[%add3A_153, %dma_start3A_156] : memref<10000x64xf32, #tpu.memory_space<vmem_shared>> -> memref<100x64xf32, #tpu.memory_space<vmem_shared>>
        tpu.enqueue_dma source(%arg8 : memref<100x64xf32, #tpu.memory_space<vmem>>) target(%dma_start3A_157 : memref<100x64xf32, #tpu.memory_space<vmem_shared>>) target_semaphore(%run_scoped3A : memref<!tpu.dma_semaphore, #tpu.memory_space<semaphore_mem>>)
        %dma_wait3A_158 = arith.constant 0 : i32
        %dma_wait3A_159 = tpu.memref_slice %arg14[%add3A_153, %dma_wait3A_158] : memref<10000x64xf32, #tpu.memory_space<vmem_shared>> -> memref<100x64xf32, #tpu.memory_space<vmem_shared>>
        %dma_wait3A_160 = arith.constant 0 : i32
        %dma_wait3A_161 = tpu.memref_slice %arg14[%add3A_153, %dma_wait3A_160] : memref<10000x64xf32, #tpu.memory_space<vmem_shared>> -> memref<100x64xf32, #tpu.memory_space<vmem_shared>>
        tpu.wait_dma2 semaphore(%run_scoped3A : memref<!tpu.dma_semaphore, #tpu.memory_space<semaphore_mem>>) src(%arg8 : memref<100x64xf32, #tpu.memory_space<vmem>>) dst(%dma_wait3A_161 : memref<100x64xf32, #tpu.memory_space<vmem_shared>>)
        tpu.yield
      }) : () -> ()
    }
    %scan3A_26 = arith.constant 6 : i32
    %add3A_27 = arith.constant 625 : i32
    %add3A_28 = arith.addi %mul3A_21, %add3A_27 : i32
    %sub3A = arith.constant 25 : i32
    %sub3A_29 = arith.subi %add3A_28, %sub3A : i32
    "tpu.region"() ({
      %run_scoped3A = tpu.sem_alloc : memref<!tpu.dma_semaphore, #tpu.memory_space<semaphore_mem>>
      %dma_start3A_148 = arith.constant 0 : i32
      %dma_start3A_149 = arith.constant 0 : i32
      %dma_start3A_150 = tpu.memref_slice %arg8[%dma_start3A_148, %dma_start3A_149] : memref<100x64xf32, #tpu.memory_space<vmem>> -> memref<25x64xf32, #tpu.memory_space<vmem>>
      %dma_start3A_151 = arith.constant 0 : i32
      %dma_start3A_152 = tpu.memref_slice %arg14[%sub3A_29, %dma_start3A_151] : memref<10000x64xf32, #tpu.memory_space<vmem_shared>> -> memref<25x64xf32, #tpu.memory_space<vmem_shared>>
      %dma_start3A_153 = arith.constant 0 : i32
      %dma_start3A_154 = tpu.memref_slice %arg14[%sub3A_29, %dma_start3A_153] : memref<10000x64xf32, #tpu.memory_space<vmem_shared>> -> memref<25x64xf32, #tpu.memory_space<vmem_shared>>
      %dma_start3A_155 = arith.constant 0 : i32
      %dma_start3A_156 = arith.constant 0 : i32
      %dma_start3A_157 = tpu.memref_slice %arg8[%dma_start3A_155, %dma_start3A_156] : memref<100x64xf32, #tpu.memory_space<vmem>> -> memref<25x64xf32, #tpu.memory_space<vmem>>
      tpu.enqueue_dma source(%dma_start3A_157 : memref<25x64xf32, #tpu.memory_space<vmem>>) target(%dma_start3A_154 : memref<25x64xf32, #tpu.memory_space<vmem_shared>>) target_semaphore(%run_scoped3A : memref<!tpu.dma_semaphore, #tpu.memory_space<semaphore_mem>>)
      %dma_wait3A_158 = arith.constant 0 : i32
      %dma_wait3A_159 = arith.constant 0 : i32
      %dma_wait3A_160 = tpu.memref_slice %arg8[%dma_wait3A_158, %dma_wait3A_159] : memref<100x64xf32, #tpu.memory_space<vmem>> -> memref<25x64xf32, #tpu.memory_space<vmem>>
      %dma_wait3A_161 = arith.constant 0 : i32
      %dma_wait3A_162 = tpu.memref_slice %arg14[%sub3A_29, %dma_wait3A_161] : memref<10000x64xf32, #tpu.memory_space<vmem_shared>> -> memref<25x64xf32, #tpu.memory_space<vmem_shared>>
      %dma_wait3A_163 = arith.constant 0 : i32
      %dma_wait3A_164 = tpu.memref_slice %arg14[%sub3A_29, %dma_wait3A_163] : memref<10000x64xf32, #tpu.memory_space<vmem_shared>> -> memref<25x64xf32, #tpu.memory_space<vmem_shared>>
      %dma_wait3A_165 = arith.constant 0 : i32
      %dma_wait3A_166 = arith.constant 0 : i32
      %dma_wait3A_167 = tpu.memref_slice %arg8[%dma_wait3A_165, %dma_wait3A_166] : memref<100x64xf32, #tpu.memory_space<vmem>> -> memref<25x64xf32, #tpu.memory_space<vmem>>
      tpu.wait_dma2 semaphore(%run_scoped3A : memref<!tpu.dma_semaphore, #tpu.memory_space<semaphore_mem>>) src(%dma_wait3A_167 : memref<25x64xf32, #tpu.memory_space<vmem>>) dst(%dma_wait3A_164 : memref<25x64xf32, #tpu.memory_space<vmem_shared>>)
      tpu.yield
    }) : () -> ()
    %barrier3A = arith.constant 0 : index
    tpu.barrier barrier_id(%barrier3A)
    %dma_wait3A = arith.constant 0 : i32
    %dma_wait3A_30 = arith.constant 0 : i32
    %dma_wait3A_31 = tpu.memref_slice %arg3[%add3A, %dma_wait3A, %dma_wait3A_30] : memref<32x100x100xi32, #tpu.memory_space<hbm>> -> memref<1x50x100xi32, #tpu.memory_space<hbm>>
    %dma_wait3A_32 = tpu.memref_squeeze %dma_wait3A_31 : memref<1x50x100xi32, #tpu.memory_space<hbm>> -> memref<50x100xi32, #tpu.memory_space<hbm>>
    %dma_wait3A_33 = arith.constant 0 : i32
    %dma_wait3A_34 = arith.constant 0 : i32
    %dma_wait3A_35 = tpu.memref_slice %arg3[%add3A, %dma_wait3A_33, %dma_wait3A_34] : memref<32x100x100xi32, #tpu.memory_space<hbm>> -> memref<1x50x100xi32, #tpu.memory_space<hbm>>
    %dma_wait3A_36 = tpu.memref_squeeze %dma_wait3A_35 : memref<1x50x100xi32, #tpu.memory_space<hbm>> -> memref<50x100xi32, #tpu.memory_space<hbm>>
    tpu.wait_dma2 semaphore(%arg15 : memref<!tpu.dma_semaphore, #tpu.memory_space<semaphore_mem>>) src(%dma_wait3A_36 : memref<50x100xi32, #tpu.memory_space<hbm>>) dst(%arg6 : memref<50x100xi32, #tpu.memory_space<vmem>>)
    %dma_wait3A_37 = arith.constant 0 : i32
    %dma_wait3A_38 = arith.constant 0 : i32
    %dma_wait3A_39 = tpu.memref_slice %arg4[%add3A, %dma_wait3A_37, %dma_wait3A_38] : memref<32x100x100xi32, #tpu.memory_space<hbm>> -> memref<1x50x100xi32, #tpu.memory_space<hbm>>
    %dma_wait3A_40 = tpu.memref_squeeze %dma_wait3A_39 : memref<1x50x100xi32, #tpu.memory_space<hbm>> -> memref<50x100xi32, #tpu.memory_space<hbm>>
    %dma_wait3A_41 = arith.constant 0 : i32
    %dma_wait3A_42 = arith.constant 0 : i32
    %dma_wait3A_43 = tpu.memref_slice %arg4[%add3A, %dma_wait3A_41, %dma_wait3A_42] : memref<32x100x100xi32, #tpu.memory_space<hbm>> -> memref<1x50x100xi32, #tpu.memory_space<hbm>>
    %dma_wait3A_44 = tpu.memref_squeeze %dma_wait3A_43 : memref<1x50x100xi32, #tpu.memory_space<hbm>> -> memref<50x100xi32, #tpu.memory_space<hbm>>
    tpu.wait_dma2 semaphore(%arg16 : memref<!tpu.dma_semaphore, #tpu.memory_space<semaphore_mem>>) src(%dma_wait3A_44 : memref<50x100xi32, #tpu.memory_space<hbm>>) dst(%arg7 : memref<50x100xi32, #tpu.memory_space<vmem>>)
    %dma_start3A_45 = arith.constant 0 : i32
    %dma_start3A_46 = arith.constant 0 : i32
    %dma_start3A_47 = tpu.memref_slice %arg6[%dma_start3A_45, %dma_start3A_46] : memref<50x100xi32, #tpu.memory_space<vmem>> -> memref<1x100xi32, #tpu.memory_space<vmem>>
    %dma_start3A_48 = tpu.memref_squeeze %dma_start3A_47 : memref<1x100xi32, #tpu.memory_space<vmem>> -> memref<100xi32, #tpu.memory_space<vmem>>
    %dma_start3A_49 = arith.constant 0 : i32
    %dma_start3A_50 = arith.constant 0 : i32
    %dma_start3A_51 = tpu.memref_slice %arg2[%dma_start3A_49, %dma_start3A_50] : memref<10000x64xf32, #tpu.memory_space<hbm>> -> memref<10000x64xf32, #tpu.memory_space<hbm>>
    tpu.enqueue_indirect_dma source(%dma_start3A_51 : memref<10000x64xf32, #tpu.memory_space<hbm>>) target(%arg8 : memref<100x64xf32, #tpu.memory_space<vmem>>) offsets(%dma_start3A_48 : memref<100xi32, #tpu.memory_space<vmem>>) semaphore(%arg15 : memref<!tpu.dma_semaphore, #tpu.memory_space<semaphore_mem>>)
    %dma_start3A_52 = arith.constant 1 : i32
    %dma_start3A_53 = arith.constant 0 : i32
    %dma_start3A_54 = tpu.memref_slice %arg6[%dma_start3A_52, %dma_start3A_53] : memref<50x100xi32, #tpu.memory_space<vmem>> -> memref<1x100xi32, #tpu.memory_space<vmem>>
    %dma_start3A_55 = tpu.memref_squeeze %dma_start3A_54 : memref<1x100xi32, #tpu.memory_space<vmem>> -> memref<100xi32, #tpu.memory_space<vmem>>
    %dma_start3A_56 = arith.constant 0 : i32
    %dma_start3A_57 = arith.constant 0 : i32
    %dma_start3A_58 = tpu.memref_slice %arg2[%dma_start3A_56, %dma_start3A_57] : memref<10000x64xf32, #tpu.memory_space<hbm>> -> memref<10000x64xf32, #tpu.memory_space<hbm>>
    tpu.enqueue_indirect_dma source(%dma_start3A_58 : memref<10000x64xf32, #tpu.memory_space<hbm>>) target(%arg9 : memref<100x64xf32, #tpu.memory_space<vmem>>) offsets(%dma_start3A_55 : memref<100xi32, #tpu.memory_space<vmem>>) semaphore(%arg16 : memref<!tpu.dma_semaphore, #tpu.memory_space<semaphore_mem>>)
    %dma_start3A_59 = arith.constant 2 : i32
    %dma_start3A_60 = arith.constant 0 : i32
    %dma_start3A_61 = tpu.memref_slice %arg6[%dma_start3A_59, %dma_start3A_60] : memref<50x100xi32, #tpu.memory_space<vmem>> -> memref<1x100xi32, #tpu.memory_space<vmem>>
    %dma_start3A_62 = tpu.memref_squeeze %dma_start3A_61 : memref<1x100xi32, #tpu.memory_space<vmem>> -> memref<100xi32, #tpu.memory_space<vmem>>
    %dma_start3A_63 = arith.constant 0 : i32
    %dma_start3A_64 = arith.constant 0 : i32
    %dma_start3A_65 = tpu.memref_slice %arg2[%dma_start3A_63, %dma_start3A_64] : memref<10000x64xf32, #tpu.memory_space<hbm>> -> memref<10000x64xf32, #tpu.memory_space<hbm>>
    tpu.enqueue_indirect_dma source(%dma_start3A_65 : memref<10000x64xf32, #tpu.memory_space<hbm>>) target(%arg10 : memref<100x64xf32, #tpu.memory_space<vmem>>) offsets(%dma_start3A_62 : memref<100xi32, #tpu.memory_space<vmem>>) semaphore(%arg17 : memref<!tpu.dma_semaphore, #tpu.memory_space<semaphore_mem>>)
    %dma_start3A_66 = arith.constant 3 : i32
    %dma_start3A_67 = arith.constant 0 : i32
    %dma_start3A_68 = tpu.memref_slice %arg6[%dma_start3A_66, %dma_start3A_67] : memref<50x100xi32, #tpu.memory_space<vmem>> -> memref<1x100xi32, #tpu.memory_space<vmem>>
    %dma_start3A_69 = tpu.memref_squeeze %dma_start3A_68 : memref<1x100xi32, #tpu.memory_space<vmem>> -> memref<100xi32, #tpu.memory_space<vmem>>
    %dma_start3A_70 = arith.constant 0 : i32
    %dma_start3A_71 = arith.constant 0 : i32
    %dma_start3A_72 = tpu.memref_slice %arg2[%dma_start3A_70, %dma_start3A_71] : memref<10000x64xf32, #tpu.memory_space<hbm>> -> memref<10000x64xf32, #tpu.memory_space<hbm>>
    tpu.enqueue_indirect_dma source(%dma_start3A_72 : memref<10000x64xf32, #tpu.memory_space<hbm>>) target(%arg11 : memref<100x64xf32, #tpu.memory_space<vmem>>) offsets(%dma_start3A_69 : memref<100xi32, #tpu.memory_space<vmem>>) semaphore(%arg18 : memref<!tpu.dma_semaphore, #tpu.memory_space<semaphore_mem>>)
    %dma_start3A_73 = arith.constant 4 : i32
    %dma_start3A_74 = arith.constant 0 : i32
    %dma_start3A_75 = tpu.memref_slice %arg6[%dma_start3A_73, %dma_start3A_74] : memref<50x100xi32, #tpu.memory_space<vmem>> -> memref<1x100xi32, #tpu.memory_space<vmem>>
    %dma_start3A_76 = tpu.memref_squeeze %dma_start3A_75 : memref<1x100xi32, #tpu.memory_space<vmem>> -> memref<100xi32, #tpu.memory_space<vmem>>
    %dma_start3A_77 = arith.constant 0 : i32
    %dma_start3A_78 = arith.constant 0 : i32
    %dma_start3A_79 = tpu.memref_slice %arg2[%dma_start3A_77, %dma_start3A_78] : memref<10000x64xf32, #tpu.memory_space<hbm>> -> memref<10000x64xf32, #tpu.memory_space<hbm>>
    tpu.enqueue_indirect_dma source(%dma_start3A_79 : memref<10000x64xf32, #tpu.memory_space<hbm>>) target(%arg12 : memref<100x64xf32, #tpu.memory_space<vmem>>) offsets(%dma_start3A_76 : memref<100xi32, #tpu.memory_space<vmem>>) semaphore(%arg19 : memref<!tpu.dma_semaphore, #tpu.memory_space<semaphore_mem>>)
    %dma_start3A_80 = arith.constant 5 : i32
    %dma_start3A_81 = arith.constant 0 : i32
    %dma_start3A_82 = tpu.memref_slice %arg6[%dma_start3A_80, %dma_start3A_81] : memref<50x100xi32, #tpu.memory_space<vmem>> -> memref<1x100xi32, #tpu.memory_space<vmem>>
    %dma_start3A_83 = tpu.memref_squeeze %dma_start3A_82 : memref<1x100xi32, #tpu.memory_space<vmem>> -> memref<100xi32, #tpu.memory_space<vmem>>
    %dma_start3A_84 = arith.constant 0 : i32
    %dma_start3A_85 = arith.constant 0 : i32
    %dma_start3A_86 = tpu.memref_slice %arg2[%dma_start3A_84, %dma_start3A_85] : memref<10000x64xf32, #tpu.memory_space<hbm>> -> memref<10000x64xf32, #tpu.memory_space<hbm>>
    tpu.enqueue_indirect_dma source(%dma_start3A_86 : memref<10000x64xf32, #tpu.memory_space<hbm>>) target(%arg13 : memref<100x64xf32, #tpu.memory_space<vmem>>) offsets(%dma_start3A_83 : memref<100xi32, #tpu.memory_space<vmem>>) semaphore(%arg20 : memref<!tpu.dma_semaphore, #tpu.memory_space<semaphore_mem>>)
    %scan3A_87 = arith.constant 0 : i32
    %scan3A_88 = arith.constant 9 : i32
    %scan3A_89 = arith.addi %scan3A_87, %scan3A_88 : i32
    %scan3A_90 = arith.constant 1 : i32
    scf.for %scan3A_148 = %scan3A_87 to %scan3A_89 step %scan3A_90  : i32 {
      %mul3A_149 = arith.constant 6 : i32
      %mul3A_150 = arith.muli %scan3A_148, %mul3A_149 : i32
      %add3A_151 = arith.constant 0 : i32
      %add3A_152 = arith.addi %add3A_151, %mul3A_150 : i32
      %add3A_153 = arith.constant 0 : i32
      %add3A_154 = arith.addi %add3A_152, %add3A_153 : i32
      %lt3A_155 = arith.constant 50 : i32
      %lt3A_156 = arith.cmpi slt, %add3A_154, %lt3A_155 : i32
      %convert_element_type3A_157 = arith.extui %lt3A_156 : i1 to i32
      %cond3A_158 = arith.constant 0 : i32
      %cond3A_159 = arith.cmpi ne, %convert_element_type3A_157, %cond3A_158 : i32
      scf.if %cond3A_159 {
        %add3A_195 = arith.constant 0 : i32
        %add3A_196 = arith.addi %add3A_152, %add3A_195 : i32
        %dma_wait3A_197 = arith.constant 0 : i32
        %dma_wait3A_198 = tpu.memref_slice %arg6[%add3A_196, %dma_wait3A_197] : memref<50x100xi32, #tpu.memory_space<vmem>> -> memref<1x100xi32, #tpu.memory_space<vmem>>
        %dma_wait3A_199 = tpu.memref_squeeze %dma_wait3A_198 : memref<1x100xi32, #tpu.memory_space<vmem>> -> memref<100xi32, #tpu.memory_space<vmem>>
        %dma_wait3A_200 = arith.constant 0 : i32
        %dma_wait3A_201 = arith.constant 0 : i32
        %dma_wait3A_202 = tpu.memref_slice %arg2[%dma_wait3A_200, %dma_wait3A_201] : memref<10000x64xf32, #tpu.memory_space<hbm>> -> memref<10000x64xf32, #tpu.memory_space<hbm>>
        tpu.wait_indirect_dma semaphore(%arg15 : memref<!tpu.dma_semaphore, #tpu.memory_space<semaphore_mem>>) src(%dma_wait3A_202 : memref<10000x64xf32, #tpu.memory_space<hbm>>) dst(%arg8 : memref<100x64xf32, #tpu.memory_space<vmem>>)
        %add3A_203 = arith.constant 0 : i32
        %add3A_204 = arith.addi %add3A_152, %add3A_203 : i32
        "tpu.region"() ({
          %run_scoped3A = tpu.sem_alloc : memref<!tpu.dma_semaphore, #tpu.memory_space<semaphore_mem>>
          %dma_start3A_214 = arith.constant 0 : i32
          %dma_start3A_215 = tpu.memref_slice %arg7[%add3A_204, %dma_start3A_214] : memref<50x100xi32, #tpu.memory_space<vmem>> -> memref<1x100xi32, #tpu.memory_space<vmem>>
          %dma_start3A_216 = tpu.memref_squeeze %dma_start3A_215 : memref<1x100xi32, #tpu.memory_space<vmem>> -> memref<100xi32, #tpu.memory_space<vmem>>
          %dma_start3A_217 = arith.constant 0 : i32
          %dma_start3A_218 = arith.constant 0 : i32
          %dma_start3A_219 = tpu.memref_slice %arg14[%dma_start3A_217, %dma_start3A_218] : memref<10000x64xf32, #tpu.memory_space<vmem_shared>> -> memref<10000x64xf32, #tpu.memory_space<vmem_shared>>
          tpu.enqueue_indirect_dma source(%arg8 : memref<100x64xf32, #tpu.memory_space<vmem>>) target(%dma_start3A_219 : memref<10000x64xf32, #tpu.memory_space<vmem_shared>>) offsets(%dma_start3A_216 : memref<100xi32, #tpu.memory_space<vmem>>) semaphore(%run_scoped3A : memref<!tpu.dma_semaphore, #tpu.memory_space<semaphore_mem>>) {add = true}
          %dma_wait3A_220 = arith.constant 0 : i32
          %dma_wait3A_221 = tpu.memref_slice %arg7[%add3A_204, %dma_wait3A_220] : memref<50x100xi32, #tpu.memory_space<vmem>> -> memref<1x100xi32, #tpu.memory_space<vmem>>
          %dma_wait3A_222 = tpu.memref_squeeze %dma_wait3A_221 : memref<1x100xi32, #tpu.memory_space<vmem>> -> memref<100xi32, #tpu.memory_space<vmem>>
          %dma_wait3A_223 = arith.constant 0 : i32
          %dma_wait3A_224 = arith.constant 0 : i32
          %dma_wait3A_225 = tpu.memref_slice %arg14[%dma_wait3A_223, %dma_wait3A_224] : memref<10000x64xf32, #tpu.memory_space<vmem_shared>> -> memref<10000x64xf32, #tpu.memory_space<vmem_shared>>
          tpu.wait_indirect_dma semaphore(%run_scoped3A : memref<!tpu.dma_semaphore, #tpu.memory_space<semaphore_mem>>) src(%arg8 : memref<100x64xf32, #tpu.memory_space<vmem>>) dst(%dma_wait3A_225 : memref<10000x64xf32, #tpu.memory_space<vmem_shared>>)
          tpu.yield
        }) : () -> ()
        %add3A_205 = arith.constant 0 : i32
        %add3A_206 = arith.addi %add3A_152, %add3A_205 : i32
        %add3A_207 = arith.constant 6 : i32
        %add3A_208 = arith.addi %add3A_206, %add3A_207 : i32
        %lt3A_209 = arith.constant 50 : i32
        %lt3A_210 = arith.cmpi slt, %add3A_208, %lt3A_209 : i32
        %convert_element_type3A_211 = arith.extui %lt3A_210 : i1 to i32
        %cond3A_212 = arith.constant 0 : i32
        %cond3A_213 = arith.cmpi ne, %convert_element_type3A_211, %cond3A_212 : i32
        scf.if %cond3A_213 {
          %add3A_214 = arith.constant 0 : i32
          %add3A_215 = arith.addi %add3A_152, %add3A_214 : i32
          %add3A_216 = arith.constant 6 : i32
          %add3A_217 = arith.addi %add3A_215, %add3A_216 : i32
          %dma_start3A_218 = arith.constant 0 : i32
          %dma_start3A_219 = tpu.memref_slice %arg6[%add3A_217, %dma_start3A_218] : memref<50x100xi32, #tpu.memory_space<vmem>> -> memref<1x100xi32, #tpu.memory_space<vmem>>
          %dma_start3A_220 = tpu.memref_squeeze %dma_start3A_219 : memref<1x100xi32, #tpu.memory_space<vmem>> -> memref<100xi32, #tpu.memory_space<vmem>>
          %dma_start3A_221 = arith.constant 0 : i32
          %dma_start3A_222 = arith.constant 0 : i32
          %dma_start3A_223 = tpu.memref_slice %arg2[%dma_start3A_221, %dma_start3A_222] : memref<10000x64xf32, #tpu.memory_space<hbm>> -> memref<10000x64xf32, #tpu.memory_space<hbm>>
          tpu.enqueue_indirect_dma source(%dma_start3A_223 : memref<10000x64xf32, #tpu.memory_space<hbm>>) target(%arg8 : memref<100x64xf32, #tpu.memory_space<vmem>>) offsets(%dma_start3A_220 : memref<100xi32, #tpu.memory_space<vmem>>) semaphore(%arg15 : memref<!tpu.dma_semaphore, #tpu.memory_space<semaphore_mem>>)
        } else {
        }
      } else {
      }
      %add3A_160 = arith.constant 1 : i32
      %add3A_161 = arith.addi %add3A_152, %add3A_160 : i32
      %lt3A_162 = arith.constant 50 : i32
      %lt3A_163 = arith.cmpi slt, %add3A_161, %lt3A_162 : i32
      %convert_element_type3A_164 = arith.extui %lt3A_163 : i1 to i32
      %cond3A_165 = arith.constant 0 : i32
      %cond3A_166 = arith.cmpi ne, %convert_element_type3A_164, %cond3A_165 : i32
      scf.if %cond3A_166 {
        %add3A_195 = arith.constant 1 : i32
        %add3A_196 = arith.addi %add3A_152, %add3A_195 : i32
        %dma_wait3A_197 = arith.constant 0 : i32
        %dma_wait3A_198 = tpu.memref_slice %arg6[%add3A_196, %dma_wait3A_197] : memref<50x100xi32, #tpu.memory_space<vmem>> -> memref<1x100xi32, #tpu.memory_space<vmem>>
        %dma_wait3A_199 = tpu.memref_squeeze %dma_wait3A_198 : memref<1x100xi32, #tpu.memory_space<vmem>> -> memref<100xi32, #tpu.memory_space<vmem>>
        %dma_wait3A_200 = arith.constant 0 : i32
        %dma_wait3A_201 = arith.constant 0 : i32
        %dma_wait3A_202 = tpu.memref_slice %arg2[%dma_wait3A_200, %dma_wait3A_201] : memref<10000x64xf32, #tpu.memory_space<hbm>> -> memref<10000x64xf32, #tpu.memory_space<hbm>>
        tpu.wait_indirect_dma semaphore(%arg16 : memref<!tpu.dma_semaphore, #tpu.memory_space<semaphore_mem>>) src(%dma_wait3A_202 : memref<10000x64xf32, #tpu.memory_space<hbm>>) dst(%arg9 : memref<100x64xf32, #tpu.memory_space<vmem>>)
        %add3A_203 = arith.constant 1 : i32
        %add3A_204 = arith.addi %add3A_152, %add3A_203 : i32
        "tpu.region"() ({
          %run_scoped3A = tpu.sem_alloc : memref<!tpu.dma_semaphore, #tpu.memory_space<semaphore_mem>>
          %dma_start3A_214 = arith.constant 0 : i32
          %dma_start3A_215 = tpu.memref_slice %arg7[%add3A_204, %dma_start3A_214] : memref<50x100xi32, #tpu.memory_space<vmem>> -> memref<1x100xi32, #tpu.memory_space<vmem>>
          %dma_start3A_216 = tpu.memref_squeeze %dma_start3A_215 : memref<1x100xi32, #tpu.memory_space<vmem>> -> memref<100xi32, #tpu.memory_space<vmem>>
          %dma_start3A_217 = arith.constant 0 : i32
          %dma_start3A_218 = arith.constant 0 : i32
          %dma_start3A_219 = tpu.memref_slice %arg14[%dma_start3A_217, %dma_start3A_218] : memref<10000x64xf32, #tpu.memory_space<vmem_shared>> -> memref<10000x64xf32, #tpu.memory_space<vmem_shared>>
          tpu.enqueue_indirect_dma source(%arg9 : memref<100x64xf32, #tpu.memory_space<vmem>>) target(%dma_start3A_219 : memref<10000x64xf32, #tpu.memory_space<vmem_shared>>) offsets(%dma_start3A_216 : memref<100xi32, #tpu.memory_space<vmem>>) semaphore(%run_scoped3A : memref<!tpu.dma_semaphore, #tpu.memory_space<semaphore_mem>>) {add = true}
          %dma_wait3A_220 = arith.constant 0 : i32
          %dma_wait3A_221 = tpu.memref_slice %arg7[%add3A_204, %dma_wait3A_220] : memref<50x100xi32, #tpu.memory_space<vmem>> -> memref<1x100xi32, #tpu.memory_space<vmem>>
          %dma_wait3A_222 = tpu.memref_squeeze %dma_wait3A_221 : memref<1x100xi32, #tpu.memory_space<vmem>> -> memref<100xi32, #tpu.memory_space<vmem>>
          %dma_wait3A_223 = arith.constant 0 : i32
          %dma_wait3A_224 = arith.constant 0 : i32
          %dma_wait3A_225 = tpu.memref_slice %arg14[%dma_wait3A_223, %dma_wait3A_224] : memref<10000x64xf32, #tpu.memory_space<vmem_shared>> -> memref<10000x64xf32, #tpu.memory_space<vmem_shared>>
          tpu.wait_indirect_dma semaphore(%run_scoped3A : memref<!tpu.dma_semaphore, #tpu.memory_space<semaphore_mem>>) src(%arg9 : memref<100x64xf32, #tpu.memory_space<vmem>>) dst(%dma_wait3A_225 : memref<10000x64xf32, #tpu.memory_space<vmem_shared>>)
          tpu.yield
        }) : () -> ()
        %add3A_205 = arith.constant 1 : i32
        %add3A_206 = arith.addi %add3A_152, %add3A_205 : i32
        %add3A_207 = arith.constant 6 : i32
        %add3A_208 = arith.addi %add3A_206, %add3A_207 : i32
        %lt3A_209 = arith.constant 50 : i32
        %lt3A_210 = arith.cmpi slt, %add3A_208, %lt3A_209 : i32
        %convert_element_type3A_211 = arith.extui %lt3A_210 : i1 to i32
        %cond3A_212 = arith.constant 0 : i32
        %cond3A_213 = arith.cmpi ne, %convert_element_type3A_211, %cond3A_212 : i32
        scf.if %cond3A_213 {
          %add3A_214 = arith.constant 1 : i32
          %add3A_215 = arith.addi %add3A_152, %add3A_214 : i32
          %add3A_216 = arith.constant 6 : i32
          %add3A_217 = arith.addi %add3A_215, %add3A_216 : i32
          %dma_start3A_218 = arith.constant 0 : i32
          %dma_start3A_219 = tpu.memref_slice %arg6[%add3A_217, %dma_start3A_218] : memref<50x100xi32, #tpu.memory_space<vmem>> -> memref<1x100xi32, #tpu.memory_space<vmem>>
          %dma_start3A_220 = tpu.memref_squeeze %dma_start3A_219 : memref<1x100xi32, #tpu.memory_space<vmem>> -> memref<100xi32, #tpu.memory_space<vmem>>
          %dma_start3A_221 = arith.constant 0 : i32
          %dma_start3A_222 = arith.constant 0 : i32
          %dma_start3A_223 = tpu.memref_slice %arg2[%dma_start3A_221, %dma_start3A_222] : memref<10000x64xf32, #tpu.memory_space<hbm>> -> memref<10000x64xf32, #tpu.memory_space<hbm>>
          tpu.enqueue_indirect_dma source(%dma_start3A_223 : memref<10000x64xf32, #tpu.memory_space<hbm>>) target(%arg9 : memref<100x64xf32, #tpu.memory_space<vmem>>) offsets(%dma_start3A_220 : memref<100xi32, #tpu.memory_space<vmem>>) semaphore(%arg16 : memref<!tpu.dma_semaphore, #tpu.memory_space<semaphore_mem>>)
        } else {
        }
      } else {
      }
      %add3A_167 = arith.constant 2 : i32
      %add3A_168 = arith.addi %add3A_152, %add3A_167 : i32
      %lt3A_169 = arith.constant 50 : i32
      %lt3A_170 = arith.cmpi slt, %add3A_168, %lt3A_169 : i32
      %convert_element_type3A_171 = arith.extui %lt3A_170 : i1 to i32
      %cond3A_172 = arith.constant 0 : i32
      %cond3A_173 = arith.cmpi ne, %convert_element_type3A_171, %cond3A_172 : i32
      scf.if %cond3A_173 {
        %add3A_195 = arith.constant 2 : i32
        %add3A_196 = arith.addi %add3A_152, %add3A_195 : i32
        %dma_wait3A_197 = arith.constant 0 : i32
        %dma_wait3A_198 = tpu.memref_slice %arg6[%add3A_196, %dma_wait3A_197] : memref<50x100xi32, #tpu.memory_space<vmem>> -> memref<1x100xi32, #tpu.memory_space<vmem>>
        %dma_wait3A_199 = tpu.memref_squeeze %dma_wait3A_198 : memref<1x100xi32, #tpu.memory_space<vmem>> -> memref<100xi32, #tpu.memory_space<vmem>>
        %dma_wait3A_200 = arith.constant 0 : i32
        %dma_wait3A_201 = arith.constant 0 : i32
        %dma_wait3A_202 = tpu.memref_slice %arg2[%dma_wait3A_200, %dma_wait3A_201] : memref<10000x64xf32, #tpu.memory_space<hbm>> -> memref<10000x64xf32, #tpu.memory_space<hbm>>
        tpu.wait_indirect_dma semaphore(%arg17 : memref<!tpu.dma_semaphore, #tpu.memory_space<semaphore_mem>>) src(%dma_wait3A_202 : memref<10000x64xf32, #tpu.memory_space<hbm>>) dst(%arg10 : memref<100x64xf32, #tpu.memory_space<vmem>>)
        %add3A_203 = arith.constant 2 : i32
        %add3A_204 = arith.addi %add3A_152, %add3A_203 : i32
        "tpu.region"() ({
          %run_scoped3A = tpu.sem_alloc : memref<!tpu.dma_semaphore, #tpu.memory_space<semaphore_mem>>
          %dma_start3A_214 = arith.constant 0 : i32
          %dma_start3A_215 = tpu.memref_slice %arg7[%add3A_204, %dma_start3A_214] : memref<50x100xi32, #tpu.memory_space<vmem>> -> memref<1x100xi32, #tpu.memory_space<vmem>>
          %dma_start3A_216 = tpu.memref_squeeze %dma_start3A_215 : memref<1x100xi32, #tpu.memory_space<vmem>> -> memref<100xi32, #tpu.memory_space<vmem>>
          %dma_start3A_217 = arith.constant 0 : i32
          %dma_start3A_218 = arith.constant 0 : i32
          %dma_start3A_219 = tpu.memref_slice %arg14[%dma_start3A_217, %dma_start3A_218] : memref<10000x64xf32, #tpu.memory_space<vmem_shared>> -> memref<10000x64xf32, #tpu.memory_space<vmem_shared>>
          tpu.enqueue_indirect_dma source(%arg10 : memref<100x64xf32, #tpu.memory_space<vmem>>) target(%dma_start3A_219 : memref<10000x64xf32, #tpu.memory_space<vmem_shared>>) offsets(%dma_start3A_216 : memref<100xi32, #tpu.memory_space<vmem>>) semaphore(%run_scoped3A : memref<!tpu.dma_semaphore, #tpu.memory_space<semaphore_mem>>) {add = true}
          %dma_wait3A_220 = arith.constant 0 : i32
          %dma_wait3A_221 = tpu.memref_slice %arg7[%add3A_204, %dma_wait3A_220] : memref<50x100xi32, #tpu.memory_space<vmem>> -> memref<1x100xi32, #tpu.memory_space<vmem>>
          %dma_wait3A_222 = tpu.memref_squeeze %dma_wait3A_221 : memref<1x100xi32, #tpu.memory_space<vmem>> -> memref<100xi32, #tpu.memory_space<vmem>>
          %dma_wait3A_223 = arith.constant 0 : i32
          %dma_wait3A_224 = arith.constant 0 : i32
          %dma_wait3A_225 = tpu.memref_slice %arg14[%dma_wait3A_223, %dma_wait3A_224] : memref<10000x64xf32, #tpu.memory_space<vmem_shared>> -> memref<10000x64xf32, #tpu.memory_space<vmem_shared>>
          tpu.wait_indirect_dma semaphore(%run_scoped3A : memref<!tpu.dma_semaphore, #tpu.memory_space<semaphore_mem>>) src(%arg10 : memref<100x64xf32, #tpu.memory_space<vmem>>) dst(%dma_wait3A_225 : memref<10000x64xf32, #tpu.memory_space<vmem_shared>>)
          tpu.yield
        }) : () -> ()
        %add3A_205 = arith.constant 2 : i32
        %add3A_206 = arith.addi %add3A_152, %add3A_205 : i32
        %add3A_207 = arith.constant 6 : i32
        %add3A_208 = arith.addi %add3A_206, %add3A_207 : i32
        %lt3A_209 = arith.constant 50 : i32
        %lt3A_210 = arith.cmpi slt, %add3A_208, %lt3A_209 : i32
        %convert_element_type3A_211 = arith.extui %lt3A_210 : i1 to i32
        %cond3A_212 = arith.constant 0 : i32
        %cond3A_213 = arith.cmpi ne, %convert_element_type3A_211, %cond3A_212 : i32
        scf.if %cond3A_213 {
          %add3A_214 = arith.constant 2 : i32
          %add3A_215 = arith.addi %add3A_152, %add3A_214 : i32
          %add3A_216 = arith.constant 6 : i32
          %add3A_217 = arith.addi %add3A_215, %add3A_216 : i32
          %dma_start3A_218 = arith.constant 0 : i32
          %dma_start3A_219 = tpu.memref_slice %arg6[%add3A_217, %dma_start3A_218] : memref<50x100xi32, #tpu.memory_space<vmem>> -> memref<1x100xi32, #tpu.memory_space<vmem>>
          %dma_start3A_220 = tpu.memref_squeeze %dma_start3A_219 : memref<1x100xi32, #tpu.memory_space<vmem>> -> memref<100xi32, #tpu.memory_space<vmem>>
          %dma_start3A_221 = arith.constant 0 : i32
          %dma_start3A_222 = arith.constant 0 : i32
          %dma_start3A_223 = tpu.memref_slice %arg2[%dma_start3A_221, %dma_start3A_222] : memref<10000x64xf32, #tpu.memory_space<hbm>> -> memref<10000x64xf32, #tpu.memory_space<hbm>>
          tpu.enqueue_indirect_dma source(%dma_start3A_223 : memref<10000x64xf32, #tpu.memory_space<hbm>>) target(%arg10 : memref<100x64xf32, #tpu.memory_space<vmem>>) offsets(%dma_start3A_220 : memref<100xi32, #tpu.memory_space<vmem>>) semaphore(%arg17 : memref<!tpu.dma_semaphore, #tpu.memory_space<semaphore_mem>>)
        } else {
        }
      } else {
      }
      %add3A_174 = arith.constant 3 : i32
      %add3A_175 = arith.addi %add3A_152, %add3A_174 : i32
      %lt3A_176 = arith.constant 50 : i32
      %lt3A_177 = arith.cmpi slt, %add3A_175, %lt3A_176 : i32
      %convert_element_type3A_178 = arith.extui %lt3A_177 : i1 to i32
      %cond3A_179 = arith.constant 0 : i32
      %cond3A_180 = arith.cmpi ne, %convert_element_type3A_178, %cond3A_179 : i32
      scf.if %cond3A_180 {
        %add3A_195 = arith.constant 3 : i32
        %add3A_196 = arith.addi %add3A_152, %add3A_195 : i32
        %dma_wait3A_197 = arith.constant 0 : i32
        %dma_wait3A_198 = tpu.memref_slice %arg6[%add3A_196, %dma_wait3A_197] : memref<50x100xi32, #tpu.memory_space<vmem>> -> memref<1x100xi32, #tpu.memory_space<vmem>>
        %dma_wait3A_199 = tpu.memref_squeeze %dma_wait3A_198 : memref<1x100xi32, #tpu.memory_space<vmem>> -> memref<100xi32, #tpu.memory_space<vmem>>
        %dma_wait3A_200 = arith.constant 0 : i32
        %dma_wait3A_201 = arith.constant 0 : i32
        %dma_wait3A_202 = tpu.memref_slice %arg2[%dma_wait3A_200, %dma_wait3A_201] : memref<10000x64xf32, #tpu.memory_space<hbm>> -> memref<10000x64xf32, #tpu.memory_space<hbm>>
        tpu.wait_indirect_dma semaphore(%arg18 : memref<!tpu.dma_semaphore, #tpu.memory_space<semaphore_mem>>) src(%dma_wait3A_202 : memref<10000x64xf32, #tpu.memory_space<hbm>>) dst(%arg11 : memref<100x64xf32, #tpu.memory_space<vmem>>)
        %add3A_203 = arith.constant 3 : i32
        %add3A_204 = arith.addi %add3A_152, %add3A_203 : i32
        "tpu.region"() ({
          %run_scoped3A = tpu.sem_alloc : memref<!tpu.dma_semaphore, #tpu.memory_space<semaphore_mem>>
          %dma_start3A_214 = arith.constant 0 : i32
          %dma_start3A_215 = tpu.memref_slice %arg7[%add3A_204, %dma_start3A_214] : memref<50x100xi32, #tpu.memory_space<vmem>> -> memref<1x100xi32, #tpu.memory_space<vmem>>
          %dma_start3A_216 = tpu.memref_squeeze %dma_start3A_215 : memref<1x100xi32, #tpu.memory_space<vmem>> -> memref<100xi32, #tpu.memory_space<vmem>>
          %dma_start3A_217 = arith.constant 0 : i32
          %dma_start3A_218 = arith.constant 0 : i32
          %dma_start3A_219 = tpu.memref_slice %arg14[%dma_start3A_217, %dma_start3A_218] : memref<10000x64xf32, #tpu.memory_space<vmem_shared>> -> memref<10000x64xf32, #tpu.memory_space<vmem_shared>>
          tpu.enqueue_indirect_dma source(%arg11 : memref<100x64xf32, #tpu.memory_space<vmem>>) target(%dma_start3A_219 : memref<10000x64xf32, #tpu.memory_space<vmem_shared>>) offsets(%dma_start3A_216 : memref<100xi32, #tpu.memory_space<vmem>>) semaphore(%run_scoped3A : memref<!tpu.dma_semaphore, #tpu.memory_space<semaphore_mem>>) {add = true}
          %dma_wait3A_220 = arith.constant 0 : i32
          %dma_wait3A_221 = tpu.memref_slice %arg7[%add3A_204, %dma_wait3A_220] : memref<50x100xi32, #tpu.memory_space<vmem>> -> memref<1x100xi32, #tpu.memory_space<vmem>>
          %dma_wait3A_222 = tpu.memref_squeeze %dma_wait3A_221 : memref<1x100xi32, #tpu.memory_space<vmem>> -> memref<100xi32, #tpu.memory_space<vmem>>
          %dma_wait3A_223 = arith.constant 0 : i32
          %dma_wait3A_224 = arith.constant 0 : i32
          %dma_wait3A_225 = tpu.memref_slice %arg14[%dma_wait3A_223, %dma_wait3A_224] : memref<10000x64xf32, #tpu.memory_space<vmem_shared>> -> memref<10000x64xf32, #tpu.memory_space<vmem_shared>>
          tpu.wait_indirect_dma semaphore(%run_scoped3A : memref<!tpu.dma_semaphore, #tpu.memory_space<semaphore_mem>>) src(%arg11 : memref<100x64xf32, #tpu.memory_space<vmem>>) dst(%dma_wait3A_225 : memref<10000x64xf32, #tpu.memory_space<vmem_shared>>)
          tpu.yield
        }) : () -> ()
        %add3A_205 = arith.constant 3 : i32
        %add3A_206 = arith.addi %add3A_152, %add3A_205 : i32
        %add3A_207 = arith.constant 6 : i32
        %add3A_208 = arith.addi %add3A_206, %add3A_207 : i32
        %lt3A_209 = arith.constant 50 : i32
        %lt3A_210 = arith.cmpi slt, %add3A_208, %lt3A_209 : i32
        %convert_element_type3A_211 = arith.extui %lt3A_210 : i1 to i32
        %cond3A_212 = arith.constant 0 : i32
        %cond3A_213 = arith.cmpi ne, %convert_element_type3A_211, %cond3A_212 : i32
        scf.if %cond3A_213 {
          %add3A_214 = arith.constant 3 : i32
          %add3A_215 = arith.addi %add3A_152, %add3A_214 : i32
          %add3A_216 = arith.constant 6 : i32
          %add3A_217 = arith.addi %add3A_215, %add3A_216 : i32
          %dma_start3A_218 = arith.constant 0 : i32
          %dma_start3A_219 = tpu.memref_slice %arg6[%add3A_217, %dma_start3A_218] : memref<50x100xi32, #tpu.memory_space<vmem>> -> memref<1x100xi32, #tpu.memory_space<vmem>>
          %dma_start3A_220 = tpu.memref_squeeze %dma_start3A_219 : memref<1x100xi32, #tpu.memory_space<vmem>> -> memref<100xi32, #tpu.memory_space<vmem>>
          %dma_start3A_221 = arith.constant 0 : i32
          %dma_start3A_222 = arith.constant 0 : i32
          %dma_start3A_223 = tpu.memref_slice %arg2[%dma_start3A_221, %dma_start3A_222] : memref<10000x64xf32, #tpu.memory_space<hbm>> -> memref<10000x64xf32, #tpu.memory_space<hbm>>
          tpu.enqueue_indirect_dma source(%dma_start3A_223 : memref<10000x64xf32, #tpu.memory_space<hbm>>) target(%arg11 : memref<100x64xf32, #tpu.memory_space<vmem>>) offsets(%dma_start3A_220 : memref<100xi32, #tpu.memory_space<vmem>>) semaphore(%arg18 : memref<!tpu.dma_semaphore, #tpu.memory_space<semaphore_mem>>)
        } else {
        }
      } else {
      }
      %add3A_181 = arith.constant 4 : i32
      %add3A_182 = arith.addi %add3A_152, %add3A_181 : i32
      %lt3A_183 = arith.constant 50 : i32
      %lt3A_184 = arith.cmpi slt, %add3A_182, %lt3A_183 : i32
      %convert_element_type3A_185 = arith.extui %lt3A_184 : i1 to i32
      %cond3A_186 = arith.constant 0 : i32
      %cond3A_187 = arith.cmpi ne, %convert_element_type3A_185, %cond3A_186 : i32
      scf.if %cond3A_187 {
        %add3A_195 = arith.constant 4 : i32
        %add3A_196 = arith.addi %add3A_152, %add3A_195 : i32
        %dma_wait3A_197 = arith.constant 0 : i32
        %dma_wait3A_198 = tpu.memref_slice %arg6[%add3A_196, %dma_wait3A_197] : memref<50x100xi32, #tpu.memory_space<vmem>> -> memref<1x100xi32, #tpu.memory_space<vmem>>
        %dma_wait3A_199 = tpu.memref_squeeze %dma_wait3A_198 : memref<1x100xi32, #tpu.memory_space<vmem>> -> memref<100xi32, #tpu.memory_space<vmem>>
        %dma_wait3A_200 = arith.constant 0 : i32
        %dma_wait3A_201 = arith.constant 0 : i32
        %dma_wait3A_202 = tpu.memref_slice %arg2[%dma_wait3A_200, %dma_wait3A_201] : memref<10000x64xf32, #tpu.memory_space<hbm>> -> memref<10000x64xf32, #tpu.memory_space<hbm>>
        tpu.wait_indirect_dma semaphore(%arg19 : memref<!tpu.dma_semaphore, #tpu.memory_space<semaphore_mem>>) src(%dma_wait3A_202 : memref<10000x64xf32, #tpu.memory_space<hbm>>) dst(%arg12 : memref<100x64xf32, #tpu.memory_space<vmem>>)
        %add3A_203 = arith.constant 4 : i32
        %add3A_204 = arith.addi %add3A_152, %add3A_203 : i32
        "tpu.region"() ({
          %run_scoped3A = tpu.sem_alloc : memref<!tpu.dma_semaphore, #tpu.memory_space<semaphore_mem>>
          %dma_start3A_214 = arith.constant 0 : i32
          %dma_start3A_215 = tpu.memref_slice %arg7[%add3A_204, %dma_start3A_214] : memref<50x100xi32, #tpu.memory_space<vmem>> -> memref<1x100xi32, #tpu.memory_space<vmem>>
          %dma_start3A_216 = tpu.memref_squeeze %dma_start3A_215 : memref<1x100xi32, #tpu.memory_space<vmem>> -> memref<100xi32, #tpu.memory_space<vmem>>
          %dma_start3A_217 = arith.constant 0 : i32
          %dma_start3A_218 = arith.constant 0 : i32
          %dma_start3A_219 = tpu.memref_slice %arg14[%dma_start3A_217, %dma_start3A_218] : memref<10000x64xf32, #tpu.memory_space<vmem_shared>> -> memref<10000x64xf32, #tpu.memory_space<vmem_shared>>
          tpu.enqueue_indirect_dma source(%arg12 : memref<100x64xf32, #tpu.memory_space<vmem>>) target(%dma_start3A_219 : memref<10000x64xf32, #tpu.memory_space<vmem_shared>>) offsets(%dma_start3A_216 : memref<100xi32, #tpu.memory_space<vmem>>) semaphore(%run_scoped3A : memref<!tpu.dma_semaphore, #tpu.memory_space<semaphore_mem>>) {add = true}
          %dma_wait3A_220 = arith.constant 0 : i32
          %dma_wait3A_221 = tpu.memref_slice %arg7[%add3A_204, %dma_wait3A_220] : memref<50x100xi32, #tpu.memory_space<vmem>> -> memref<1x100xi32, #tpu.memory_space<vmem>>
          %dma_wait3A_222 = tpu.memref_squeeze %dma_wait3A_221 : memref<1x100xi32, #tpu.memory_space<vmem>> -> memref<100xi32, #tpu.memory_space<vmem>>
          %dma_wait3A_223 = arith.constant 0 : i32
          %dma_wait3A_224 = arith.constant 0 : i32
          %dma_wait3A_225 = tpu.memref_slice %arg14[%dma_wait3A_223, %dma_wait3A_224] : memref<10000x64xf32, #tpu.memory_space<vmem_shared>> -> memref<10000x64xf32, #tpu.memory_space<vmem_shared>>
          tpu.wait_indirect_dma semaphore(%run_scoped3A : memref<!tpu.dma_semaphore, #tpu.memory_space<semaphore_mem>>) src(%arg12 : memref<100x64xf32, #tpu.memory_space<vmem>>) dst(%dma_wait3A_225 : memref<10000x64xf32, #tpu.memory_space<vmem_shared>>)
          tpu.yield
        }) : () -> ()
        %add3A_205 = arith.constant 4 : i32
        %add3A_206 = arith.addi %add3A_152, %add3A_205 : i32
        %add3A_207 = arith.constant 6 : i32
        %add3A_208 = arith.addi %add3A_206, %add3A_207 : i32
        %lt3A_209 = arith.constant 50 : i32
        %lt3A_210 = arith.cmpi slt, %add3A_208, %lt3A_209 : i32
        %convert_element_type3A_211 = arith.extui %lt3A_210 : i1 to i32
        %cond3A_212 = arith.constant 0 : i32
        %cond3A_213 = arith.cmpi ne, %convert_element_type3A_211, %cond3A_212 : i32
        scf.if %cond3A_213 {
          %add3A_214 = arith.constant 4 : i32
          %add3A_215 = arith.addi %add3A_152, %add3A_214 : i32
          %add3A_216 = arith.constant 6 : i32
          %add3A_217 = arith.addi %add3A_215, %add3A_216 : i32
          %dma_start3A_218 = arith.constant 0 : i32
          %dma_start3A_219 = tpu.memref_slice %arg6[%add3A_217, %dma_start3A_218] : memref<50x100xi32, #tpu.memory_space<vmem>> -> memref<1x100xi32, #tpu.memory_space<vmem>>
          %dma_start3A_220 = tpu.memref_squeeze %dma_start3A_219 : memref<1x100xi32, #tpu.memory_space<vmem>> -> memref<100xi32, #tpu.memory_space<vmem>>
          %dma_start3A_221 = arith.constant 0 : i32
          %dma_start3A_222 = arith.constant 0 : i32
          %dma_start3A_223 = tpu.memref_slice %arg2[%dma_start3A_221, %dma_start3A_222] : memref<10000x64xf32, #tpu.memory_space<hbm>> -> memref<10000x64xf32, #tpu.memory_space<hbm>>
          tpu.enqueue_indirect_dma source(%dma_start3A_223 : memref<10000x64xf32, #tpu.memory_space<hbm>>) target(%arg12 : memref<100x64xf32, #tpu.memory_space<vmem>>) offsets(%dma_start3A_220 : memref<100xi32, #tpu.memory_space<vmem>>) semaphore(%arg19 : memref<!tpu.dma_semaphore, #tpu.memory_space<semaphore_mem>>)
        } else {
        }
      } else {
      }
      %add3A_188 = arith.constant 5 : i32
      %add3A_189 = arith.addi %add3A_152, %add3A_188 : i32
      %lt3A_190 = arith.constant 50 : i32
      %lt3A_191 = arith.cmpi slt, %add3A_189, %lt3A_190 : i32
      %convert_element_type3A_192 = arith.extui %lt3A_191 : i1 to i32
      %cond3A_193 = arith.constant 0 : i32
      %cond3A_194 = arith.cmpi ne, %convert_element_type3A_192, %cond3A_193 : i32
      scf.if %cond3A_194 {
        %add3A_195 = arith.constant 5 : i32
        %add3A_196 = arith.addi %add3A_152, %add3A_195 : i32
        %dma_wait3A_197 = arith.constant 0 : i32
        %dma_wait3A_198 = tpu.memref_slice %arg6[%add3A_196, %dma_wait3A_197] : memref<50x100xi32, #tpu.memory_space<vmem>> -> memref<1x100xi32, #tpu.memory_space<vmem>>
        %dma_wait3A_199 = tpu.memref_squeeze %dma_wait3A_198 : memref<1x100xi32, #tpu.memory_space<vmem>> -> memref<100xi32, #tpu.memory_space<vmem>>
        %dma_wait3A_200 = arith.constant 0 : i32
        %dma_wait3A_201 = arith.constant 0 : i32
        %dma_wait3A_202 = tpu.memref_slice %arg2[%dma_wait3A_200, %dma_wait3A_201] : memref<10000x64xf32, #tpu.memory_space<hbm>> -> memref<10000x64xf32, #tpu.memory_space<hbm>>
        tpu.wait_indirect_dma semaphore(%arg20 : memref<!tpu.dma_semaphore, #tpu.memory_space<semaphore_mem>>) src(%dma_wait3A_202 : memref<10000x64xf32, #tpu.memory_space<hbm>>) dst(%arg13 : memref<100x64xf32, #tpu.memory_space<vmem>>)
        %add3A_203 = arith.constant 5 : i32
        %add3A_204 = arith.addi %add3A_152, %add3A_203 : i32
        "tpu.region"() ({
          %run_scoped3A = tpu.sem_alloc : memref<!tpu.dma_semaphore, #tpu.memory_space<semaphore_mem>>
          %dma_start3A_214 = arith.constant 0 : i32
          %dma_start3A_215 = tpu.memref_slice %arg7[%add3A_204, %dma_start3A_214] : memref<50x100xi32, #tpu.memory_space<vmem>> -> memref<1x100xi32, #tpu.memory_space<vmem>>
          %dma_start3A_216 = tpu.memref_squeeze %dma_start3A_215 : memref<1x100xi32, #tpu.memory_space<vmem>> -> memref<100xi32, #tpu.memory_space<vmem>>
          %dma_start3A_217 = arith.constant 0 : i32
          %dma_start3A_218 = arith.constant 0 : i32
          %dma_start3A_219 = tpu.memref_slice %arg14[%dma_start3A_217, %dma_start3A_218] : memref<10000x64xf32, #tpu.memory_space<vmem_shared>> -> memref<10000x64xf32, #tpu.memory_space<vmem_shared>>
          tpu.enqueue_indirect_dma source(%arg13 : memref<100x64xf32, #tpu.memory_space<vmem>>) target(%dma_start3A_219 : memref<10000x64xf32, #tpu.memory_space<vmem_shared>>) offsets(%dma_start3A_216 : memref<100xi32, #tpu.memory_space<vmem>>) semaphore(%run_scoped3A : memref<!tpu.dma_semaphore, #tpu.memory_space<semaphore_mem>>) {add = true}
          %dma_wait3A_220 = arith.constant 0 : i32
          %dma_wait3A_221 = tpu.memref_slice %arg7[%add3A_204, %dma_wait3A_220] : memref<50x100xi32, #tpu.memory_space<vmem>> -> memref<1x100xi32, #tpu.memory_space<vmem>>
          %dma_wait3A_222 = tpu.memref_squeeze %dma_wait3A_221 : memref<1x100xi32, #tpu.memory_space<vmem>> -> memref<100xi32, #tpu.memory_space<vmem>>
          %dma_wait3A_223 = arith.constant 0 : i32
          %dma_wait3A_224 = arith.constant 0 : i32
          %dma_wait3A_225 = tpu.memref_slice %arg14[%dma_wait3A_223, %dma_wait3A_224] : memref<10000x64xf32, #tpu.memory_space<vmem_shared>> -> memref<10000x64xf32, #tpu.memory_space<vmem_shared>>
          tpu.wait_indirect_dma semaphore(%run_scoped3A : memref<!tpu.dma_semaphore, #tpu.memory_space<semaphore_mem>>) src(%arg13 : memref<100x64xf32, #tpu.memory_space<vmem>>) dst(%dma_wait3A_225 : memref<10000x64xf32, #tpu.memory_space<vmem_shared>>)
          tpu.yield
        }) : () -> ()
        %add3A_205 = arith.constant 5 : i32
        %add3A_206 = arith.addi %add3A_152, %add3A_205 : i32
        %add3A_207 = arith.constant 6 : i32
        %add3A_208 = arith.addi %add3A_206, %add3A_207 : i32
        %lt3A_209 = arith.constant 50 : i32
        %lt3A_210 = arith.cmpi slt, %add3A_208, %lt3A_209 : i32
        %convert_element_type3A_211 = arith.extui %lt3A_210 : i1 to i32
        %cond3A_212 = arith.constant 0 : i32
        %cond3A_213 = arith.cmpi ne, %convert_element_type3A_211, %cond3A_212 : i32
        scf.if %cond3A_213 {
          %add3A_214 = arith.constant 5 : i32
          %add3A_215 = arith.addi %add3A_152, %add3A_214 : i32
          %add3A_216 = arith.constant 6 : i32
          %add3A_217 = arith.addi %add3A_215, %add3A_216 : i32
          %dma_start3A_218 = arith.constant 0 : i32
          %dma_start3A_219 = tpu.memref_slice %arg6[%add3A_217, %dma_start3A_218] : memref<50x100xi32, #tpu.memory_space<vmem>> -> memref<1x100xi32, #tpu.memory_space<vmem>>
          %dma_start3A_220 = tpu.memref_squeeze %dma_start3A_219 : memref<1x100xi32, #tpu.memory_space<vmem>> -> memref<100xi32, #tpu.memory_space<vmem>>
          %dma_start3A_221 = arith.constant 0 : i32
          %dma_start3A_222 = arith.constant 0 : i32
          %dma_start3A_223 = tpu.memref_slice %arg2[%dma_start3A_221, %dma_start3A_222] : memref<10000x64xf32, #tpu.memory_space<hbm>> -> memref<10000x64xf32, #tpu.memory_space<hbm>>
          tpu.enqueue_indirect_dma source(%dma_start3A_223 : memref<10000x64xf32, #tpu.memory_space<hbm>>) target(%arg13 : memref<100x64xf32, #tpu.memory_space<vmem>>) offsets(%dma_start3A_220 : memref<100xi32, #tpu.memory_space<vmem>>) semaphore(%arg20 : memref<!tpu.dma_semaphore, #tpu.memory_space<semaphore_mem>>)
        } else {
        }
      } else {
      }
    }
    %scan3A_91 = arith.constant 9 : i32
    "tpu.region"() ({
      %run_scoped3A = tpu.sem_alloc : memref<!tpu.dma_semaphore, #tpu.memory_space<semaphore_mem>>
      %dma_start3A_148 = arith.constant 50 : i32
      %dma_start3A_149 = arith.constant 0 : i32
      %dma_start3A_150 = tpu.memref_slice %arg3[%add3A, %dma_start3A_148, %dma_start3A_149] : memref<32x100x100xi32, #tpu.memory_space<hbm>> -> memref<1x50x100xi32, #tpu.memory_space<hbm>>
      %dma_start3A_151 = tpu.memref_squeeze %dma_start3A_150 : memref<1x50x100xi32, #tpu.memory_space<hbm>> -> memref<50x100xi32, #tpu.memory_space<hbm>>
      %dma_start3A_152 = arith.constant 50 : i32
      %dma_start3A_153 = arith.constant 0 : i32
      %dma_start3A_154 = tpu.memref_slice %arg3[%add3A, %dma_start3A_152, %dma_start3A_153] : memref<32x100x100xi32, #tpu.memory_space<hbm>> -> memref<1x50x100xi32, #tpu.memory_space<hbm>>
      %dma_start3A_155 = tpu.memref_squeeze %dma_start3A_154 : memref<1x50x100xi32, #tpu.memory_space<hbm>> -> memref<50x100xi32, #tpu.memory_space<hbm>>
      tpu.enqueue_dma source(%dma_start3A_155 : memref<50x100xi32, #tpu.memory_space<hbm>>) target(%arg6 : memref<50x100xi32, #tpu.memory_space<vmem>>) target_semaphore(%run_scoped3A : memref<!tpu.dma_semaphore, #tpu.memory_space<semaphore_mem>>)
      %dma_wait3A_156 = arith.constant 50 : i32
      %dma_wait3A_157 = arith.constant 0 : i32
      %dma_wait3A_158 = tpu.memref_slice %arg3[%add3A, %dma_wait3A_156, %dma_wait3A_157] : memref<32x100x100xi32, #tpu.memory_space<hbm>> -> memref<1x50x100xi32, #tpu.memory_space<hbm>>
      %dma_wait3A_159 = tpu.memref_squeeze %dma_wait3A_158 : memref<1x50x100xi32, #tpu.memory_space<hbm>> -> memref<50x100xi32, #tpu.memory_space<hbm>>
      %dma_wait3A_160 = arith.constant 50 : i32
      %dma_wait3A_161 = arith.constant 0 : i32
      %dma_wait3A_162 = tpu.memref_slice %arg3[%add3A, %dma_wait3A_160, %dma_wait3A_161] : memref<32x100x100xi32, #tpu.memory_space<hbm>> -> memref<1x50x100xi32, #tpu.memory_space<hbm>>
      %dma_wait3A_163 = tpu.memref_squeeze %dma_wait3A_162 : memref<1x50x100xi32, #tpu.memory_space<hbm>> -> memref<50x100xi32, #tpu.memory_space<hbm>>
      tpu.wait_dma2 semaphore(%run_scoped3A : memref<!tpu.dma_semaphore, #tpu.memory_space<semaphore_mem>>) src(%dma_wait3A_163 : memref<50x100xi32, #tpu.memory_space<hbm>>) dst(%arg6 : memref<50x100xi32, #tpu.memory_space<vmem>>)
      tpu.yield
    }) : () -> ()
    "tpu.region"() ({
      %run_scoped3A = tpu.sem_alloc : memref<!tpu.dma_semaphore, #tpu.memory_space<semaphore_mem>>
      %dma_start3A_148 = arith.constant 50 : i32
      %dma_start3A_149 = arith.constant 0 : i32
      %dma_start3A_150 = tpu.memref_slice %arg4[%add3A, %dma_start3A_148, %dma_start3A_149] : memref<32x100x100xi32, #tpu.memory_space<hbm>> -> memref<1x50x100xi32, #tpu.memory_space<hbm>>
      %dma_start3A_151 = tpu.memref_squeeze %dma_start3A_150 : memref<1x50x100xi32, #tpu.memory_space<hbm>> -> memref<50x100xi32, #tpu.memory_space<hbm>>
      %dma_start3A_152 = arith.constant 50 : i32
      %dma_start3A_153 = arith.constant 0 : i32
      %dma_start3A_154 = tpu.memref_slice %arg4[%add3A, %dma_start3A_152, %dma_start3A_153] : memref<32x100x100xi32, #tpu.memory_space<hbm>> -> memref<1x50x100xi32, #tpu.memory_space<hbm>>
      %dma_start3A_155 = tpu.memref_squeeze %dma_start3A_154 : memref<1x50x100xi32, #tpu.memory_space<hbm>> -> memref<50x100xi32, #tpu.memory_space<hbm>>
      tpu.enqueue_dma source(%dma_start3A_155 : memref<50x100xi32, #tpu.memory_space<hbm>>) target(%arg7 : memref<50x100xi32, #tpu.memory_space<vmem>>) target_semaphore(%run_scoped3A : memref<!tpu.dma_semaphore, #tpu.memory_space<semaphore_mem>>)
      %dma_wait3A_156 = arith.constant 50 : i32
      %dma_wait3A_157 = arith.constant 0 : i32
      %dma_wait3A_158 = tpu.memref_slice %arg4[%add3A, %dma_wait3A_156, %dma_wait3A_157] : memref<32x100x100xi32, #tpu.memory_space<hbm>> -> memref<1x50x100xi32, #tpu.memory_space<hbm>>
      %dma_wait3A_159 = tpu.memref_squeeze %dma_wait3A_158 : memref<1x50x100xi32, #tpu.memory_space<hbm>> -> memref<50x100xi32, #tpu.memory_space<hbm>>
      %dma_wait3A_160 = arith.constant 50 : i32
      %dma_wait3A_161 = arith.constant 0 : i32
      %dma_wait3A_162 = tpu.memref_slice %arg4[%add3A, %dma_wait3A_160, %dma_wait3A_161] : memref<32x100x100xi32, #tpu.memory_space<hbm>> -> memref<1x50x100xi32, #tpu.memory_space<hbm>>
      %dma_wait3A_163 = tpu.memref_squeeze %dma_wait3A_162 : memref<1x50x100xi32, #tpu.memory_space<hbm>> -> memref<50x100xi32, #tpu.memory_space<hbm>>
      tpu.wait_dma2 semaphore(%run_scoped3A : memref<!tpu.dma_semaphore, #tpu.memory_space<semaphore_mem>>) src(%dma_wait3A_163 : memref<50x100xi32, #tpu.memory_space<hbm>>) dst(%arg7 : memref<50x100xi32, #tpu.memory_space<vmem>>)
      tpu.yield
    }) : () -> ()
    %dma_start3A_92 = arith.constant 0 : i32
    %dma_start3A_93 = arith.constant 0 : i32
    %dma_start3A_94 = tpu.memref_slice %arg6[%dma_start3A_92, %dma_start3A_93] : memref<50x100xi32, #tpu.memory_space<vmem>> -> memref<1x100xi32, #tpu.memory_space<vmem>>
    %dma_start3A_95 = tpu.memref_squeeze %dma_start3A_94 : memref<1x100xi32, #tpu.memory_space<vmem>> -> memref<100xi32, #tpu.memory_space<vmem>>
    %dma_start3A_96 = arith.constant 0 : i32
    %dma_start3A_97 = arith.constant 0 : i32
    %dma_start3A_98 = tpu.memref_slice %arg2[%dma_start3A_96, %dma_start3A_97] : memref<10000x64xf32, #tpu.memory_space<hbm>> -> memref<10000x64xf32, #tpu.memory_space<hbm>>
    tpu.enqueue_indirect_dma source(%dma_start3A_98 : memref<10000x64xf32, #tpu.memory_space<hbm>>) target(%arg8 : memref<100x64xf32, #tpu.memory_space<vmem>>) offsets(%dma_start3A_95 : memref<100xi32, #tpu.memory_space<vmem>>) semaphore(%arg15 : memref<!tpu.dma_semaphore, #tpu.memory_space<semaphore_mem>>)
    %dma_start3A_99 = arith.constant 1 : i32
    %dma_start3A_100 = arith.constant 0 : i32
    %dma_start3A_101 = tpu.memref_slice %arg6[%dma_start3A_99, %dma_start3A_100] : memref<50x100xi32, #tpu.memory_space<vmem>> -> memref<1x100xi32, #tpu.memory_space<vmem>>
    %dma_start3A_102 = tpu.memref_squeeze %dma_start3A_101 : memref<1x100xi32, #tpu.memory_space<vmem>> -> memref<100xi32, #tpu.memory_space<vmem>>
    %dma_start3A_103 = arith.constant 0 : i32
    %dma_start3A_104 = arith.constant 0 : i32
    %dma_start3A_105 = tpu.memref_slice %arg2[%dma_start3A_103, %dma_start3A_104] : memref<10000x64xf32, #tpu.memory_space<hbm>> -> memref<10000x64xf32, #tpu.memory_space<hbm>>
    tpu.enqueue_indirect_dma source(%dma_start3A_105 : memref<10000x64xf32, #tpu.memory_space<hbm>>) target(%arg9 : memref<100x64xf32, #tpu.memory_space<vmem>>) offsets(%dma_start3A_102 : memref<100xi32, #tpu.memory_space<vmem>>) semaphore(%arg16 : memref<!tpu.dma_semaphore, #tpu.memory_space<semaphore_mem>>)
    %dma_start3A_106 = arith.constant 2 : i32
    %dma_start3A_107 = arith.constant 0 : i32
    %dma_start3A_108 = tpu.memref_slice %arg6[%dma_start3A_106, %dma_start3A_107] : memref<50x100xi32, #tpu.memory_space<vmem>> -> memref<1x100xi32, #tpu.memory_space<vmem>>
    %dma_start3A_109 = tpu.memref_squeeze %dma_start3A_108 : memref<1x100xi32, #tpu.memory_space<vmem>> -> memref<100xi32, #tpu.memory_space<vmem>>
    %dma_start3A_110 = arith.constant 0 : i32
    %dma_start3A_111 = arith.constant 0 : i32
    %dma_start3A_112 = tpu.memref_slice %arg2[%dma_start3A_110, %dma_start3A_111] : memref<10000x64xf32, #tpu.memory_space<hbm>> -> memref<10000x64xf32, #tpu.memory_space<hbm>>
    tpu.enqueue_indirect_dma source(%dma_start3A_112 : memref<10000x64xf32, #tpu.memory_space<hbm>>) target(%arg10 : memref<100x64xf32, #tpu.memory_space<vmem>>) offsets(%dma_start3A_109 : memref<100xi32, #tpu.memory_space<vmem>>) semaphore(%arg17 : memref<!tpu.dma_semaphore, #tpu.memory_space<semaphore_mem>>)
    %dma_start3A_113 = arith.constant 3 : i32
    %dma_start3A_114 = arith.constant 0 : i32
    %dma_start3A_115 = tpu.memref_slice %arg6[%dma_start3A_113, %dma_start3A_114] : memref<50x100xi32, #tpu.memory_space<vmem>> -> memref<1x100xi32, #tpu.memory_space<vmem>>
    %dma_start3A_116 = tpu.memref_squeeze %dma_start3A_115 : memref<1x100xi32, #tpu.memory_space<vmem>> -> memref<100xi32, #tpu.memory_space<vmem>>
    %dma_start3A_117 = arith.constant 0 : i32
    %dma_start3A_118 = arith.constant 0 : i32
    %dma_start3A_119 = tpu.memref_slice %arg2[%dma_start3A_117, %dma_start3A_118] : memref<10000x64xf32, #tpu.memory_space<hbm>> -> memref<10000x64xf32, #tpu.memory_space<hbm>>
    tpu.enqueue_indirect_dma source(%dma_start3A_119 : memref<10000x64xf32, #tpu.memory_space<hbm>>) target(%arg11 : memref<100x64xf32, #tpu.memory_space<vmem>>) offsets(%dma_start3A_116 : memref<100xi32, #tpu.memory_space<vmem>>) semaphore(%arg18 : memref<!tpu.dma_semaphore, #tpu.memory_space<semaphore_mem>>)
    %dma_start3A_120 = arith.constant 4 : i32
    %dma_start3A_121 = arith.constant 0 : i32
    %dma_start3A_122 = tpu.memref_slice %arg6[%dma_start3A_120, %dma_start3A_121] : memref<50x100xi32, #tpu.memory_space<vmem>> -> memref<1x100xi32, #tpu.memory_space<vmem>>
    %dma_start3A_123 = tpu.memref_squeeze %dma_start3A_122 : memref<1x100xi32, #tpu.memory_space<vmem>> -> memref<100xi32, #tpu.memory_space<vmem>>
    %dma_start3A_124 = arith.constant 0 : i32
    %dma_start3A_125 = arith.constant 0 : i32
    %dma_start3A_126 = tpu.memref_slice %arg2[%dma_start3A_124, %dma_start3A_125] : memref<10000x64xf32, #tpu.memory_space<hbm>> -> memref<10000x64xf32, #tpu.memory_space<hbm>>
    tpu.enqueue_indirect_dma source(%dma_start3A_126 : memref<10000x64xf32, #tpu.memory_space<hbm>>) target(%arg12 : memref<100x64xf32, #tpu.memory_space<vmem>>) offsets(%dma_start3A_123 : memref<100xi32, #tpu.memory_space<vmem>>) semaphore(%arg19 : memref<!tpu.dma_semaphore, #tpu.memory_space<semaphore_mem>>)
    %dma_start3A_127 = arith.constant 5 : i32
    %dma_start3A_128 = arith.constant 0 : i32
    %dma_start3A_129 = tpu.memref_slice %arg6[%dma_start3A_127, %dma_start3A_128] : memref<50x100xi32, #tpu.memory_space<vmem>> -> memref<1x100xi32, #tpu.memory_space<vmem>>
    %dma_start3A_130 = tpu.memref_squeeze %dma_start3A_129 : memref<1x100xi32, #tpu.memory_space<vmem>> -> memref<100xi32, #tpu.memory_space<vmem>>
    %dma_start3A_131 = arith.constant 0 : i32
    %dma_start3A_132 = arith.constant 0 : i32
    %dma_start3A_133 = tpu.memref_slice %arg2[%dma_start3A_131, %dma_start3A_132] : memref<10000x64xf32, #tpu.memory_space<hbm>> -> memref<10000x64xf32, #tpu.memory_space<hbm>>
    tpu.enqueue_indirect_dma source(%dma_start3A_133 : memref<10000x64xf32, #tpu.memory_space<hbm>>) target(%arg13 : memref<100x64xf32, #tpu.memory_space<vmem>>) offsets(%dma_start3A_130 : memref<100xi32, #tpu.memory_space<vmem>>) semaphore(%arg20 : memref<!tpu.dma_semaphore, #tpu.memory_space<semaphore_mem>>)
    %scan3A_134 = arith.constant 0 : i32
    %scan3A_135 = arith.constant 9 : i32
    %scan3A_136 = arith.addi %scan3A_134, %scan3A_135 : i32
    %scan3A_137 = arith.constant 1 : i32
    scf.for %scan3A_148 = %scan3A_134 to %scan3A_136 step %scan3A_137  : i32 {
      %mul3A_149 = arith.constant 6 : i32
      %mul3A_150 = arith.muli %scan3A_148, %mul3A_149 : i32
      %add3A_151 = arith.constant 0 : i32
      %add3A_152 = arith.addi %add3A_151, %mul3A_150 : i32
      %add3A_153 = arith.constant 0 : i32
      %add3A_154 = arith.addi %add3A_152, %add3A_153 : i32
      %lt3A_155 = arith.constant 50 : i32
      %lt3A_156 = arith.cmpi slt, %add3A_154, %lt3A_155 : i32
      %convert_element_type3A_157 = arith.extui %lt3A_156 : i1 to i32
      %cond3A_158 = arith.constant 0 : i32
      %cond3A_159 = arith.cmpi ne, %convert_element_type3A_157, %cond3A_158 : i32
      scf.if %cond3A_159 {
        %add3A_195 = arith.constant 0 : i32
        %add3A_196 = arith.addi %add3A_152, %add3A_195 : i32
        %dma_wait3A_197 = arith.constant 0 : i32
        %dma_wait3A_198 = tpu.memref_slice %arg6[%add3A_196, %dma_wait3A_197] : memref<50x100xi32, #tpu.memory_space<vmem>> -> memref<1x100xi32, #tpu.memory_space<vmem>>
        %dma_wait3A_199 = tpu.memref_squeeze %dma_wait3A_198 : memref<1x100xi32, #tpu.memory_space<vmem>> -> memref<100xi32, #tpu.memory_space<vmem>>
        %dma_wait3A_200 = arith.constant 0 : i32
        %dma_wait3A_201 = arith.constant 0 : i32
        %dma_wait3A_202 = tpu.memref_slice %arg2[%dma_wait3A_200, %dma_wait3A_201] : memref<10000x64xf32, #tpu.memory_space<hbm>> -> memref<10000x64xf32, #tpu.memory_space<hbm>>
        tpu.wait_indirect_dma semaphore(%arg15 : memref<!tpu.dma_semaphore, #tpu.memory_space<semaphore_mem>>) src(%dma_wait3A_202 : memref<10000x64xf32, #tpu.memory_space<hbm>>) dst(%arg8 : memref<100x64xf32, #tpu.memory_space<vmem>>)
        %add3A_203 = arith.constant 0 : i32
        %add3A_204 = arith.addi %add3A_152, %add3A_203 : i32
        "tpu.region"() ({
          %run_scoped3A = tpu.sem_alloc : memref<!tpu.dma_semaphore, #tpu.memory_space<semaphore_mem>>
          %dma_start3A_214 = arith.constant 0 : i32
          %dma_start3A_215 = tpu.memref_slice %arg7[%add3A_204, %dma_start3A_214] : memref<50x100xi32, #tpu.memory_space<vmem>> -> memref<1x100xi32, #tpu.memory_space<vmem>>
          %dma_start3A_216 = tpu.memref_squeeze %dma_start3A_215 : memref<1x100xi32, #tpu.memory_space<vmem>> -> memref<100xi32, #tpu.memory_space<vmem>>
          %dma_start3A_217 = arith.constant 0 : i32
          %dma_start3A_218 = arith.constant 0 : i32
          %dma_start3A_219 = tpu.memref_slice %arg14[%dma_start3A_217, %dma_start3A_218] : memref<10000x64xf32, #tpu.memory_space<vmem_shared>> -> memref<10000x64xf32, #tpu.memory_space<vmem_shared>>
          tpu.enqueue_indirect_dma source(%arg8 : memref<100x64xf32, #tpu.memory_space<vmem>>) target(%dma_start3A_219 : memref<10000x64xf32, #tpu.memory_space<vmem_shared>>) offsets(%dma_start3A_216 : memref<100xi32, #tpu.memory_space<vmem>>) semaphore(%run_scoped3A : memref<!tpu.dma_semaphore, #tpu.memory_space<semaphore_mem>>) {add = true}
          %dma_wait3A_220 = arith.constant 0 : i32
          %dma_wait3A_221 = tpu.memref_slice %arg7[%add3A_204, %dma_wait3A_220] : memref<50x100xi32, #tpu.memory_space<vmem>> -> memref<1x100xi32, #tpu.memory_space<vmem>>
          %dma_wait3A_222 = tpu.memref_squeeze %dma_wait3A_221 : memref<1x100xi32, #tpu.memory_space<vmem>> -> memref<100xi32, #tpu.memory_space<vmem>>
          %dma_wait3A_223 = arith.constant 0 : i32
          %dma_wait3A_224 = arith.constant 0 : i32
          %dma_wait3A_225 = tpu.memref_slice %arg14[%dma_wait3A_223, %dma_wait3A_224] : memref<10000x64xf32, #tpu.memory_space<vmem_shared>> -> memref<10000x64xf32, #tpu.memory_space<vmem_shared>>
          tpu.wait_indirect_dma semaphore(%run_scoped3A : memref<!tpu.dma_semaphore, #tpu.memory_space<semaphore_mem>>) src(%arg8 : memref<100x64xf32, #tpu.memory_space<vmem>>) dst(%dma_wait3A_225 : memref<10000x64xf32, #tpu.memory_space<vmem_shared>>)
          tpu.yield
        }) : () -> ()
        %add3A_205 = arith.constant 0 : i32
        %add3A_206 = arith.addi %add3A_152, %add3A_205 : i32
        %add3A_207 = arith.constant 6 : i32
        %add3A_208 = arith.addi %add3A_206, %add3A_207 : i32
        %lt3A_209 = arith.constant 50 : i32
        %lt3A_210 = arith.cmpi slt, %add3A_208, %lt3A_209 : i32
        %convert_element_type3A_211 = arith.extui %lt3A_210 : i1 to i32
        %cond3A_212 = arith.constant 0 : i32
        %cond3A_213 = arith.cmpi ne, %convert_element_type3A_211, %cond3A_212 : i32
        scf.if %cond3A_213 {
          %add3A_214 = arith.constant 0 : i32
          %add3A_215 = arith.addi %add3A_152, %add3A_214 : i32
          %add3A_216 = arith.constant 6 : i32
          %add3A_217 = arith.addi %add3A_215, %add3A_216 : i32
          %dma_start3A_218 = arith.constant 0 : i32
          %dma_start3A_219 = tpu.memref_slice %arg6[%add3A_217, %dma_start3A_218] : memref<50x100xi32, #tpu.memory_space<vmem>> -> memref<1x100xi32, #tpu.memory_space<vmem>>
          %dma_start3A_220 = tpu.memref_squeeze %dma_start3A_219 : memref<1x100xi32, #tpu.memory_space<vmem>> -> memref<100xi32, #tpu.memory_space<vmem>>
          %dma_start3A_221 = arith.constant 0 : i32
          %dma_start3A_222 = arith.constant 0 : i32
          %dma_start3A_223 = tpu.memref_slice %arg2[%dma_start3A_221, %dma_start3A_222] : memref<10000x64xf32, #tpu.memory_space<hbm>> -> memref<10000x64xf32, #tpu.memory_space<hbm>>
          tpu.enqueue_indirect_dma source(%dma_start3A_223 : memref<10000x64xf32, #tpu.memory_space<hbm>>) target(%arg8 : memref<100x64xf32, #tpu.memory_space<vmem>>) offsets(%dma_start3A_220 : memref<100xi32, #tpu.memory_space<vmem>>) semaphore(%arg15 : memref<!tpu.dma_semaphore, #tpu.memory_space<semaphore_mem>>)
        } else {
        }
      } else {
      }
      %add3A_160 = arith.constant 1 : i32
      %add3A_161 = arith.addi %add3A_152, %add3A_160 : i32
      %lt3A_162 = arith.constant 50 : i32
      %lt3A_163 = arith.cmpi slt, %add3A_161, %lt3A_162 : i32
      %convert_element_type3A_164 = arith.extui %lt3A_163 : i1 to i32
      %cond3A_165 = arith.constant 0 : i32
      %cond3A_166 = arith.cmpi ne, %convert_element_type3A_164, %cond3A_165 : i32
      scf.if %cond3A_166 {
        %add3A_195 = arith.constant 1 : i32
        %add3A_196 = arith.addi %add3A_152, %add3A_195 : i32
        %dma_wait3A_197 = arith.constant 0 : i32
        %dma_wait3A_198 = tpu.memref_slice %arg6[%add3A_196, %dma_wait3A_197] : memref<50x100xi32, #tpu.memory_space<vmem>> -> memref<1x100xi32, #tpu.memory_space<vmem>>
        %dma_wait3A_199 = tpu.memref_squeeze %dma_wait3A_198 : memref<1x100xi32, #tpu.memory_space<vmem>> -> memref<100xi32, #tpu.memory_space<vmem>>
        %dma_wait3A_200 = arith.constant 0 : i32
        %dma_wait3A_201 = arith.constant 0 : i32
        %dma_wait3A_202 = tpu.memref_slice %arg2[%dma_wait3A_200, %dma_wait3A_201] : memref<10000x64xf32, #tpu.memory_space<hbm>> -> memref<10000x64xf32, #tpu.memory_space<hbm>>
        tpu.wait_indirect_dma semaphore(%arg16 : memref<!tpu.dma_semaphore, #tpu.memory_space<semaphore_mem>>) src(%dma_wait3A_202 : memref<10000x64xf32, #tpu.memory_space<hbm>>) dst(%arg9 : memref<100x64xf32, #tpu.memory_space<vmem>>)
        %add3A_203 = arith.constant 1 : i32
        %add3A_204 = arith.addi %add3A_152, %add3A_203 : i32
        "tpu.region"() ({
          %run_scoped3A = tpu.sem_alloc : memref<!tpu.dma_semaphore, #tpu.memory_space<semaphore_mem>>
          %dma_start3A_214 = arith.constant 0 : i32
          %dma_start3A_215 = tpu.memref_slice %arg7[%add3A_204, %dma_start3A_214] : memref<50x100xi32, #tpu.memory_space<vmem>> -> memref<1x100xi32, #tpu.memory_space<vmem>>
          %dma_start3A_216 = tpu.memref_squeeze %dma_start3A_215 : memref<1x100xi32, #tpu.memory_space<vmem>> -> memref<100xi32, #tpu.memory_space<vmem>>
          %dma_start3A_217 = arith.constant 0 : i32
          %dma_start3A_218 = arith.constant 0 : i32
          %dma_start3A_219 = tpu.memref_slice %arg14[%dma_start3A_217, %dma_start3A_218] : memref<10000x64xf32, #tpu.memory_space<vmem_shared>> -> memref<10000x64xf32, #tpu.memory_space<vmem_shared>>
          tpu.enqueue_indirect_dma source(%arg9 : memref<100x64xf32, #tpu.memory_space<vmem>>) target(%dma_start3A_219 : memref<10000x64xf32, #tpu.memory_space<vmem_shared>>) offsets(%dma_start3A_216 : memref<100xi32, #tpu.memory_space<vmem>>) semaphore(%run_scoped3A : memref<!tpu.dma_semaphore, #tpu.memory_space<semaphore_mem>>) {add = true}
          %dma_wait3A_220 = arith.constant 0 : i32
          %dma_wait3A_221 = tpu.memref_slice %arg7[%add3A_204, %dma_wait3A_220] : memref<50x100xi32, #tpu.memory_space<vmem>> -> memref<1x100xi32, #tpu.memory_space<vmem>>
          %dma_wait3A_222 = tpu.memref_squeeze %dma_wait3A_221 : memref<1x100xi32, #tpu.memory_space<vmem>> -> memref<100xi32, #tpu.memory_space<vmem>>
          %dma_wait3A_223 = arith.constant 0 : i32
          %dma_wait3A_224 = arith.constant 0 : i32
          %dma_wait3A_225 = tpu.memref_slice %arg14[%dma_wait3A_223, %dma_wait3A_224] : memref<10000x64xf32, #tpu.memory_space<vmem_shared>> -> memref<10000x64xf32, #tpu.memory_space<vmem_shared>>
          tpu.wait_indirect_dma semaphore(%run_scoped3A : memref<!tpu.dma_semaphore, #tpu.memory_space<semaphore_mem>>) src(%arg9 : memref<100x64xf32, #tpu.memory_space<vmem>>) dst(%dma_wait3A_225 : memref<10000x64xf32, #tpu.memory_space<vmem_shared>>)
          tpu.yield
        }) : () -> ()
        %add3A_205 = arith.constant 1 : i32
        %add3A_206 = arith.addi %add3A_152, %add3A_205 : i32
        %add3A_207 = arith.constant 6 : i32
        %add3A_208 = arith.addi %add3A_206, %add3A_207 : i32
        %lt3A_209 = arith.constant 50 : i32
        %lt3A_210 = arith.cmpi slt, %add3A_208, %lt3A_209 : i32
        %convert_element_type3A_211 = arith.extui %lt3A_210 : i1 to i32
        %cond3A_212 = arith.constant 0 : i32
        %cond3A_213 = arith.cmpi ne, %convert_element_type3A_211, %cond3A_212 : i32
        scf.if %cond3A_213 {
          %add3A_214 = arith.constant 1 : i32
          %add3A_215 = arith.addi %add3A_152, %add3A_214 : i32
          %add3A_216 = arith.constant 6 : i32
          %add3A_217 = arith.addi %add3A_215, %add3A_216 : i32
          %dma_start3A_218 = arith.constant 0 : i32
          %dma_start3A_219 = tpu.memref_slice %arg6[%add3A_217, %dma_start3A_218] : memref<50x100xi32, #tpu.memory_space<vmem>> -> memref<1x100xi32, #tpu.memory_space<vmem>>
          %dma_start3A_220 = tpu.memref_squeeze %dma_start3A_219 : memref<1x100xi32, #tpu.memory_space<vmem>> -> memref<100xi32, #tpu.memory_space<vmem>>
          %dma_start3A_221 = arith.constant 0 : i32
          %dma_start3A_222 = arith.constant 0 : i32
          %dma_start3A_223 = tpu.memref_slice %arg2[%dma_start3A_221, %dma_start3A_222] : memref<10000x64xf32, #tpu.memory_space<hbm>> -> memref<10000x64xf32, #tpu.memory_space<hbm>>
          tpu.enqueue_indirect_dma source(%dma_start3A_223 : memref<10000x64xf32, #tpu.memory_space<hbm>>) target(%arg9 : memref<100x64xf32, #tpu.memory_space<vmem>>) offsets(%dma_start3A_220 : memref<100xi32, #tpu.memory_space<vmem>>) semaphore(%arg16 : memref<!tpu.dma_semaphore, #tpu.memory_space<semaphore_mem>>)
        } else {
        }
      } else {
      }
      %add3A_167 = arith.constant 2 : i32
      %add3A_168 = arith.addi %add3A_152, %add3A_167 : i32
      %lt3A_169 = arith.constant 50 : i32
      %lt3A_170 = arith.cmpi slt, %add3A_168, %lt3A_169 : i32
      %convert_element_type3A_171 = arith.extui %lt3A_170 : i1 to i32
      %cond3A_172 = arith.constant 0 : i32
      %cond3A_173 = arith.cmpi ne, %convert_element_type3A_171, %cond3A_172 : i32
      scf.if %cond3A_173 {
        %add3A_195 = arith.constant 2 : i32
        %add3A_196 = arith.addi %add3A_152, %add3A_195 : i32
        %dma_wait3A_197 = arith.constant 0 : i32
        %dma_wait3A_198 = tpu.memref_slice %arg6[%add3A_196, %dma_wait3A_197] : memref<50x100xi32, #tpu.memory_space<vmem>> -> memref<1x100xi32, #tpu.memory_space<vmem>>
        %dma_wait3A_199 = tpu.memref_squeeze %dma_wait3A_198 : memref<1x100xi32, #tpu.memory_space<vmem>> -> memref<100xi32, #tpu.memory_space<vmem>>
        %dma_wait3A_200 = arith.constant 0 : i32
        %dma_wait3A_201 = arith.constant 0 : i32
        %dma_wait3A_202 = tpu.memref_slice %arg2[%dma_wait3A_200, %dma_wait3A_201] : memref<10000x64xf32, #tpu.memory_space<hbm>> -> memref<10000x64xf32, #tpu.memory_space<hbm>>
        tpu.wait_indirect_dma semaphore(%arg17 : memref<!tpu.dma_semaphore, #tpu.memory_space<semaphore_mem>>) src(%dma_wait3A_202 : memref<10000x64xf32, #tpu.memory_space<hbm>>) dst(%arg10 : memref<100x64xf32, #tpu.memory_space<vmem>>)
        %add3A_203 = arith.constant 2 : i32
        %add3A_204 = arith.addi %add3A_152, %add3A_203 : i32
        "tpu.region"() ({
          %run_scoped3A = tpu.sem_alloc : memref<!tpu.dma_semaphore, #tpu.memory_space<semaphore_mem>>
          %dma_start3A_214 = arith.constant 0 : i32
          %dma_start3A_215 = tpu.memref_slice %arg7[%add3A_204, %dma_start3A_214] : memref<50x100xi32, #tpu.memory_space<vmem>> -> memref<1x100xi32, #tpu.memory_space<vmem>>
          %dma_start3A_216 = tpu.memref_squeeze %dma_start3A_215 : memref<1x100xi32, #tpu.memory_space<vmem>> -> memref<100xi32, #tpu.memory_space<vmem>>
          %dma_start3A_217 = arith.constant 0 : i32
          %dma_start3A_218 = arith.constant 0 : i32
          %dma_start3A_219 = tpu.memref_slice %arg14[%dma_start3A_217, %dma_start3A_218] : memref<10000x64xf32, #tpu.memory_space<vmem_shared>> -> memref<10000x64xf32, #tpu.memory_space<vmem_shared>>
          tpu.enqueue_indirect_dma source(%arg10 : memref<100x64xf32, #tpu.memory_space<vmem>>) target(%dma_start3A_219 : memref<10000x64xf32, #tpu.memory_space<vmem_shared>>) offsets(%dma_start3A_216 : memref<100xi32, #tpu.memory_space<vmem>>) semaphore(%run_scoped3A : memref<!tpu.dma_semaphore, #tpu.memory_space<semaphore_mem>>) {add = true}
          %dma_wait3A_220 = arith.constant 0 : i32
          %dma_wait3A_221 = tpu.memref_slice %arg7[%add3A_204, %dma_wait3A_220] : memref<50x100xi32, #tpu.memory_space<vmem>> -> memref<1x100xi32, #tpu.memory_space<vmem>>
          %dma_wait3A_222 = tpu.memref_squeeze %dma_wait3A_221 : memref<1x100xi32, #tpu.memory_space<vmem>> -> memref<100xi32, #tpu.memory_space<vmem>>
          %dma_wait3A_223 = arith.constant 0 : i32
          %dma_wait3A_224 = arith.constant 0 : i32
          %dma_wait3A_225 = tpu.memref_slice %arg14[%dma_wait3A_223, %dma_wait3A_224] : memref<10000x64xf32, #tpu.memory_space<vmem_shared>> -> memref<10000x64xf32, #tpu.memory_space<vmem_shared>>
          tpu.wait_indirect_dma semaphore(%run_scoped3A : memref<!tpu.dma_semaphore, #tpu.memory_space<semaphore_mem>>) src(%arg10 : memref<100x64xf32, #tpu.memory_space<vmem>>) dst(%dma_wait3A_225 : memref<10000x64xf32, #tpu.memory_space<vmem_shared>>)
          tpu.yield
        }) : () -> ()
        %add3A_205 = arith.constant 2 : i32
        %add3A_206 = arith.addi %add3A_152, %add3A_205 : i32
        %add3A_207 = arith.constant 6 : i32
        %add3A_208 = arith.addi %add3A_206, %add3A_207 : i32
        %lt3A_209 = arith.constant 50 : i32
        %lt3A_210 = arith.cmpi slt, %add3A_208, %lt3A_209 : i32
        %convert_element_type3A_211 = arith.extui %lt3A_210 : i1 to i32
        %cond3A_212 = arith.constant 0 : i32
        %cond3A_213 = arith.cmpi ne, %convert_element_type3A_211, %cond3A_212 : i32
        scf.if %cond3A_213 {
          %add3A_214 = arith.constant 2 : i32
          %add3A_215 = arith.addi %add3A_152, %add3A_214 : i32
          %add3A_216 = arith.constant 6 : i32
          %add3A_217 = arith.addi %add3A_215, %add3A_216 : i32
          %dma_start3A_218 = arith.constant 0 : i32
          %dma_start3A_219 = tpu.memref_slice %arg6[%add3A_217, %dma_start3A_218] : memref<50x100xi32, #tpu.memory_space<vmem>> -> memref<1x100xi32, #tpu.memory_space<vmem>>
          %dma_start3A_220 = tpu.memref_squeeze %dma_start3A_219 : memref<1x100xi32, #tpu.memory_space<vmem>> -> memref<100xi32, #tpu.memory_space<vmem>>
          %dma_start3A_221 = arith.constant 0 : i32
          %dma_start3A_222 = arith.constant 0 : i32
          %dma_start3A_223 = tpu.memref_slice %arg2[%dma_start3A_221, %dma_start3A_222] : memref<10000x64xf32, #tpu.memory_space<hbm>> -> memref<10000x64xf32, #tpu.memory_space<hbm>>
          tpu.enqueue_indirect_dma source(%dma_start3A_223 : memref<10000x64xf32, #tpu.memory_space<hbm>>) target(%arg10 : memref<100x64xf32, #tpu.memory_space<vmem>>) offsets(%dma_start3A_220 : memref<100xi32, #tpu.memory_space<vmem>>) semaphore(%arg17 : memref<!tpu.dma_semaphore, #tpu.memory_space<semaphore_mem>>)
        } else {
        }
      } else {
      }
      %add3A_174 = arith.constant 3 : i32
      %add3A_175 = arith.addi %add3A_152, %add3A_174 : i32
      %lt3A_176 = arith.constant 50 : i32
      %lt3A_177 = arith.cmpi slt, %add3A_175, %lt3A_176 : i32
      %convert_element_type3A_178 = arith.extui %lt3A_177 : i1 to i32
      %cond3A_179 = arith.constant 0 : i32
      %cond3A_180 = arith.cmpi ne, %convert_element_type3A_178, %cond3A_179 : i32
      scf.if %cond3A_180 {
        %add3A_195 = arith.constant 3 : i32
        %add3A_196 = arith.addi %add3A_152, %add3A_195 : i32
        %dma_wait3A_197 = arith.constant 0 : i32
        %dma_wait3A_198 = tpu.memref_slice %arg6[%add3A_196, %dma_wait3A_197] : memref<50x100xi32, #tpu.memory_space<vmem>> -> memref<1x100xi32, #tpu.memory_space<vmem>>
        %dma_wait3A_199 = tpu.memref_squeeze %dma_wait3A_198 : memref<1x100xi32, #tpu.memory_space<vmem>> -> memref<100xi32, #tpu.memory_space<vmem>>
        %dma_wait3A_200 = arith.constant 0 : i32
        %dma_wait3A_201 = arith.constant 0 : i32
        %dma_wait3A_202 = tpu.memref_slice %arg2[%dma_wait3A_200, %dma_wait3A_201] : memref<10000x64xf32, #tpu.memory_space<hbm>> -> memref<10000x64xf32, #tpu.memory_space<hbm>>
        tpu.wait_indirect_dma semaphore(%arg18 : memref<!tpu.dma_semaphore, #tpu.memory_space<semaphore_mem>>) src(%dma_wait3A_202 : memref<10000x64xf32, #tpu.memory_space<hbm>>) dst(%arg11 : memref<100x64xf32, #tpu.memory_space<vmem>>)
        %add3A_203 = arith.constant 3 : i32
        %add3A_204 = arith.addi %add3A_152, %add3A_203 : i32
        "tpu.region"() ({
          %run_scoped3A = tpu.sem_alloc : memref<!tpu.dma_semaphore, #tpu.memory_space<semaphore_mem>>
          %dma_start3A_214 = arith.constant 0 : i32
          %dma_start3A_215 = tpu.memref_slice %arg7[%add3A_204, %dma_start3A_214] : memref<50x100xi32, #tpu.memory_space<vmem>> -> memref<1x100xi32, #tpu.memory_space<vmem>>
          %dma_start3A_216 = tpu.memref_squeeze %dma_start3A_215 : memref<1x100xi32, #tpu.memory_space<vmem>> -> memref<100xi32, #tpu.memory_space<vmem>>
          %dma_start3A_217 = arith.constant 0 : i32
          %dma_start3A_218 = arith.constant 0 : i32
          %dma_start3A_219 = tpu.memref_slice %arg14[%dma_start3A_217, %dma_start3A_218] : memref<10000x64xf32, #tpu.memory_space<vmem_shared>> -> memref<10000x64xf32, #tpu.memory_space<vmem_shared>>
          tpu.enqueue_indirect_dma source(%arg11 : memref<100x64xf32, #tpu.memory_space<vmem>>) target(%dma_start3A_219 : memref<10000x64xf32, #tpu.memory_space<vmem_shared>>) offsets(%dma_start3A_216 : memref<100xi32, #tpu.memory_space<vmem>>) semaphore(%run_scoped3A : memref<!tpu.dma_semaphore, #tpu.memory_space<semaphore_mem>>) {add = true}
          %dma_wait3A_220 = arith.constant 0 : i32
          %dma_wait3A_221 = tpu.memref_slice %arg7[%add3A_204, %dma_wait3A_220] : memref<50x100xi32, #tpu.memory_space<vmem>> -> memref<1x100xi32, #tpu.memory_space<vmem>>
          %dma_wait3A_222 = tpu.memref_squeeze %dma_wait3A_221 : memref<1x100xi32, #tpu.memory_space<vmem>> -> memref<100xi32, #tpu.memory_space<vmem>>
          %dma_wait3A_223 = arith.constant 0 : i32
          %dma_wait3A_224 = arith.constant 0 : i32
          %dma_wait3A_225 = tpu.memref_slice %arg14[%dma_wait3A_223, %dma_wait3A_224] : memref<10000x64xf32, #tpu.memory_space<vmem_shared>> -> memref<10000x64xf32, #tpu.memory_space<vmem_shared>>
          tpu.wait_indirect_dma semaphore(%run_scoped3A : memref<!tpu.dma_semaphore, #tpu.memory_space<semaphore_mem>>) src(%arg11 : memref<100x64xf32, #tpu.memory_space<vmem>>) dst(%dma_wait3A_225 : memref<10000x64xf32, #tpu.memory_space<vmem_shared>>)
          tpu.yield
        }) : () -> ()
        %add3A_205 = arith.constant 3 : i32
        %add3A_206 = arith.addi %add3A_152, %add3A_205 : i32
        %add3A_207 = arith.constant 6 : i32
        %add3A_208 = arith.addi %add3A_206, %add3A_207 : i32
        %lt3A_209 = arith.constant 50 : i32
        %lt3A_210 = arith.cmpi slt, %add3A_208, %lt3A_209 : i32
        %convert_element_type3A_211 = arith.extui %lt3A_210 : i1 to i32
        %cond3A_212 = arith.constant 0 : i32
        %cond3A_213 = arith.cmpi ne, %convert_element_type3A_211, %cond3A_212 : i32
        scf.if %cond3A_213 {
          %add3A_214 = arith.constant 3 : i32
          %add3A_215 = arith.addi %add3A_152, %add3A_214 : i32
          %add3A_216 = arith.constant 6 : i32
          %add3A_217 = arith.addi %add3A_215, %add3A_216 : i32
          %dma_start3A_218 = arith.constant 0 : i32
          %dma_start3A_219 = tpu.memref_slice %arg6[%add3A_217, %dma_start3A_218] : memref<50x100xi32, #tpu.memory_space<vmem>> -> memref<1x100xi32, #tpu.memory_space<vmem>>
          %dma_start3A_220 = tpu.memref_squeeze %dma_start3A_219 : memref<1x100xi32, #tpu.memory_space<vmem>> -> memref<100xi32, #tpu.memory_space<vmem>>
          %dma_start3A_221 = arith.constant 0 : i32
          %dma_start3A_222 = arith.constant 0 : i32
          %dma_start3A_223 = tpu.memref_slice %arg2[%dma_start3A_221, %dma_start3A_222] : memref<10000x64xf32, #tpu.memory_space<hbm>> -> memref<10000x64xf32, #tpu.memory_space<hbm>>
          tpu.enqueue_indirect_dma source(%dma_start3A_223 : memref<10000x64xf32, #tpu.memory_space<hbm>>) target(%arg11 : memref<100x64xf32, #tpu.memory_space<vmem>>) offsets(%dma_start3A_220 : memref<100xi32, #tpu.memory_space<vmem>>) semaphore(%arg18 : memref<!tpu.dma_semaphore, #tpu.memory_space<semaphore_mem>>)
        } else {
        }
      } else {
      }
      %add3A_181 = arith.constant 4 : i32
      %add3A_182 = arith.addi %add3A_152, %add3A_181 : i32
      %lt3A_183 = arith.constant 50 : i32
      %lt3A_184 = arith.cmpi slt, %add3A_182, %lt3A_183 : i32
      %convert_element_type3A_185 = arith.extui %lt3A_184 : i1 to i32
      %cond3A_186 = arith.constant 0 : i32
      %cond3A_187 = arith.cmpi ne, %convert_element_type3A_185, %cond3A_186 : i32
      scf.if %cond3A_187 {
        %add3A_195 = arith.constant 4 : i32
        %add3A_196 = arith.addi %add3A_152, %add3A_195 : i32
        %dma_wait3A_197 = arith.constant 0 : i32
        %dma_wait3A_198 = tpu.memref_slice %arg6[%add3A_196, %dma_wait3A_197] : memref<50x100xi32, #tpu.memory_space<vmem>> -> memref<1x100xi32, #tpu.memory_space<vmem>>
        %dma_wait3A_199 = tpu.memref_squeeze %dma_wait3A_198 : memref<1x100xi32, #tpu.memory_space<vmem>> -> memref<100xi32, #tpu.memory_space<vmem>>
        %dma_wait3A_200 = arith.constant 0 : i32
        %dma_wait3A_201 = arith.constant 0 : i32
        %dma_wait3A_202 = tpu.memref_slice %arg2[%dma_wait3A_200, %dma_wait3A_201] : memref<10000x64xf32, #tpu.memory_space<hbm>> -> memref<10000x64xf32, #tpu.memory_space<hbm>>
        tpu.wait_indirect_dma semaphore(%arg19 : memref<!tpu.dma_semaphore, #tpu.memory_space<semaphore_mem>>) src(%dma_wait3A_202 : memref<10000x64xf32, #tpu.memory_space<hbm>>) dst(%arg12 : memref<100x64xf32, #tpu.memory_space<vmem>>)
        %add3A_203 = arith.constant 4 : i32
        %add3A_204 = arith.addi %add3A_152, %add3A_203 : i32
        "tpu.region"() ({
          %run_scoped3A = tpu.sem_alloc : memref<!tpu.dma_semaphore, #tpu.memory_space<semaphore_mem>>
          %dma_start3A_214 = arith.constant 0 : i32
          %dma_start3A_215 = tpu.memref_slice %arg7[%add3A_204, %dma_start3A_214] : memref<50x100xi32, #tpu.memory_space<vmem>> -> memref<1x100xi32, #tpu.memory_space<vmem>>
          %dma_start3A_216 = tpu.memref_squeeze %dma_start3A_215 : memref<1x100xi32, #tpu.memory_space<vmem>> -> memref<100xi32, #tpu.memory_space<vmem>>
          %dma_start3A_217 = arith.constant 0 : i32
          %dma_start3A_218 = arith.constant 0 : i32
          %dma_start3A_219 = tpu.memref_slice %arg14[%dma_start3A_217, %dma_start3A_218] : memref<10000x64xf32, #tpu.memory_space<vmem_shared>> -> memref<10000x64xf32, #tpu.memory_space<vmem_shared>>
          tpu.enqueue_indirect_dma source(%arg12 : memref<100x64xf32, #tpu.memory_space<vmem>>) target(%dma_start3A_219 : memref<10000x64xf32, #tpu.memory_space<vmem_shared>>) offsets(%dma_start3A_216 : memref<100xi32, #tpu.memory_space<vmem>>) semaphore(%run_scoped3A : memref<!tpu.dma_semaphore, #tpu.memory_space<semaphore_mem>>) {add = true}
          %dma_wait3A_220 = arith.constant 0 : i32
          %dma_wait3A_221 = tpu.memref_slice %arg7[%add3A_204, %dma_wait3A_220] : memref<50x100xi32, #tpu.memory_space<vmem>> -> memref<1x100xi32, #tpu.memory_space<vmem>>
          %dma_wait3A_222 = tpu.memref_squeeze %dma_wait3A_221 : memref<1x100xi32, #tpu.memory_space<vmem>> -> memref<100xi32, #tpu.memory_space<vmem>>
          %dma_wait3A_223 = arith.constant 0 : i32
          %dma_wait3A_224 = arith.constant 0 : i32
          %dma_wait3A_225 = tpu.memref_slice %arg14[%dma_wait3A_223, %dma_wait3A_224] : memref<10000x64xf32, #tpu.memory_space<vmem_shared>> -> memref<10000x64xf32, #tpu.memory_space<vmem_shared>>
          tpu.wait_indirect_dma semaphore(%run_scoped3A : memref<!tpu.dma_semaphore, #tpu.memory_space<semaphore_mem>>) src(%arg12 : memref<100x64xf32, #tpu.memory_space<vmem>>) dst(%dma_wait3A_225 : memref<10000x64xf32, #tpu.memory_space<vmem_shared>>)
          tpu.yield
        }) : () -> ()
        %add3A_205 = arith.constant 4 : i32
        %add3A_206 = arith.addi %add3A_152, %add3A_205 : i32
        %add3A_207 = arith.constant 6 : i32
        %add3A_208 = arith.addi %add3A_206, %add3A_207 : i32
        %lt3A_209 = arith.constant 50 : i32
        %lt3A_210 = arith.cmpi slt, %add3A_208, %lt3A_209 : i32
        %convert_element_type3A_211 = arith.extui %lt3A_210 : i1 to i32
        %cond3A_212 = arith.constant 0 : i32
        %cond3A_213 = arith.cmpi ne, %convert_element_type3A_211, %cond3A_212 : i32
        scf.if %cond3A_213 {
          %add3A_214 = arith.constant 4 : i32
          %add3A_215 = arith.addi %add3A_152, %add3A_214 : i32
          %add3A_216 = arith.constant 6 : i32
          %add3A_217 = arith.addi %add3A_215, %add3A_216 : i32
          %dma_start3A_218 = arith.constant 0 : i32
          %dma_start3A_219 = tpu.memref_slice %arg6[%add3A_217, %dma_start3A_218] : memref<50x100xi32, #tpu.memory_space<vmem>> -> memref<1x100xi32, #tpu.memory_space<vmem>>
          %dma_start3A_220 = tpu.memref_squeeze %dma_start3A_219 : memref<1x100xi32, #tpu.memory_space<vmem>> -> memref<100xi32, #tpu.memory_space<vmem>>
          %dma_start3A_221 = arith.constant 0 : i32
          %dma_start3A_222 = arith.constant 0 : i32
          %dma_start3A_223 = tpu.memref_slice %arg2[%dma_start3A_221, %dma_start3A_222] : memref<10000x64xf32, #tpu.memory_space<hbm>> -> memref<10000x64xf32, #tpu.memory_space<hbm>>
          tpu.enqueue_indirect_dma source(%dma_start3A_223 : memref<10000x64xf32, #tpu.memory_space<hbm>>) target(%arg12 : memref<100x64xf32, #tpu.memory_space<vmem>>) offsets(%dma_start3A_220 : memref<100xi32, #tpu.memory_space<vmem>>) semaphore(%arg19 : memref<!tpu.dma_semaphore, #tpu.memory_space<semaphore_mem>>)
        } else {
        }
      } else {
      }
      %add3A_188 = arith.constant 5 : i32
      %add3A_189 = arith.addi %add3A_152, %add3A_188 : i32
      %lt3A_190 = arith.constant 50 : i32
      %lt3A_191 = arith.cmpi slt, %add3A_189, %lt3A_190 : i32
      %convert_element_type3A_192 = arith.extui %lt3A_191 : i1 to i32
      %cond3A_193 = arith.constant 0 : i32
      %cond3A_194 = arith.cmpi ne, %convert_element_type3A_192, %cond3A_193 : i32
      scf.if %cond3A_194 {
        %add3A_195 = arith.constant 5 : i32
        %add3A_196 = arith.addi %add3A_152, %add3A_195 : i32
        %dma_wait3A_197 = arith.constant 0 : i32
        %dma_wait3A_198 = tpu.memref_slice %arg6[%add3A_196, %dma_wait3A_197] : memref<50x100xi32, #tpu.memory_space<vmem>> -> memref<1x100xi32, #tpu.memory_space<vmem>>
        %dma_wait3A_199 = tpu.memref_squeeze %dma_wait3A_198 : memref<1x100xi32, #tpu.memory_space<vmem>> -> memref<100xi32, #tpu.memory_space<vmem>>
        %dma_wait3A_200 = arith.constant 0 : i32
        %dma_wait3A_201 = arith.constant 0 : i32
        %dma_wait3A_202 = tpu.memref_slice %arg2[%dma_wait3A_200, %dma_wait3A_201] : memref<10000x64xf32, #tpu.memory_space<hbm>> -> memref<10000x64xf32, #tpu.memory_space<hbm>>
        tpu.wait_indirect_dma semaphore(%arg20 : memref<!tpu.dma_semaphore, #tpu.memory_space<semaphore_mem>>) src(%dma_wait3A_202 : memref<10000x64xf32, #tpu.memory_space<hbm>>) dst(%arg13 : memref<100x64xf32, #tpu.memory_space<vmem>>)
        %add3A_203 = arith.constant 5 : i32
        %add3A_204 = arith.addi %add3A_152, %add3A_203 : i32
        "tpu.region"() ({
          %run_scoped3A = tpu.sem_alloc : memref<!tpu.dma_semaphore, #tpu.memory_space<semaphore_mem>>
          %dma_start3A_214 = arith.constant 0 : i32
          %dma_start3A_215 = tpu.memref_slice %arg7[%add3A_204, %dma_start3A_214] : memref<50x100xi32, #tpu.memory_space<vmem>> -> memref<1x100xi32, #tpu.memory_space<vmem>>
          %dma_start3A_216 = tpu.memref_squeeze %dma_start3A_215 : memref<1x100xi32, #tpu.memory_space<vmem>> -> memref<100xi32, #tpu.memory_space<vmem>>
          %dma_start3A_217 = arith.constant 0 : i32
          %dma_start3A_218 = arith.constant 0 : i32
          %dma_start3A_219 = tpu.memref_slice %arg14[%dma_start3A_217, %dma_start3A_218] : memref<10000x64xf32, #tpu.memory_space<vmem_shared>> -> memref<10000x64xf32, #tpu.memory_space<vmem_shared>>
          tpu.enqueue_indirect_dma source(%arg13 : memref<100x64xf32, #tpu.memory_space<vmem>>) target(%dma_start3A_219 : memref<10000x64xf32, #tpu.memory_space<vmem_shared>>) offsets(%dma_start3A_216 : memref<100xi32, #tpu.memory_space<vmem>>) semaphore(%run_scoped3A : memref<!tpu.dma_semaphore, #tpu.memory_space<semaphore_mem>>) {add = true}
          %dma_wait3A_220 = arith.constant 0 : i32
          %dma_wait3A_221 = tpu.memref_slice %arg7[%add3A_204, %dma_wait3A_220] : memref<50x100xi32, #tpu.memory_space<vmem>> -> memref<1x100xi32, #tpu.memory_space<vmem>>
          %dma_wait3A_222 = tpu.memref_squeeze %dma_wait3A_221 : memref<1x100xi32, #tpu.memory_space<vmem>> -> memref<100xi32, #tpu.memory_space<vmem>>
          %dma_wait3A_223 = arith.constant 0 : i32
          %dma_wait3A_224 = arith.constant 0 : i32
          %dma_wait3A_225 = tpu.memref_slice %arg14[%dma_wait3A_223, %dma_wait3A_224] : memref<10000x64xf32, #tpu.memory_space<vmem_shared>> -> memref<10000x64xf32, #tpu.memory_space<vmem_shared>>
          tpu.wait_indirect_dma semaphore(%run_scoped3A : memref<!tpu.dma_semaphore, #tpu.memory_space<semaphore_mem>>) src(%arg13 : memref<100x64xf32, #tpu.memory_space<vmem>>) dst(%dma_wait3A_225 : memref<10000x64xf32, #tpu.memory_space<vmem_shared>>)
          tpu.yield
        }) : () -> ()
        %add3A_205 = arith.constant 5 : i32
        %add3A_206 = arith.addi %add3A_152, %add3A_205 : i32
        %add3A_207 = arith.constant 6 : i32
        %add3A_208 = arith.addi %add3A_206, %add3A_207 : i32
        %lt3A_209 = arith.constant 50 : i32
        %lt3A_210 = arith.cmpi slt, %add3A_208, %lt3A_209 : i32
        %convert_element_type3A_211 = arith.extui %lt3A_210 : i1 to i32
        %cond3A_212 = arith.constant 0 : i32
        %cond3A_213 = arith.cmpi ne, %convert_element_type3A_211, %cond3A_212 : i32
        scf.if %cond3A_213 {
          %add3A_214 = arith.constant 5 : i32
          %add3A_215 = arith.addi %add3A_152, %add3A_214 : i32
          %add3A_216 = arith.constant 6 : i32
          %add3A_217 = arith.addi %add3A_215, %add3A_216 : i32
          %dma_start3A_218 = arith.constant 0 : i32
          %dma_start3A_219 = tpu.memref_slice %arg6[%add3A_217, %dma_start3A_218] : memref<50x100xi32, #tpu.memory_space<vmem>> -> memref<1x100xi32, #tpu.memory_space<vmem>>
          %dma_start3A_220 = tpu.memref_squeeze %dma_start3A_219 : memref<1x100xi32, #tpu.memory_space<vmem>> -> memref<100xi32, #tpu.memory_space<vmem>>
          %dma_start3A_221 = arith.constant 0 : i32
          %dma_start3A_222 = arith.constant 0 : i32
          %dma_start3A_223 = tpu.memref_slice %arg2[%dma_start3A_221, %dma_start3A_222] : memref<10000x64xf32, #tpu.memory_space<hbm>> -> memref<10000x64xf32, #tpu.memory_space<hbm>>
          tpu.enqueue_indirect_dma source(%dma_start3A_223 : memref<10000x64xf32, #tpu.memory_space<hbm>>) target(%arg13 : memref<100x64xf32, #tpu.memory_space<vmem>>) offsets(%dma_start3A_220 : memref<100xi32, #tpu.memory_space<vmem>>) semaphore(%arg20 : memref<!tpu.dma_semaphore, #tpu.memory_space<semaphore_mem>>)
        } else {
        }
      } else {
      }
    }
    %scan3A_138 = arith.constant 9 : i32
    %barrier3A_139 = arith.constant 0 : index
    tpu.barrier barrier_id(%barrier3A_139)
    %mul3A_140 = arith.constant 632 : i32
    %mul3A_141 = arith.muli %arg1, %mul3A_140 : i32
    %lt3A = arith.constant 15 : i32
    %lt3A_142 = arith.cmpi slt, %arg1, %lt3A : i32
    %convert_element_type3A = arith.extui %lt3A_142 : i1 to i32
    %cond3A = arith.constant 0 : i32
    %cond3A_143 = arith.cmpi ne, %convert_element_type3A, %cond3A : i32
    scf.if %cond3A_143 {
      "tpu.region"() ({
        %run_scoped3A = tpu.sem_alloc : memref<!tpu.dma_semaphore, #tpu.memory_space<semaphore_mem>>
        %dma_start3A_148 = arith.constant 0 : i32
        %dma_start3A_149 = tpu.memref_slice %arg5[%arg0, %mul3A_141, %dma_start3A_148] : memref<2x10000x64xf32, #tpu.memory_space<hbm>> -> memref<1x632x64xf32, #tpu.memory_space<hbm>>
        %dma_start3A_150 = tpu.memref_squeeze %dma_start3A_149 : memref<1x632x64xf32, #tpu.memory_space<hbm>> -> memref<632x64xf32, #tpu.memory_space<hbm>>
        %dma_start3A_151 = arith.constant 0 : i32
        %dma_start3A_152 = tpu.memref_slice %arg14[%mul3A_141, %dma_start3A_151] : memref<10000x64xf32, #tpu.memory_space<vmem_shared>> -> memref<632x64xf32, #tpu.memory_space<vmem_shared>>
        tpu.enqueue_dma source(%dma_start3A_152 : memref<632x64xf32, #tpu.memory_space<vmem_shared>>) target(%dma_start3A_150 : memref<632x64xf32, #tpu.memory_space<hbm>>) target_semaphore(%run_scoped3A : memref<!tpu.dma_semaphore, #tpu.memory_space<semaphore_mem>>)
        %dma_wait3A_153 = arith.constant 0 : i32
        %dma_wait3A_154 = tpu.memref_slice %arg5[%arg0, %mul3A_141, %dma_wait3A_153] : memref<2x10000x64xf32, #tpu.memory_space<hbm>> -> memref<1x632x64xf32, #tpu.memory_space<hbm>>
        %dma_wait3A_155 = tpu.memref_squeeze %dma_wait3A_154 : memref<1x632x64xf32, #tpu.memory_space<hbm>> -> memref<632x64xf32, #tpu.memory_space<hbm>>
        %dma_wait3A_156 = arith.constant 0 : i32
        %dma_wait3A_157 = tpu.memref_slice %arg14[%mul3A_141, %dma_wait3A_156] : memref<10000x64xf32, #tpu.memory_space<vmem_shared>> -> memref<632x64xf32, #tpu.memory_space<vmem_shared>>
        tpu.wait_dma2 semaphore(%run_scoped3A : memref<!tpu.dma_semaphore, #tpu.memory_space<semaphore_mem>>) src(%dma_wait3A_157 : memref<632x64xf32, #tpu.memory_space<vmem_shared>>) dst(%dma_wait3A_155 : memref<632x64xf32, #tpu.memory_space<hbm>>)
        tpu.yield
      }) : () -> ()
    } else {
    }
    %eq3A = arith.constant 15 : i32
    %eq3A_144 = arith.cmpi eq, %arg1, %eq3A : i32
    %convert_element_type3A_145 = arith.extui %eq3A_144 : i1 to i32
    %cond3A_146 = arith.constant 0 : i32
    %cond3A_147 = arith.cmpi ne, %convert_element_type3A_145, %cond3A_146 : i32
    scf.if %cond3A_147 {
      "tpu.region"() ({
        %run_scoped3A = tpu.sem_alloc : memref<!tpu.dma_semaphore, #tpu.memory_space<semaphore_mem>>
        %dma_start3A_148 = arith.constant 0 : i32
        %dma_start3A_149 = tpu.memref_slice %arg5[%arg0, %mul3A_141, %dma_start3A_148] : memref<2x10000x64xf32, #tpu.memory_space<hbm>> -> memref<1x520x64xf32, #tpu.memory_space<hbm>>
        %dma_start3A_150 = tpu.memref_squeeze %dma_start3A_149 : memref<1x520x64xf32, #tpu.memory_space<hbm>> -> memref<520x64xf32, #tpu.memory_space<hbm>>
        %dma_start3A_151 = arith.constant 0 : i32
        %dma_start3A_152 = tpu.memref_slice %arg14[%mul3A_141, %dma_start3A_151] : memref<10000x64xf32, #tpu.memory_space<vmem_shared>> -> memref<520x64xf32, #tpu.memory_space<vmem_shared>>
        tpu.enqueue_dma source(%dma_start3A_152 : memref<520x64xf32, #tpu.memory_space<vmem_shared>>) target(%dma_start3A_150 : memref<520x64xf32, #tpu.memory_space<hbm>>) target_semaphore(%run_scoped3A : memref<!tpu.dma_semaphore, #tpu.memory_space<semaphore_mem>>)
        %dma_wait3A_153 = arith.constant 0 : i32
        %dma_wait3A_154 = tpu.memref_slice %arg5[%arg0, %mul3A_141, %dma_wait3A_153] : memref<2x10000x64xf32, #tpu.memory_space<hbm>> -> memref<1x520x64xf32, #tpu.memory_space<hbm>>
        %dma_wait3A_155 = tpu.memref_squeeze %dma_wait3A_154 : memref<1x520x64xf32, #tpu.memory_space<hbm>> -> memref<520x64xf32, #tpu.memory_space<hbm>>
        %dma_wait3A_156 = arith.constant 0 : i32
        %dma_wait3A_157 = tpu.memref_slice %arg14[%mul3A_141, %dma_wait3A_156] : memref<10000x64xf32, #tpu.memory_space<vmem_shared>> -> memref<520x64xf32, #tpu.memory_space<vmem_shared>>
        tpu.wait_dma2 semaphore(%run_scoped3A : memref<!tpu.dma_semaphore, #tpu.memory_space<semaphore_mem>>) src(%dma_wait3A_157 : memref<520x64xf32, #tpu.memory_space<vmem_shared>>) dst(%dma_wait3A_155 : memref<520x64xf32, #tpu.memory_space<hbm>>)
        tpu.yield
      }) : () -> ()
    } else {
    }
    return
  }
}

#map = affine_map<(d0, d1) -> (0, 0)>
#map1 = affine_map<(d0, d1) -> (0, 0, 0)>
module attributes {stable_mosaic.version = 14 : i64} {
  func.func @agg(%arg0: i32, %arg1: i32, %arg2: memref<10000x128xf32, #tpu.memory_space<hbm>>, %arg3: memref<32x100x100xi32, #tpu.memory_space<hbm>>, %arg4: memref<32x100x100xi32, #tpu.memory_space<hbm>>, %arg5: memref<2x10000x128xf32, #tpu.memory_space<hbm>>, %arg6: memref<50x100xi32, #tpu.memory_space<vmem>>, %arg7: memref<50x100xi32, #tpu.memory_space<vmem>>, %arg8: memref<100x128xf32, #tpu.memory_space<vmem>>, %arg9: memref<100x128xf32, #tpu.memory_space<vmem>>, %arg10: memref<100x128xf32, #tpu.memory_space<vmem>>, %arg11: memref<10000x128xf32, #tpu.memory_space<vmem_shared>>, %arg12: memref<!tpu.dma_semaphore, #tpu.memory_space<semaphore_mem>>, %arg13: memref<!tpu.dma_semaphore, #tpu.memory_space<semaphore_mem>>, %arg14: memref<!tpu.dma_semaphore, #tpu.memory_space<semaphore_mem>>) attributes {dimension_semantics = [#tpu.dimension_semantics<core_parallel>, #tpu.dimension_semantics<subcore_parallel>], iteration_bounds = array<i64: 2, 16>, scalar_prefetch = 0 : i64, scratch_operands = 9 : i64, tpu.core_type = #tpu.core_type<sc_vector_subcore>, window_params = [{transform_indices = #map}, {transform_indices = #map1}, {transform_indices = #map1}, {transform_indices = #map1}]} {
    %mul3A = arith.constant 2 : i32
    %mul3A_0 = arith.muli %arg1, %mul3A : i32
    %add3A = arith.addi %mul3A_0, %arg0 : i32
    %dma_start3A = arith.constant 0 : i32
    %dma_start3A_1 = arith.constant 0 : i32
    %dma_start3A_2 = tpu.memref_slice %arg3[%add3A, %dma_start3A, %dma_start3A_1] : memref<32x100x100xi32, #tpu.memory_space<hbm>> -> memref<1x50x100xi32, #tpu.memory_space<hbm>>
    %dma_start3A_3 = tpu.memref_squeeze %dma_start3A_2 : memref<1x50x100xi32, #tpu.memory_space<hbm>> -> memref<50x100xi32, #tpu.memory_space<hbm>>
    %dma_start3A_4 = arith.constant 0 : i32
    %dma_start3A_5 = arith.constant 0 : i32
    %dma_start3A_6 = tpu.memref_slice %arg3[%add3A, %dma_start3A_4, %dma_start3A_5] : memref<32x100x100xi32, #tpu.memory_space<hbm>> -> memref<1x50x100xi32, #tpu.memory_space<hbm>>
    %dma_start3A_7 = tpu.memref_squeeze %dma_start3A_6 : memref<1x50x100xi32, #tpu.memory_space<hbm>> -> memref<50x100xi32, #tpu.memory_space<hbm>>
    tpu.enqueue_dma source(%dma_start3A_7 : memref<50x100xi32, #tpu.memory_space<hbm>>) target(%arg6 : memref<50x100xi32, #tpu.memory_space<vmem>>) target_semaphore(%arg12 : memref<!tpu.dma_semaphore, #tpu.memory_space<semaphore_mem>>)
    %dma_start3A_8 = arith.constant 0 : i32
    %dma_start3A_9 = arith.constant 0 : i32
    %dma_start3A_10 = tpu.memref_slice %arg4[%add3A, %dma_start3A_8, %dma_start3A_9] : memref<32x100x100xi32, #tpu.memory_space<hbm>> -> memref<1x50x100xi32, #tpu.memory_space<hbm>>
    %dma_start3A_11 = tpu.memref_squeeze %dma_start3A_10 : memref<1x50x100xi32, #tpu.memory_space<hbm>> -> memref<50x100xi32, #tpu.memory_space<hbm>>
    %dma_start3A_12 = arith.constant 0 : i32
    %dma_start3A_13 = arith.constant 0 : i32
    %dma_start3A_14 = tpu.memref_slice %arg4[%add3A, %dma_start3A_12, %dma_start3A_13] : memref<32x100x100xi32, #tpu.memory_space<hbm>> -> memref<1x50x100xi32, #tpu.memory_space<hbm>>
    %dma_start3A_15 = tpu.memref_squeeze %dma_start3A_14 : memref<1x50x100xi32, #tpu.memory_space<hbm>> -> memref<50x100xi32, #tpu.memory_space<hbm>>
    tpu.enqueue_dma source(%dma_start3A_15 : memref<50x100xi32, #tpu.memory_space<hbm>>) target(%arg7 : memref<50x100xi32, #tpu.memory_space<vmem>>) target_semaphore(%arg13 : memref<!tpu.dma_semaphore, #tpu.memory_space<semaphore_mem>>)
    %scan3A = arith.constant 0 : i32
    %scan3A_16 = arith.constant 100 : i32
    %scan3A_17 = arith.addi %scan3A, %scan3A_16 : i32
    %scan3A_18 = arith.constant 1 : i32
    scf.for %scan3A_106 = %scan3A to %scan3A_17 step %scan3A_18  : i32 {
      %mul3A_107 = arith.constant 1 : i32
      %mul3A_108 = arith.muli %scan3A_106, %mul3A_107 : i32
      %add3A_109 = arith.constant 0 : i32
      %add3A_110 = arith.addi %add3A_109, %mul3A_108 : i32
      %scan3A_111 = arith.constant 0 : i32
      %scan3A_112 = arith.constant 8 : i32
      %scan3A_113 = arith.addi %scan3A_111, %scan3A_112 : i32
      %scan3A_114 = arith.constant 1 : i32
      scf.for %scan3A_116 = %scan3A_111 to %scan3A_113 step %scan3A_114  : i32 {
        %mul3A_117 = arith.constant 16 : i32
        %mul3A_118 = arith.muli %scan3A_116, %mul3A_117 : i32
        %add3A_119 = arith.constant 0 : i32
        %add3A_120 = arith.addi %add3A_119, %mul3A_118 : i32
        %broadcast_in_dim3A = arith.constant 0.000000e+00 : f32
        %broadcast_in_dim3A_121 = vector.broadcast %broadcast_in_dim3A : f32 to vector<1x16xf32>
        %swap3A = arith.index_cast %add3A_110 : i32 to index
        %swap3A_122 = arith.index_cast %add3A_120 : i32 to index
        %swap3A_123 = tpu.vector_load %arg8[%swap3A, %swap3A_122] {strides = array<i32>} : memref<100x128xf32, #tpu.memory_space<vmem>>, vector<1x16xf32>,
        %swap3A_124 = vector.shape_cast %swap3A_123 : vector<1x16xf32> to vector<1x16xf32>
        %swap3A_125 = vector.shape_cast %broadcast_in_dim3A_121 : vector<1x16xf32> to vector<1x16xf32>
        tpu.vector_store %arg8[%swap3A, %swap3A_122], %swap3A_125 {strides = array<i32>} : memref<100x128xf32, #tpu.memory_space<vmem>>, vector<1x16xf32>,
      }
      %scan3A_115 = arith.constant 8 : i32
    }
    %scan3A_19 = arith.constant 100 : i32
    %mul3A_20 = arith.constant 625 : i32
    %mul3A_21 = arith.muli %arg1, %mul3A_20 : i32
    %scan3A_22 = arith.constant 0 : i32
    %scan3A_23 = arith.constant 6 : i32
    %scan3A_24 = arith.addi %scan3A_22, %scan3A_23 : i32
    %scan3A_25 = arith.constant 1 : i32
    scf.for %scan3A_106 = %scan3A_22 to %scan3A_24 step %scan3A_25  : i32 {
      %mul3A_107 = arith.constant 100 : i32
      %mul3A_108 = arith.muli %scan3A_106, %mul3A_107 : i32
      %add3A_109 = arith.constant 0 : i32
      %add3A_110 = arith.addi %add3A_109, %mul3A_108 : i32
      %add3A_111 = arith.addi %mul3A_21, %add3A_110 : i32
      "tpu.region"() ({
        %run_scoped3A = tpu.sem_alloc : memref<!tpu.dma_semaphore, #tpu.memory_space<semaphore_mem>>
        %dma_start3A_112 = arith.constant 0 : i32
        %dma_start3A_113 = tpu.memref_slice %arg11[%add3A_111, %dma_start3A_112] : memref<10000x128xf32, #tpu.memory_space<vmem_shared>> -> memref<100x128xf32, #tpu.memory_space<vmem_shared>>
        %dma_start3A_114 = arith.constant 0 : i32
        %dma_start3A_115 = tpu.memref_slice %arg11[%add3A_111, %dma_start3A_114] : memref<10000x128xf32, #tpu.memory_space<vmem_shared>> -> memref<100x128xf32, #tpu.memory_space<vmem_shared>>
        tpu.enqueue_dma source(%arg8 : memref<100x128xf32, #tpu.memory_space<vmem>>) target(%dma_start3A_115 : memref<100x128xf32, #tpu.memory_space<vmem_shared>>) target_semaphore(%run_scoped3A : memref<!tpu.dma_semaphore, #tpu.memory_space<semaphore_mem>>)
        %dma_wait3A_116 = arith.constant 0 : i32
        %dma_wait3A_117 = tpu.memref_slice %arg11[%add3A_111, %dma_wait3A_116] : memref<10000x128xf32, #tpu.memory_space<vmem_shared>> -> memref<100x128xf32, #tpu.memory_space<vmem_shared>>
        %dma_wait3A_118 = arith.constant 0 : i32
        %dma_wait3A_119 = tpu.memref_slice %arg11[%add3A_111, %dma_wait3A_118] : memref<10000x128xf32, #tpu.memory_space<vmem_shared>> -> memref<100x128xf32, #tpu.memory_space<vmem_shared>>
        tpu.wait_dma2 semaphore(%run_scoped3A : memref<!tpu.dma_semaphore, #tpu.memory_space<semaphore_mem>>) src(%arg8 : memref<100x128xf32, #tpu.memory_space<vmem>>) dst(%dma_wait3A_119 : memref<100x128xf32, #tpu.memory_space<vmem_shared>>)
        tpu.yield
      }) : () -> ()
    }
    %scan3A_26 = arith.constant 6 : i32
    %add3A_27 = arith.constant 625 : i32
    %add3A_28 = arith.addi %mul3A_21, %add3A_27 : i32
    %sub3A = arith.constant 25 : i32
    %sub3A_29 = arith.subi %add3A_28, %sub3A : i32
    "tpu.region"() ({
      %run_scoped3A = tpu.sem_alloc : memref<!tpu.dma_semaphore, #tpu.memory_space<semaphore_mem>>
      %dma_start3A_106 = arith.constant 0 : i32
      %dma_start3A_107 = arith.constant 0 : i32
      %dma_start3A_108 = tpu.memref_slice %arg8[%dma_start3A_106, %dma_start3A_107] : memref<100x128xf32, #tpu.memory_space<vmem>> -> memref<25x128xf32, #tpu.memory_space<vmem>>
      %dma_start3A_109 = arith.constant 0 : i32
      %dma_start3A_110 = tpu.memref_slice %arg11[%sub3A_29, %dma_start3A_109] : memref<10000x128xf32, #tpu.memory_space<vmem_shared>> -> memref<25x128xf32, #tpu.memory_space<vmem_shared>>
      %dma_start3A_111 = arith.constant 0 : i32
      %dma_start3A_112 = tpu.memref_slice %arg11[%sub3A_29, %dma_start3A_111] : memref<10000x128xf32, #tpu.memory_space<vmem_shared>> -> memref<25x128xf32, #tpu.memory_space<vmem_shared>>
      %dma_start3A_113 = arith.constant 0 : i32
      %dma_start3A_114 = arith.constant 0 : i32
      %dma_start3A_115 = tpu.memref_slice %arg8[%dma_start3A_113, %dma_start3A_114] : memref<100x128xf32, #tpu.memory_space<vmem>> -> memref<25x128xf32, #tpu.memory_space<vmem>>
      tpu.enqueue_dma source(%dma_start3A_115 : memref<25x128xf32, #tpu.memory_space<vmem>>) target(%dma_start3A_112 : memref<25x128xf32, #tpu.memory_space<vmem_shared>>) target_semaphore(%run_scoped3A : memref<!tpu.dma_semaphore, #tpu.memory_space<semaphore_mem>>)
      %dma_wait3A_116 = arith.constant 0 : i32
      %dma_wait3A_117 = arith.constant 0 : i32
      %dma_wait3A_118 = tpu.memref_slice %arg8[%dma_wait3A_116, %dma_wait3A_117] : memref<100x128xf32, #tpu.memory_space<vmem>> -> memref<25x128xf32, #tpu.memory_space<vmem>>
      %dma_wait3A_119 = arith.constant 0 : i32
      %dma_wait3A_120 = tpu.memref_slice %arg11[%sub3A_29, %dma_wait3A_119] : memref<10000x128xf32, #tpu.memory_space<vmem_shared>> -> memref<25x128xf32, #tpu.memory_space<vmem_shared>>
      %dma_wait3A_121 = arith.constant 0 : i32
      %dma_wait3A_122 = tpu.memref_slice %arg11[%sub3A_29, %dma_wait3A_121] : memref<10000x128xf32, #tpu.memory_space<vmem_shared>> -> memref<25x128xf32, #tpu.memory_space<vmem_shared>>
      %dma_wait3A_123 = arith.constant 0 : i32
      %dma_wait3A_124 = arith.constant 0 : i32
      %dma_wait3A_125 = tpu.memref_slice %arg8[%dma_wait3A_123, %dma_wait3A_124] : memref<100x128xf32, #tpu.memory_space<vmem>> -> memref<25x128xf32, #tpu.memory_space<vmem>>
      tpu.wait_dma2 semaphore(%run_scoped3A : memref<!tpu.dma_semaphore, #tpu.memory_space<semaphore_mem>>) src(%dma_wait3A_125 : memref<25x128xf32, #tpu.memory_space<vmem>>) dst(%dma_wait3A_122 : memref<25x128xf32, #tpu.memory_space<vmem_shared>>)
      tpu.yield
    }) : () -> ()
    %barrier3A = arith.constant 0 : index
    tpu.barrier barrier_id(%barrier3A)
    %dma_wait3A = arith.constant 0 : i32
    %dma_wait3A_30 = arith.constant 0 : i32
    %dma_wait3A_31 = tpu.memref_slice %arg3[%add3A, %dma_wait3A, %dma_wait3A_30] : memref<32x100x100xi32, #tpu.memory_space<hbm>> -> memref<1x50x100xi32, #tpu.memory_space<hbm>>
    %dma_wait3A_32 = tpu.memref_squeeze %dma_wait3A_31 : memref<1x50x100xi32, #tpu.memory_space<hbm>> -> memref<50x100xi32, #tpu.memory_space<hbm>>
    %dma_wait3A_33 = arith.constant 0 : i32
    %dma_wait3A_34 = arith.constant 0 : i32
    %dma_wait3A_35 = tpu.memref_slice %arg3[%add3A, %dma_wait3A_33, %dma_wait3A_34] : memref<32x100x100xi32, #tpu.memory_space<hbm>> -> memref<1x50x100xi32, #tpu.memory_space<hbm>>
    %dma_wait3A_36 = tpu.memref_squeeze %dma_wait3A_35 : memref<1x50x100xi32, #tpu.memory_space<hbm>> -> memref<50x100xi32, #tpu.memory_space<hbm>>
    tpu.wait_dma2 semaphore(%arg12 : memref<!tpu.dma_semaphore, #tpu.memory_space<semaphore_mem>>) src(%dma_wait3A_36 : memref<50x100xi32, #tpu.memory_space<hbm>>) dst(%arg6 : memref<50x100xi32, #tpu.memory_space<vmem>>)
    %dma_wait3A_37 = arith.constant 0 : i32
    %dma_wait3A_38 = arith.constant 0 : i32
    %dma_wait3A_39 = tpu.memref_slice %arg4[%add3A, %dma_wait3A_37, %dma_wait3A_38] : memref<32x100x100xi32, #tpu.memory_space<hbm>> -> memref<1x50x100xi32, #tpu.memory_space<hbm>>
    %dma_wait3A_40 = tpu.memref_squeeze %dma_wait3A_39 : memref<1x50x100xi32, #tpu.memory_space<hbm>> -> memref<50x100xi32, #tpu.memory_space<hbm>>
    %dma_wait3A_41 = arith.constant 0 : i32
    %dma_wait3A_42 = arith.constant 0 : i32
    %dma_wait3A_43 = tpu.memref_slice %arg4[%add3A, %dma_wait3A_41, %dma_wait3A_42] : memref<32x100x100xi32, #tpu.memory_space<hbm>> -> memref<1x50x100xi32, #tpu.memory_space<hbm>>
    %dma_wait3A_44 = tpu.memref_squeeze %dma_wait3A_43 : memref<1x50x100xi32, #tpu.memory_space<hbm>> -> memref<50x100xi32, #tpu.memory_space<hbm>>
    tpu.wait_dma2 semaphore(%arg13 : memref<!tpu.dma_semaphore, #tpu.memory_space<semaphore_mem>>) src(%dma_wait3A_44 : memref<50x100xi32, #tpu.memory_space<hbm>>) dst(%arg7 : memref<50x100xi32, #tpu.memory_space<vmem>>)
    %dma_start3A_45 = arith.constant 0 : i32
    %dma_start3A_46 = arith.constant 0 : i32
    %dma_start3A_47 = tpu.memref_slice %arg6[%dma_start3A_45, %dma_start3A_46] : memref<50x100xi32, #tpu.memory_space<vmem>> -> memref<1x100xi32, #tpu.memory_space<vmem>>
    %dma_start3A_48 = tpu.memref_squeeze %dma_start3A_47 : memref<1x100xi32, #tpu.memory_space<vmem>> -> memref<100xi32, #tpu.memory_space<vmem>>
    %dma_start3A_49 = arith.constant 0 : i32
    %dma_start3A_50 = arith.constant 0 : i32
    %dma_start3A_51 = tpu.memref_slice %arg2[%dma_start3A_49, %dma_start3A_50] : memref<10000x128xf32, #tpu.memory_space<hbm>> -> memref<10000x128xf32, #tpu.memory_space<hbm>>
    tpu.enqueue_indirect_dma source(%dma_start3A_51 : memref<10000x128xf32, #tpu.memory_space<hbm>>) target(%arg8 : memref<100x128xf32, #tpu.memory_space<vmem>>) offsets(%dma_start3A_48 : memref<100xi32, #tpu.memory_space<vmem>>) semaphore(%arg12 : memref<!tpu.dma_semaphore, #tpu.memory_space<semaphore_mem>>)
    %dma_start3A_52 = arith.constant 1 : i32
    %dma_start3A_53 = arith.constant 0 : i32
    %dma_start3A_54 = tpu.memref_slice %arg6[%dma_start3A_52, %dma_start3A_53] : memref<50x100xi32, #tpu.memory_space<vmem>> -> memref<1x100xi32, #tpu.memory_space<vmem>>
    %dma_start3A_55 = tpu.memref_squeeze %dma_start3A_54 : memref<1x100xi32, #tpu.memory_space<vmem>> -> memref<100xi32, #tpu.memory_space<vmem>>
    %dma_start3A_56 = arith.constant 0 : i32
    %dma_start3A_57 = arith.constant 0 : i32
    %dma_start3A_58 = tpu.memref_slice %arg2[%dma_start3A_56, %dma_start3A_57] : memref<10000x128xf32, #tpu.memory_space<hbm>> -> memref<10000x128xf32, #tpu.memory_space<hbm>>
    tpu.enqueue_indirect_dma source(%dma_start3A_58 : memref<10000x128xf32, #tpu.memory_space<hbm>>) target(%arg9 : memref<100x128xf32, #tpu.memory_space<vmem>>) offsets(%dma_start3A_55 : memref<100xi32, #tpu.memory_space<vmem>>) semaphore(%arg13 : memref<!tpu.dma_semaphore, #tpu.memory_space<semaphore_mem>>)
    %dma_start3A_59 = arith.constant 2 : i32
    %dma_start3A_60 = arith.constant 0 : i32
    %dma_start3A_61 = tpu.memref_slice %arg6[%dma_start3A_59, %dma_start3A_60] : memref<50x100xi32, #tpu.memory_space<vmem>> -> memref<1x100xi32, #tpu.memory_space<vmem>>
    %dma_start3A_62 = tpu.memref_squeeze %dma_start3A_61 : memref<1x100xi32, #tpu.memory_space<vmem>> -> memref<100xi32, #tpu.memory_space<vmem>>
    %dma_start3A_63 = arith.constant 0 : i32
    %dma_start3A_64 = arith.constant 0 : i32
    %dma_start3A_65 = tpu.memref_slice %arg2[%dma_start3A_63, %dma_start3A_64] : memref<10000x128xf32, #tpu.memory_space<hbm>> -> memref<10000x128xf32, #tpu.memory_space<hbm>>
    tpu.enqueue_indirect_dma source(%dma_start3A_65 : memref<10000x128xf32, #tpu.memory_space<hbm>>) target(%arg10 : memref<100x128xf32, #tpu.memory_space<vmem>>) offsets(%dma_start3A_62 : memref<100xi32, #tpu.memory_space<vmem>>) semaphore(%arg14 : memref<!tpu.dma_semaphore, #tpu.memory_space<semaphore_mem>>)
    %scan3A_66 = arith.constant 0 : i32
    %scan3A_67 = arith.constant 17 : i32
    %scan3A_68 = arith.addi %scan3A_66, %scan3A_67 : i32
    %scan3A_69 = arith.constant 1 : i32
    scf.for %scan3A_106 = %scan3A_66 to %scan3A_68 step %scan3A_69  : i32 {
      %mul3A_107 = arith.constant 3 : i32
      %mul3A_108 = arith.muli %scan3A_106, %mul3A_107 : i32
      %add3A_109 = arith.constant 0 : i32
      %add3A_110 = arith.addi %add3A_109, %mul3A_108 : i32
      %add3A_111 = arith.constant 0 : i32
      %add3A_112 = arith.addi %add3A_110, %add3A_111 : i32
      %lt3A_113 = arith.constant 50 : i32
      %lt3A_114 = arith.cmpi slt, %add3A_112, %lt3A_113 : i32
      %convert_element_type3A_115 = arith.extui %lt3A_114 : i1 to i32
      %cond3A_116 = arith.constant 0 : i32
      %cond3A_117 = arith.cmpi ne, %convert_element_type3A_115, %cond3A_116 : i32
      scf.if %cond3A_117 {
        %add3A_132 = arith.constant 0 : i32
        %add3A_133 = arith.addi %add3A_110, %add3A_132 : i32
        %dma_wait3A_134 = arith.constant 0 : i32
        %dma_wait3A_135 = tpu.memref_slice %arg6[%add3A_133, %dma_wait3A_134] : memref<50x100xi32, #tpu.memory_space<vmem>> -> memref<1x100xi32, #tpu.memory_space<vmem>>
        %dma_wait3A_136 = tpu.memref_squeeze %dma_wait3A_135 : memref<1x100xi32, #tpu.memory_space<vmem>> -> memref<100xi32, #tpu.memory_space<vmem>>
        %dma_wait3A_137 = arith.constant 0 : i32
        %dma_wait3A_138 = arith.constant 0 : i32
        %dma_wait3A_139 = tpu.memref_slice %arg2[%dma_wait3A_137, %dma_wait3A_138] : memref<10000x128xf32, #tpu.memory_space<hbm>> -> memref<10000x128xf32, #tpu.memory_space<hbm>>
        tpu.wait_indirect_dma semaphore(%arg12 : memref<!tpu.dma_semaphore, #tpu.memory_space<semaphore_mem>>) src(%dma_wait3A_139 : memref<10000x128xf32, #tpu.memory_space<hbm>>) dst(%arg8 : memref<100x128xf32, #tpu.memory_space<vmem>>)
        %add3A_140 = arith.constant 0 : i32
        %add3A_141 = arith.addi %add3A_110, %add3A_140 : i32
        "tpu.region"() ({
          %run_scoped3A = tpu.sem_alloc : memref<!tpu.dma_semaphore, #tpu.memory_space<semaphore_mem>>
          %dma_start3A_151 = arith.constant 0 : i32
          %dma_start3A_152 = tpu.memref_slice %arg7[%add3A_141, %dma_start3A_151] : memref<50x100xi32, #tpu.memory_space<vmem>> -> memref<1x100xi32, #tpu.memory_space<vmem>>
          %dma_start3A_153 = tpu.memref_squeeze %dma_start3A_152 : memref<1x100xi32, #tpu.memory_space<vmem>> -> memref<100xi32, #tpu.memory_space<vmem>>
          %dma_start3A_154 = arith.constant 0 : i32
          %dma_start3A_155 = arith.constant 0 : i32
          %dma_start3A_156 = tpu.memref_slice %arg11[%dma_start3A_154, %dma_start3A_155] : memref<10000x128xf32, #tpu.memory_space<vmem_shared>> -> memref<10000x128xf32, #tpu.memory_space<vmem_shared>>
          tpu.enqueue_indirect_dma source(%arg8 : memref<100x128xf32, #tpu.memory_space<vmem>>) target(%dma_start3A_156 : memref<10000x128xf32, #tpu.memory_space<vmem_shared>>) offsets(%dma_start3A_153 : memref<100xi32, #tpu.memory_space<vmem>>) semaphore(%run_scoped3A : memref<!tpu.dma_semaphore, #tpu.memory_space<semaphore_mem>>) {add = true}
          %dma_wait3A_157 = arith.constant 0 : i32
          %dma_wait3A_158 = tpu.memref_slice %arg7[%add3A_141, %dma_wait3A_157] : memref<50x100xi32, #tpu.memory_space<vmem>> -> memref<1x100xi32, #tpu.memory_space<vmem>>
          %dma_wait3A_159 = tpu.memref_squeeze %dma_wait3A_158 : memref<1x100xi32, #tpu.memory_space<vmem>> -> memref<100xi32, #tpu.memory_space<vmem>>
          %dma_wait3A_160 = arith.constant 0 : i32
          %dma_wait3A_161 = arith.constant 0 : i32
          %dma_wait3A_162 = tpu.memref_slice %arg11[%dma_wait3A_160, %dma_wait3A_161] : memref<10000x128xf32, #tpu.memory_space<vmem_shared>> -> memref<10000x128xf32, #tpu.memory_space<vmem_shared>>
          tpu.wait_indirect_dma semaphore(%run_scoped3A : memref<!tpu.dma_semaphore, #tpu.memory_space<semaphore_mem>>) src(%arg8 : memref<100x128xf32, #tpu.memory_space<vmem>>) dst(%dma_wait3A_162 : memref<10000x128xf32, #tpu.memory_space<vmem_shared>>)
          tpu.yield
        }) : () -> ()
        %add3A_142 = arith.constant 0 : i32
        %add3A_143 = arith.addi %add3A_110, %add3A_142 : i32
        %add3A_144 = arith.constant 3 : i32
        %add3A_145 = arith.addi %add3A_143, %add3A_144 : i32
        %lt3A_146 = arith.constant 50 : i32
        %lt3A_147 = arith.cmpi slt, %add3A_145, %lt3A_146 : i32
        %convert_element_type3A_148 = arith.extui %lt3A_147 : i1 to i32
        %cond3A_149 = arith.constant 0 : i32
        %cond3A_150 = arith.cmpi ne, %convert_element_type3A_148, %cond3A_149 : i32
        scf.if %cond3A_150 {
          %add3A_151 = arith.constant 0 : i32
          %add3A_152 = arith.addi %add3A_110, %add3A_151 : i32
          %add3A_153 = arith.constant 3 : i32
          %add3A_154 = arith.addi %add3A_152, %add3A_153 : i32
          %dma_start3A_155 = arith.constant 0 : i32
          %dma_start3A_156 = tpu.memref_slice %arg6[%add3A_154, %dma_start3A_155] : memref<50x100xi32, #tpu.memory_space<vmem>> -> memref<1x100xi32, #tpu.memory_space<vmem>>
          %dma_start3A_157 = tpu.memref_squeeze %dma_start3A_156 : memref<1x100xi32, #tpu.memory_space<vmem>> -> memref<100xi32, #tpu.memory_space<vmem>>
          %dma_start3A_158 = arith.constant 0 : i32
          %dma_start3A_159 = arith.constant 0 : i32
          %dma_start3A_160 = tpu.memref_slice %arg2[%dma_start3A_158, %dma_start3A_159] : memref<10000x128xf32, #tpu.memory_space<hbm>> -> memref<10000x128xf32, #tpu.memory_space<hbm>>
          tpu.enqueue_indirect_dma source(%dma_start3A_160 : memref<10000x128xf32, #tpu.memory_space<hbm>>) target(%arg8 : memref<100x128xf32, #tpu.memory_space<vmem>>) offsets(%dma_start3A_157 : memref<100xi32, #tpu.memory_space<vmem>>) semaphore(%arg12 : memref<!tpu.dma_semaphore, #tpu.memory_space<semaphore_mem>>)
        } else {
        }
      } else {
      }
      %add3A_118 = arith.constant 1 : i32
      %add3A_119 = arith.addi %add3A_110, %add3A_118 : i32
      %lt3A_120 = arith.constant 50 : i32
      %lt3A_121 = arith.cmpi slt, %add3A_119, %lt3A_120 : i32
      %convert_element_type3A_122 = arith.extui %lt3A_121 : i1 to i32
      %cond3A_123 = arith.constant 0 : i32
      %cond3A_124 = arith.cmpi ne, %convert_element_type3A_122, %cond3A_123 : i32
      scf.if %cond3A_124 {
        %add3A_132 = arith.constant 1 : i32
        %add3A_133 = arith.addi %add3A_110, %add3A_132 : i32
        %dma_wait3A_134 = arith.constant 0 : i32
        %dma_wait3A_135 = tpu.memref_slice %arg6[%add3A_133, %dma_wait3A_134] : memref<50x100xi32, #tpu.memory_space<vmem>> -> memref<1x100xi32, #tpu.memory_space<vmem>>
        %dma_wait3A_136 = tpu.memref_squeeze %dma_wait3A_135 : memref<1x100xi32, #tpu.memory_space<vmem>> -> memref<100xi32, #tpu.memory_space<vmem>>
        %dma_wait3A_137 = arith.constant 0 : i32
        %dma_wait3A_138 = arith.constant 0 : i32
        %dma_wait3A_139 = tpu.memref_slice %arg2[%dma_wait3A_137, %dma_wait3A_138] : memref<10000x128xf32, #tpu.memory_space<hbm>> -> memref<10000x128xf32, #tpu.memory_space<hbm>>
        tpu.wait_indirect_dma semaphore(%arg13 : memref<!tpu.dma_semaphore, #tpu.memory_space<semaphore_mem>>) src(%dma_wait3A_139 : memref<10000x128xf32, #tpu.memory_space<hbm>>) dst(%arg9 : memref<100x128xf32, #tpu.memory_space<vmem>>)
        %add3A_140 = arith.constant 1 : i32
        %add3A_141 = arith.addi %add3A_110, %add3A_140 : i32
        "tpu.region"() ({
          %run_scoped3A = tpu.sem_alloc : memref<!tpu.dma_semaphore, #tpu.memory_space<semaphore_mem>>
          %dma_start3A_151 = arith.constant 0 : i32
          %dma_start3A_152 = tpu.memref_slice %arg7[%add3A_141, %dma_start3A_151] : memref<50x100xi32, #tpu.memory_space<vmem>> -> memref<1x100xi32, #tpu.memory_space<vmem>>
          %dma_start3A_153 = tpu.memref_squeeze %dma_start3A_152 : memref<1x100xi32, #tpu.memory_space<vmem>> -> memref<100xi32, #tpu.memory_space<vmem>>
          %dma_start3A_154 = arith.constant 0 : i32
          %dma_start3A_155 = arith.constant 0 : i32
          %dma_start3A_156 = tpu.memref_slice %arg11[%dma_start3A_154, %dma_start3A_155] : memref<10000x128xf32, #tpu.memory_space<vmem_shared>> -> memref<10000x128xf32, #tpu.memory_space<vmem_shared>>
          tpu.enqueue_indirect_dma source(%arg9 : memref<100x128xf32, #tpu.memory_space<vmem>>) target(%dma_start3A_156 : memref<10000x128xf32, #tpu.memory_space<vmem_shared>>) offsets(%dma_start3A_153 : memref<100xi32, #tpu.memory_space<vmem>>) semaphore(%run_scoped3A : memref<!tpu.dma_semaphore, #tpu.memory_space<semaphore_mem>>) {add = true}
          %dma_wait3A_157 = arith.constant 0 : i32
          %dma_wait3A_158 = tpu.memref_slice %arg7[%add3A_141, %dma_wait3A_157] : memref<50x100xi32, #tpu.memory_space<vmem>> -> memref<1x100xi32, #tpu.memory_space<vmem>>
          %dma_wait3A_159 = tpu.memref_squeeze %dma_wait3A_158 : memref<1x100xi32, #tpu.memory_space<vmem>> -> memref<100xi32, #tpu.memory_space<vmem>>
          %dma_wait3A_160 = arith.constant 0 : i32
          %dma_wait3A_161 = arith.constant 0 : i32
          %dma_wait3A_162 = tpu.memref_slice %arg11[%dma_wait3A_160, %dma_wait3A_161] : memref<10000x128xf32, #tpu.memory_space<vmem_shared>> -> memref<10000x128xf32, #tpu.memory_space<vmem_shared>>
          tpu.wait_indirect_dma semaphore(%run_scoped3A : memref<!tpu.dma_semaphore, #tpu.memory_space<semaphore_mem>>) src(%arg9 : memref<100x128xf32, #tpu.memory_space<vmem>>) dst(%dma_wait3A_162 : memref<10000x128xf32, #tpu.memory_space<vmem_shared>>)
          tpu.yield
        }) : () -> ()
        %add3A_142 = arith.constant 1 : i32
        %add3A_143 = arith.addi %add3A_110, %add3A_142 : i32
        %add3A_144 = arith.constant 3 : i32
        %add3A_145 = arith.addi %add3A_143, %add3A_144 : i32
        %lt3A_146 = arith.constant 50 : i32
        %lt3A_147 = arith.cmpi slt, %add3A_145, %lt3A_146 : i32
        %convert_element_type3A_148 = arith.extui %lt3A_147 : i1 to i32
        %cond3A_149 = arith.constant 0 : i32
        %cond3A_150 = arith.cmpi ne, %convert_element_type3A_148, %cond3A_149 : i32
        scf.if %cond3A_150 {
          %add3A_151 = arith.constant 1 : i32
          %add3A_152 = arith.addi %add3A_110, %add3A_151 : i32
          %add3A_153 = arith.constant 3 : i32
          %add3A_154 = arith.addi %add3A_152, %add3A_153 : i32
          %dma_start3A_155 = arith.constant 0 : i32
          %dma_start3A_156 = tpu.memref_slice %arg6[%add3A_154, %dma_start3A_155] : memref<50x100xi32, #tpu.memory_space<vmem>> -> memref<1x100xi32, #tpu.memory_space<vmem>>
          %dma_start3A_157 = tpu.memref_squeeze %dma_start3A_156 : memref<1x100xi32, #tpu.memory_space<vmem>> -> memref<100xi32, #tpu.memory_space<vmem>>
          %dma_start3A_158 = arith.constant 0 : i32
          %dma_start3A_159 = arith.constant 0 : i32
          %dma_start3A_160 = tpu.memref_slice %arg2[%dma_start3A_158, %dma_start3A_159] : memref<10000x128xf32, #tpu.memory_space<hbm>> -> memref<10000x128xf32, #tpu.memory_space<hbm>>
          tpu.enqueue_indirect_dma source(%dma_start3A_160 : memref<10000x128xf32, #tpu.memory_space<hbm>>) target(%arg9 : memref<100x128xf32, #tpu.memory_space<vmem>>) offsets(%dma_start3A_157 : memref<100xi32, #tpu.memory_space<vmem>>) semaphore(%arg13 : memref<!tpu.dma_semaphore, #tpu.memory_space<semaphore_mem>>)
        } else {
        }
      } else {
      }
      %add3A_125 = arith.constant 2 : i32
      %add3A_126 = arith.addi %add3A_110, %add3A_125 : i32
      %lt3A_127 = arith.constant 50 : i32
      %lt3A_128 = arith.cmpi slt, %add3A_126, %lt3A_127 : i32
      %convert_element_type3A_129 = arith.extui %lt3A_128 : i1 to i32
      %cond3A_130 = arith.constant 0 : i32
      %cond3A_131 = arith.cmpi ne, %convert_element_type3A_129, %cond3A_130 : i32
      scf.if %cond3A_131 {
        %add3A_132 = arith.constant 2 : i32
        %add3A_133 = arith.addi %add3A_110, %add3A_132 : i32
        %dma_wait3A_134 = arith.constant 0 : i32
        %dma_wait3A_135 = tpu.memref_slice %arg6[%add3A_133, %dma_wait3A_134] : memref<50x100xi32, #tpu.memory_space<vmem>> -> memref<1x100xi32, #tpu.memory_space<vmem>>
        %dma_wait3A_136 = tpu.memref_squeeze %dma_wait3A_135 : memref<1x100xi32, #tpu.memory_space<vmem>> -> memref<100xi32, #tpu.memory_space<vmem>>
        %dma_wait3A_137 = arith.constant 0 : i32
        %dma_wait3A_138 = arith.constant 0 : i32
        %dma_wait3A_139 = tpu.memref_slice %arg2[%dma_wait3A_137, %dma_wait3A_138] : memref<10000x128xf32, #tpu.memory_space<hbm>> -> memref<10000x128xf32, #tpu.memory_space<hbm>>
        tpu.wait_indirect_dma semaphore(%arg14 : memref<!tpu.dma_semaphore, #tpu.memory_space<semaphore_mem>>) src(%dma_wait3A_139 : memref<10000x128xf32, #tpu.memory_space<hbm>>) dst(%arg10 : memref<100x128xf32, #tpu.memory_space<vmem>>)
        %add3A_140 = arith.constant 2 : i32
        %add3A_141 = arith.addi %add3A_110, %add3A_140 : i32
        "tpu.region"() ({
          %run_scoped3A = tpu.sem_alloc : memref<!tpu.dma_semaphore, #tpu.memory_space<semaphore_mem>>
          %dma_start3A_151 = arith.constant 0 : i32
          %dma_start3A_152 = tpu.memref_slice %arg7[%add3A_141, %dma_start3A_151] : memref<50x100xi32, #tpu.memory_space<vmem>> -> memref<1x100xi32, #tpu.memory_space<vmem>>
          %dma_start3A_153 = tpu.memref_squeeze %dma_start3A_152 : memref<1x100xi32, #tpu.memory_space<vmem>> -> memref<100xi32, #tpu.memory_space<vmem>>
          %dma_start3A_154 = arith.constant 0 : i32
          %dma_start3A_155 = arith.constant 0 : i32
          %dma_start3A_156 = tpu.memref_slice %arg11[%dma_start3A_154, %dma_start3A_155] : memref<10000x128xf32, #tpu.memory_space<vmem_shared>> -> memref<10000x128xf32, #tpu.memory_space<vmem_shared>>
          tpu.enqueue_indirect_dma source(%arg10 : memref<100x128xf32, #tpu.memory_space<vmem>>) target(%dma_start3A_156 : memref<10000x128xf32, #tpu.memory_space<vmem_shared>>) offsets(%dma_start3A_153 : memref<100xi32, #tpu.memory_space<vmem>>) semaphore(%run_scoped3A : memref<!tpu.dma_semaphore, #tpu.memory_space<semaphore_mem>>) {add = true}
          %dma_wait3A_157 = arith.constant 0 : i32
          %dma_wait3A_158 = tpu.memref_slice %arg7[%add3A_141, %dma_wait3A_157] : memref<50x100xi32, #tpu.memory_space<vmem>> -> memref<1x100xi32, #tpu.memory_space<vmem>>
          %dma_wait3A_159 = tpu.memref_squeeze %dma_wait3A_158 : memref<1x100xi32, #tpu.memory_space<vmem>> -> memref<100xi32, #tpu.memory_space<vmem>>
          %dma_wait3A_160 = arith.constant 0 : i32
          %dma_wait3A_161 = arith.constant 0 : i32
          %dma_wait3A_162 = tpu.memref_slice %arg11[%dma_wait3A_160, %dma_wait3A_161] : memref<10000x128xf32, #tpu.memory_space<vmem_shared>> -> memref<10000x128xf32, #tpu.memory_space<vmem_shared>>
          tpu.wait_indirect_dma semaphore(%run_scoped3A : memref<!tpu.dma_semaphore, #tpu.memory_space<semaphore_mem>>) src(%arg10 : memref<100x128xf32, #tpu.memory_space<vmem>>) dst(%dma_wait3A_162 : memref<10000x128xf32, #tpu.memory_space<vmem_shared>>)
          tpu.yield
        }) : () -> ()
        %add3A_142 = arith.constant 2 : i32
        %add3A_143 = arith.addi %add3A_110, %add3A_142 : i32
        %add3A_144 = arith.constant 3 : i32
        %add3A_145 = arith.addi %add3A_143, %add3A_144 : i32
        %lt3A_146 = arith.constant 50 : i32
        %lt3A_147 = arith.cmpi slt, %add3A_145, %lt3A_146 : i32
        %convert_element_type3A_148 = arith.extui %lt3A_147 : i1 to i32
        %cond3A_149 = arith.constant 0 : i32
        %cond3A_150 = arith.cmpi ne, %convert_element_type3A_148, %cond3A_149 : i32
        scf.if %cond3A_150 {
          %add3A_151 = arith.constant 2 : i32
          %add3A_152 = arith.addi %add3A_110, %add3A_151 : i32
          %add3A_153 = arith.constant 3 : i32
          %add3A_154 = arith.addi %add3A_152, %add3A_153 : i32
          %dma_start3A_155 = arith.constant 0 : i32
          %dma_start3A_156 = tpu.memref_slice %arg6[%add3A_154, %dma_start3A_155] : memref<50x100xi32, #tpu.memory_space<vmem>> -> memref<1x100xi32, #tpu.memory_space<vmem>>
          %dma_start3A_157 = tpu.memref_squeeze %dma_start3A_156 : memref<1x100xi32, #tpu.memory_space<vmem>> -> memref<100xi32, #tpu.memory_space<vmem>>
          %dma_start3A_158 = arith.constant 0 : i32
          %dma_start3A_159 = arith.constant 0 : i32
          %dma_start3A_160 = tpu.memref_slice %arg2[%dma_start3A_158, %dma_start3A_159] : memref<10000x128xf32, #tpu.memory_space<hbm>> -> memref<10000x128xf32, #tpu.memory_space<hbm>>
          tpu.enqueue_indirect_dma source(%dma_start3A_160 : memref<10000x128xf32, #tpu.memory_space<hbm>>) target(%arg10 : memref<100x128xf32, #tpu.memory_space<vmem>>) offsets(%dma_start3A_157 : memref<100xi32, #tpu.memory_space<vmem>>) semaphore(%arg14 : memref<!tpu.dma_semaphore, #tpu.memory_space<semaphore_mem>>)
        } else {
        }
      } else {
      }
    }
    %scan3A_70 = arith.constant 17 : i32
    "tpu.region"() ({
      %run_scoped3A = tpu.sem_alloc : memref<!tpu.dma_semaphore, #tpu.memory_space<semaphore_mem>>
      %dma_start3A_106 = arith.constant 50 : i32
      %dma_start3A_107 = arith.constant 0 : i32
      %dma_start3A_108 = tpu.memref_slice %arg3[%add3A, %dma_start3A_106, %dma_start3A_107] : memref<32x100x100xi32, #tpu.memory_space<hbm>> -> memref<1x50x100xi32, #tpu.memory_space<hbm>>
      %dma_start3A_109 = tpu.memref_squeeze %dma_start3A_108 : memref<1x50x100xi32, #tpu.memory_space<hbm>> -> memref<50x100xi32, #tpu.memory_space<hbm>>
      %dma_start3A_110 = arith.constant 50 : i32
      %dma_start3A_111 = arith.constant 0 : i32
      %dma_start3A_112 = tpu.memref_slice %arg3[%add3A, %dma_start3A_110, %dma_start3A_111] : memref<32x100x100xi32, #tpu.memory_space<hbm>> -> memref<1x50x100xi32, #tpu.memory_space<hbm>>
      %dma_start3A_113 = tpu.memref_squeeze %dma_start3A_112 : memref<1x50x100xi32, #tpu.memory_space<hbm>> -> memref<50x100xi32, #tpu.memory_space<hbm>>
      tpu.enqueue_dma source(%dma_start3A_113 : memref<50x100xi32, #tpu.memory_space<hbm>>) target(%arg6 : memref<50x100xi32, #tpu.memory_space<vmem>>) target_semaphore(%run_scoped3A : memref<!tpu.dma_semaphore, #tpu.memory_space<semaphore_mem>>)
      %dma_wait3A_114 = arith.constant 50 : i32
      %dma_wait3A_115 = arith.constant 0 : i32
      %dma_wait3A_116 = tpu.memref_slice %arg3[%add3A, %dma_wait3A_114, %dma_wait3A_115] : memref<32x100x100xi32, #tpu.memory_space<hbm>> -> memref<1x50x100xi32, #tpu.memory_space<hbm>>
      %dma_wait3A_117 = tpu.memref_squeeze %dma_wait3A_116 : memref<1x50x100xi32, #tpu.memory_space<hbm>> -> memref<50x100xi32, #tpu.memory_space<hbm>>
      %dma_wait3A_118 = arith.constant 50 : i32
      %dma_wait3A_119 = arith.constant 0 : i32
      %dma_wait3A_120 = tpu.memref_slice %arg3[%add3A, %dma_wait3A_118, %dma_wait3A_119] : memref<32x100x100xi32, #tpu.memory_space<hbm>> -> memref<1x50x100xi32, #tpu.memory_space<hbm>>
      %dma_wait3A_121 = tpu.memref_squeeze %dma_wait3A_120 : memref<1x50x100xi32, #tpu.memory_space<hbm>> -> memref<50x100xi32, #tpu.memory_space<hbm>>
      tpu.wait_dma2 semaphore(%run_scoped3A : memref<!tpu.dma_semaphore, #tpu.memory_space<semaphore_mem>>) src(%dma_wait3A_121 : memref<50x100xi32, #tpu.memory_space<hbm>>) dst(%arg6 : memref<50x100xi32, #tpu.memory_space<vmem>>)
      tpu.yield
    }) : () -> ()
    "tpu.region"() ({
      %run_scoped3A = tpu.sem_alloc : memref<!tpu.dma_semaphore, #tpu.memory_space<semaphore_mem>>
      %dma_start3A_106 = arith.constant 50 : i32
      %dma_start3A_107 = arith.constant 0 : i32
      %dma_start3A_108 = tpu.memref_slice %arg4[%add3A, %dma_start3A_106, %dma_start3A_107] : memref<32x100x100xi32, #tpu.memory_space<hbm>> -> memref<1x50x100xi32, #tpu.memory_space<hbm>>
      %dma_start3A_109 = tpu.memref_squeeze %dma_start3A_108 : memref<1x50x100xi32, #tpu.memory_space<hbm>> -> memref<50x100xi32, #tpu.memory_space<hbm>>
      %dma_start3A_110 = arith.constant 50 : i32
      %dma_start3A_111 = arith.constant 0 : i32
      %dma_start3A_112 = tpu.memref_slice %arg4[%add3A, %dma_start3A_110, %dma_start3A_111] : memref<32x100x100xi32, #tpu.memory_space<hbm>> -> memref<1x50x100xi32, #tpu.memory_space<hbm>>
      %dma_start3A_113 = tpu.memref_squeeze %dma_start3A_112 : memref<1x50x100xi32, #tpu.memory_space<hbm>> -> memref<50x100xi32, #tpu.memory_space<hbm>>
      tpu.enqueue_dma source(%dma_start3A_113 : memref<50x100xi32, #tpu.memory_space<hbm>>) target(%arg7 : memref<50x100xi32, #tpu.memory_space<vmem>>) target_semaphore(%run_scoped3A : memref<!tpu.dma_semaphore, #tpu.memory_space<semaphore_mem>>)
      %dma_wait3A_114 = arith.constant 50 : i32
      %dma_wait3A_115 = arith.constant 0 : i32
      %dma_wait3A_116 = tpu.memref_slice %arg4[%add3A, %dma_wait3A_114, %dma_wait3A_115] : memref<32x100x100xi32, #tpu.memory_space<hbm>> -> memref<1x50x100xi32, #tpu.memory_space<hbm>>
      %dma_wait3A_117 = tpu.memref_squeeze %dma_wait3A_116 : memref<1x50x100xi32, #tpu.memory_space<hbm>> -> memref<50x100xi32, #tpu.memory_space<hbm>>
      %dma_wait3A_118 = arith.constant 50 : i32
      %dma_wait3A_119 = arith.constant 0 : i32
      %dma_wait3A_120 = tpu.memref_slice %arg4[%add3A, %dma_wait3A_118, %dma_wait3A_119] : memref<32x100x100xi32, #tpu.memory_space<hbm>> -> memref<1x50x100xi32, #tpu.memory_space<hbm>>
      %dma_wait3A_121 = tpu.memref_squeeze %dma_wait3A_120 : memref<1x50x100xi32, #tpu.memory_space<hbm>> -> memref<50x100xi32, #tpu.memory_space<hbm>>
      tpu.wait_dma2 semaphore(%run_scoped3A : memref<!tpu.dma_semaphore, #tpu.memory_space<semaphore_mem>>) src(%dma_wait3A_121 : memref<50x100xi32, #tpu.memory_space<hbm>>) dst(%arg7 : memref<50x100xi32, #tpu.memory_space<vmem>>)
      tpu.yield
    }) : () -> ()
    %dma_start3A_71 = arith.constant 0 : i32
    %dma_start3A_72 = arith.constant 0 : i32
    %dma_start3A_73 = tpu.memref_slice %arg6[%dma_start3A_71, %dma_start3A_72] : memref<50x100xi32, #tpu.memory_space<vmem>> -> memref<1x100xi32, #tpu.memory_space<vmem>>
    %dma_start3A_74 = tpu.memref_squeeze %dma_start3A_73 : memref<1x100xi32, #tpu.memory_space<vmem>> -> memref<100xi32, #tpu.memory_space<vmem>>
    %dma_start3A_75 = arith.constant 0 : i32
    %dma_start3A_76 = arith.constant 0 : i32
    %dma_start3A_77 = tpu.memref_slice %arg2[%dma_start3A_75, %dma_start3A_76] : memref<10000x128xf32, #tpu.memory_space<hbm>> -> memref<10000x128xf32, #tpu.memory_space<hbm>>
    tpu.enqueue_indirect_dma source(%dma_start3A_77 : memref<10000x128xf32, #tpu.memory_space<hbm>>) target(%arg8 : memref<100x128xf32, #tpu.memory_space<vmem>>) offsets(%dma_start3A_74 : memref<100xi32, #tpu.memory_space<vmem>>) semaphore(%arg12 : memref<!tpu.dma_semaphore, #tpu.memory_space<semaphore_mem>>)
    %dma_start3A_78 = arith.constant 1 : i32
    %dma_start3A_79 = arith.constant 0 : i32
    %dma_start3A_80 = tpu.memref_slice %arg6[%dma_start3A_78, %dma_start3A_79] : memref<50x100xi32, #tpu.memory_space<vmem>> -> memref<1x100xi32, #tpu.memory_space<vmem>>
    %dma_start3A_81 = tpu.memref_squeeze %dma_start3A_80 : memref<1x100xi32, #tpu.memory_space<vmem>> -> memref<100xi32, #tpu.memory_space<vmem>>
    %dma_start3A_82 = arith.constant 0 : i32
    %dma_start3A_83 = arith.constant 0 : i32
    %dma_start3A_84 = tpu.memref_slice %arg2[%dma_start3A_82, %dma_start3A_83] : memref<10000x128xf32, #tpu.memory_space<hbm>> -> memref<10000x128xf32, #tpu.memory_space<hbm>>
    tpu.enqueue_indirect_dma source(%dma_start3A_84 : memref<10000x128xf32, #tpu.memory_space<hbm>>) target(%arg9 : memref<100x128xf32, #tpu.memory_space<vmem>>) offsets(%dma_start3A_81 : memref<100xi32, #tpu.memory_space<vmem>>) semaphore(%arg13 : memref<!tpu.dma_semaphore, #tpu.memory_space<semaphore_mem>>)
    %dma_start3A_85 = arith.constant 2 : i32
    %dma_start3A_86 = arith.constant 0 : i32
    %dma_start3A_87 = tpu.memref_slice %arg6[%dma_start3A_85, %dma_start3A_86] : memref<50x100xi32, #tpu.memory_space<vmem>> -> memref<1x100xi32, #tpu.memory_space<vmem>>
    %dma_start3A_88 = tpu.memref_squeeze %dma_start3A_87 : memref<1x100xi32, #tpu.memory_space<vmem>> -> memref<100xi32, #tpu.memory_space<vmem>>
    %dma_start3A_89 = arith.constant 0 : i32
    %dma_start3A_90 = arith.constant 0 : i32
    %dma_start3A_91 = tpu.memref_slice %arg2[%dma_start3A_89, %dma_start3A_90] : memref<10000x128xf32, #tpu.memory_space<hbm>> -> memref<10000x128xf32, #tpu.memory_space<hbm>>
    tpu.enqueue_indirect_dma source(%dma_start3A_91 : memref<10000x128xf32, #tpu.memory_space<hbm>>) target(%arg10 : memref<100x128xf32, #tpu.memory_space<vmem>>) offsets(%dma_start3A_88 : memref<100xi32, #tpu.memory_space<vmem>>) semaphore(%arg14 : memref<!tpu.dma_semaphore, #tpu.memory_space<semaphore_mem>>)
    %scan3A_92 = arith.constant 0 : i32
    %scan3A_93 = arith.constant 17 : i32
    %scan3A_94 = arith.addi %scan3A_92, %scan3A_93 : i32
    %scan3A_95 = arith.constant 1 : i32
    scf.for %scan3A_106 = %scan3A_92 to %scan3A_94 step %scan3A_95  : i32 {
      %mul3A_107 = arith.constant 3 : i32
      %mul3A_108 = arith.muli %scan3A_106, %mul3A_107 : i32
      %add3A_109 = arith.constant 0 : i32
      %add3A_110 = arith.addi %add3A_109, %mul3A_108 : i32
      %add3A_111 = arith.constant 0 : i32
      %add3A_112 = arith.addi %add3A_110, %add3A_111 : i32
      %lt3A_113 = arith.constant 50 : i32
      %lt3A_114 = arith.cmpi slt, %add3A_112, %lt3A_113 : i32
      %convert_element_type3A_115 = arith.extui %lt3A_114 : i1 to i32
      %cond3A_116 = arith.constant 0 : i32
      %cond3A_117 = arith.cmpi ne, %convert_element_type3A_115, %cond3A_116 : i32
      scf.if %cond3A_117 {
        %add3A_132 = arith.constant 0 : i32
        %add3A_133 = arith.addi %add3A_110, %add3A_132 : i32
        %dma_wait3A_134 = arith.constant 0 : i32
        %dma_wait3A_135 = tpu.memref_slice %arg6[%add3A_133, %dma_wait3A_134] : memref<50x100xi32, #tpu.memory_space<vmem>> -> memref<1x100xi32, #tpu.memory_space<vmem>>
        %dma_wait3A_136 = tpu.memref_squeeze %dma_wait3A_135 : memref<1x100xi32, #tpu.memory_space<vmem>> -> memref<100xi32, #tpu.memory_space<vmem>>
        %dma_wait3A_137 = arith.constant 0 : i32
        %dma_wait3A_138 = arith.constant 0 : i32
        %dma_wait3A_139 = tpu.memref_slice %arg2[%dma_wait3A_137, %dma_wait3A_138] : memref<10000x128xf32, #tpu.memory_space<hbm>> -> memref<10000x128xf32, #tpu.memory_space<hbm>>
        tpu.wait_indirect_dma semaphore(%arg12 : memref<!tpu.dma_semaphore, #tpu.memory_space<semaphore_mem>>) src(%dma_wait3A_139 : memref<10000x128xf32, #tpu.memory_space<hbm>>) dst(%arg8 : memref<100x128xf32, #tpu.memory_space<vmem>>)
        %add3A_140 = arith.constant 0 : i32
        %add3A_141 = arith.addi %add3A_110, %add3A_140 : i32
        "tpu.region"() ({
          %run_scoped3A = tpu.sem_alloc : memref<!tpu.dma_semaphore, #tpu.memory_space<semaphore_mem>>
          %dma_start3A_151 = arith.constant 0 : i32
          %dma_start3A_152 = tpu.memref_slice %arg7[%add3A_141, %dma_start3A_151] : memref<50x100xi32, #tpu.memory_space<vmem>> -> memref<1x100xi32, #tpu.memory_space<vmem>>
          %dma_start3A_153 = tpu.memref_squeeze %dma_start3A_152 : memref<1x100xi32, #tpu.memory_space<vmem>> -> memref<100xi32, #tpu.memory_space<vmem>>
          %dma_start3A_154 = arith.constant 0 : i32
          %dma_start3A_155 = arith.constant 0 : i32
          %dma_start3A_156 = tpu.memref_slice %arg11[%dma_start3A_154, %dma_start3A_155] : memref<10000x128xf32, #tpu.memory_space<vmem_shared>> -> memref<10000x128xf32, #tpu.memory_space<vmem_shared>>
          tpu.enqueue_indirect_dma source(%arg8 : memref<100x128xf32, #tpu.memory_space<vmem>>) target(%dma_start3A_156 : memref<10000x128xf32, #tpu.memory_space<vmem_shared>>) offsets(%dma_start3A_153 : memref<100xi32, #tpu.memory_space<vmem>>) semaphore(%run_scoped3A : memref<!tpu.dma_semaphore, #tpu.memory_space<semaphore_mem>>) {add = true}
          %dma_wait3A_157 = arith.constant 0 : i32
          %dma_wait3A_158 = tpu.memref_slice %arg7[%add3A_141, %dma_wait3A_157] : memref<50x100xi32, #tpu.memory_space<vmem>> -> memref<1x100xi32, #tpu.memory_space<vmem>>
          %dma_wait3A_159 = tpu.memref_squeeze %dma_wait3A_158 : memref<1x100xi32, #tpu.memory_space<vmem>> -> memref<100xi32, #tpu.memory_space<vmem>>
          %dma_wait3A_160 = arith.constant 0 : i32
          %dma_wait3A_161 = arith.constant 0 : i32
          %dma_wait3A_162 = tpu.memref_slice %arg11[%dma_wait3A_160, %dma_wait3A_161] : memref<10000x128xf32, #tpu.memory_space<vmem_shared>> -> memref<10000x128xf32, #tpu.memory_space<vmem_shared>>
          tpu.wait_indirect_dma semaphore(%run_scoped3A : memref<!tpu.dma_semaphore, #tpu.memory_space<semaphore_mem>>) src(%arg8 : memref<100x128xf32, #tpu.memory_space<vmem>>) dst(%dma_wait3A_162 : memref<10000x128xf32, #tpu.memory_space<vmem_shared>>)
          tpu.yield
        }) : () -> ()
        %add3A_142 = arith.constant 0 : i32
        %add3A_143 = arith.addi %add3A_110, %add3A_142 : i32
        %add3A_144 = arith.constant 3 : i32
        %add3A_145 = arith.addi %add3A_143, %add3A_144 : i32
        %lt3A_146 = arith.constant 50 : i32
        %lt3A_147 = arith.cmpi slt, %add3A_145, %lt3A_146 : i32
        %convert_element_type3A_148 = arith.extui %lt3A_147 : i1 to i32
        %cond3A_149 = arith.constant 0 : i32
        %cond3A_150 = arith.cmpi ne, %convert_element_type3A_148, %cond3A_149 : i32
        scf.if %cond3A_150 {
          %add3A_151 = arith.constant 0 : i32
          %add3A_152 = arith.addi %add3A_110, %add3A_151 : i32
          %add3A_153 = arith.constant 3 : i32
          %add3A_154 = arith.addi %add3A_152, %add3A_153 : i32
          %dma_start3A_155 = arith.constant 0 : i32
          %dma_start3A_156 = tpu.memref_slice %arg6[%add3A_154, %dma_start3A_155] : memref<50x100xi32, #tpu.memory_space<vmem>> -> memref<1x100xi32, #tpu.memory_space<vmem>>
          %dma_start3A_157 = tpu.memref_squeeze %dma_start3A_156 : memref<1x100xi32, #tpu.memory_space<vmem>> -> memref<100xi32, #tpu.memory_space<vmem>>
          %dma_start3A_158 = arith.constant 0 : i32
          %dma_start3A_159 = arith.constant 0 : i32
          %dma_start3A_160 = tpu.memref_slice %arg2[%dma_start3A_158, %dma_start3A_159] : memref<10000x128xf32, #tpu.memory_space<hbm>> -> memref<10000x128xf32, #tpu.memory_space<hbm>>
          tpu.enqueue_indirect_dma source(%dma_start3A_160 : memref<10000x128xf32, #tpu.memory_space<hbm>>) target(%arg8 : memref<100x128xf32, #tpu.memory_space<vmem>>) offsets(%dma_start3A_157 : memref<100xi32, #tpu.memory_space<vmem>>) semaphore(%arg12 : memref<!tpu.dma_semaphore, #tpu.memory_space<semaphore_mem>>)
        } else {
        }
      } else {
      }
      %add3A_118 = arith.constant 1 : i32
      %add3A_119 = arith.addi %add3A_110, %add3A_118 : i32
      %lt3A_120 = arith.constant 50 : i32
      %lt3A_121 = arith.cmpi slt, %add3A_119, %lt3A_120 : i32
      %convert_element_type3A_122 = arith.extui %lt3A_121 : i1 to i32
      %cond3A_123 = arith.constant 0 : i32
      %cond3A_124 = arith.cmpi ne, %convert_element_type3A_122, %cond3A_123 : i32
      scf.if %cond3A_124 {
        %add3A_132 = arith.constant 1 : i32
        %add3A_133 = arith.addi %add3A_110, %add3A_132 : i32
        %dma_wait3A_134 = arith.constant 0 : i32
        %dma_wait3A_135 = tpu.memref_slice %arg6[%add3A_133, %dma_wait3A_134] : memref<50x100xi32, #tpu.memory_space<vmem>> -> memref<1x100xi32, #tpu.memory_space<vmem>>
        %dma_wait3A_136 = tpu.memref_squeeze %dma_wait3A_135 : memref<1x100xi32, #tpu.memory_space<vmem>> -> memref<100xi32, #tpu.memory_space<vmem>>
        %dma_wait3A_137 = arith.constant 0 : i32
        %dma_wait3A_138 = arith.constant 0 : i32
        %dma_wait3A_139 = tpu.memref_slice %arg2[%dma_wait3A_137, %dma_wait3A_138] : memref<10000x128xf32, #tpu.memory_space<hbm>> -> memref<10000x128xf32, #tpu.memory_space<hbm>>
        tpu.wait_indirect_dma semaphore(%arg13 : memref<!tpu.dma_semaphore, #tpu.memory_space<semaphore_mem>>) src(%dma_wait3A_139 : memref<10000x128xf32, #tpu.memory_space<hbm>>) dst(%arg9 : memref<100x128xf32, #tpu.memory_space<vmem>>)
        %add3A_140 = arith.constant 1 : i32
        %add3A_141 = arith.addi %add3A_110, %add3A_140 : i32
        "tpu.region"() ({
          %run_scoped3A = tpu.sem_alloc : memref<!tpu.dma_semaphore, #tpu.memory_space<semaphore_mem>>
          %dma_start3A_151 = arith.constant 0 : i32
          %dma_start3A_152 = tpu.memref_slice %arg7[%add3A_141, %dma_start3A_151] : memref<50x100xi32, #tpu.memory_space<vmem>> -> memref<1x100xi32, #tpu.memory_space<vmem>>
          %dma_start3A_153 = tpu.memref_squeeze %dma_start3A_152 : memref<1x100xi32, #tpu.memory_space<vmem>> -> memref<100xi32, #tpu.memory_space<vmem>>
          %dma_start3A_154 = arith.constant 0 : i32
          %dma_start3A_155 = arith.constant 0 : i32
          %dma_start3A_156 = tpu.memref_slice %arg11[%dma_start3A_154, %dma_start3A_155] : memref<10000x128xf32, #tpu.memory_space<vmem_shared>> -> memref<10000x128xf32, #tpu.memory_space<vmem_shared>>
          tpu.enqueue_indirect_dma source(%arg9 : memref<100x128xf32, #tpu.memory_space<vmem>>) target(%dma_start3A_156 : memref<10000x128xf32, #tpu.memory_space<vmem_shared>>) offsets(%dma_start3A_153 : memref<100xi32, #tpu.memory_space<vmem>>) semaphore(%run_scoped3A : memref<!tpu.dma_semaphore, #tpu.memory_space<semaphore_mem>>) {add = true}
          %dma_wait3A_157 = arith.constant 0 : i32
          %dma_wait3A_158 = tpu.memref_slice %arg7[%add3A_141, %dma_wait3A_157] : memref<50x100xi32, #tpu.memory_space<vmem>> -> memref<1x100xi32, #tpu.memory_space<vmem>>
          %dma_wait3A_159 = tpu.memref_squeeze %dma_wait3A_158 : memref<1x100xi32, #tpu.memory_space<vmem>> -> memref<100xi32, #tpu.memory_space<vmem>>
          %dma_wait3A_160 = arith.constant 0 : i32
          %dma_wait3A_161 = arith.constant 0 : i32
          %dma_wait3A_162 = tpu.memref_slice %arg11[%dma_wait3A_160, %dma_wait3A_161] : memref<10000x128xf32, #tpu.memory_space<vmem_shared>> -> memref<10000x128xf32, #tpu.memory_space<vmem_shared>>
          tpu.wait_indirect_dma semaphore(%run_scoped3A : memref<!tpu.dma_semaphore, #tpu.memory_space<semaphore_mem>>) src(%arg9 : memref<100x128xf32, #tpu.memory_space<vmem>>) dst(%dma_wait3A_162 : memref<10000x128xf32, #tpu.memory_space<vmem_shared>>)
          tpu.yield
        }) : () -> ()
        %add3A_142 = arith.constant 1 : i32
        %add3A_143 = arith.addi %add3A_110, %add3A_142 : i32
        %add3A_144 = arith.constant 3 : i32
        %add3A_145 = arith.addi %add3A_143, %add3A_144 : i32
        %lt3A_146 = arith.constant 50 : i32
        %lt3A_147 = arith.cmpi slt, %add3A_145, %lt3A_146 : i32
        %convert_element_type3A_148 = arith.extui %lt3A_147 : i1 to i32
        %cond3A_149 = arith.constant 0 : i32
        %cond3A_150 = arith.cmpi ne, %convert_element_type3A_148, %cond3A_149 : i32
        scf.if %cond3A_150 {
          %add3A_151 = arith.constant 1 : i32
          %add3A_152 = arith.addi %add3A_110, %add3A_151 : i32
          %add3A_153 = arith.constant 3 : i32
          %add3A_154 = arith.addi %add3A_152, %add3A_153 : i32
          %dma_start3A_155 = arith.constant 0 : i32
          %dma_start3A_156 = tpu.memref_slice %arg6[%add3A_154, %dma_start3A_155] : memref<50x100xi32, #tpu.memory_space<vmem>> -> memref<1x100xi32, #tpu.memory_space<vmem>>
          %dma_start3A_157 = tpu.memref_squeeze %dma_start3A_156 : memref<1x100xi32, #tpu.memory_space<vmem>> -> memref<100xi32, #tpu.memory_space<vmem>>
          %dma_start3A_158 = arith.constant 0 : i32
          %dma_start3A_159 = arith.constant 0 : i32
          %dma_start3A_160 = tpu.memref_slice %arg2[%dma_start3A_158, %dma_start3A_159] : memref<10000x128xf32, #tpu.memory_space<hbm>> -> memref<10000x128xf32, #tpu.memory_space<hbm>>
          tpu.enqueue_indirect_dma source(%dma_start3A_160 : memref<10000x128xf32, #tpu.memory_space<hbm>>) target(%arg9 : memref<100x128xf32, #tpu.memory_space<vmem>>) offsets(%dma_start3A_157 : memref<100xi32, #tpu.memory_space<vmem>>) semaphore(%arg13 : memref<!tpu.dma_semaphore, #tpu.memory_space<semaphore_mem>>)
        } else {
        }
      } else {
      }
      %add3A_125 = arith.constant 2 : i32
      %add3A_126 = arith.addi %add3A_110, %add3A_125 : i32
      %lt3A_127 = arith.constant 50 : i32
      %lt3A_128 = arith.cmpi slt, %add3A_126, %lt3A_127 : i32
      %convert_element_type3A_129 = arith.extui %lt3A_128 : i1 to i32
      %cond3A_130 = arith.constant 0 : i32
      %cond3A_131 = arith.cmpi ne, %convert_element_type3A_129, %cond3A_130 : i32
      scf.if %cond3A_131 {
        %add3A_132 = arith.constant 2 : i32
        %add3A_133 = arith.addi %add3A_110, %add3A_132 : i32
        %dma_wait3A_134 = arith.constant 0 : i32
        %dma_wait3A_135 = tpu.memref_slice %arg6[%add3A_133, %dma_wait3A_134] : memref<50x100xi32, #tpu.memory_space<vmem>> -> memref<1x100xi32, #tpu.memory_space<vmem>>
        %dma_wait3A_136 = tpu.memref_squeeze %dma_wait3A_135 : memref<1x100xi32, #tpu.memory_space<vmem>> -> memref<100xi32, #tpu.memory_space<vmem>>
        %dma_wait3A_137 = arith.constant 0 : i32
        %dma_wait3A_138 = arith.constant 0 : i32
        %dma_wait3A_139 = tpu.memref_slice %arg2[%dma_wait3A_137, %dma_wait3A_138] : memref<10000x128xf32, #tpu.memory_space<hbm>> -> memref<10000x128xf32, #tpu.memory_space<hbm>>
        tpu.wait_indirect_dma semaphore(%arg14 : memref<!tpu.dma_semaphore, #tpu.memory_space<semaphore_mem>>) src(%dma_wait3A_139 : memref<10000x128xf32, #tpu.memory_space<hbm>>) dst(%arg10 : memref<100x128xf32, #tpu.memory_space<vmem>>)
        %add3A_140 = arith.constant 2 : i32
        %add3A_141 = arith.addi %add3A_110, %add3A_140 : i32
        "tpu.region"() ({
          %run_scoped3A = tpu.sem_alloc : memref<!tpu.dma_semaphore, #tpu.memory_space<semaphore_mem>>
          %dma_start3A_151 = arith.constant 0 : i32
          %dma_start3A_152 = tpu.memref_slice %arg7[%add3A_141, %dma_start3A_151] : memref<50x100xi32, #tpu.memory_space<vmem>> -> memref<1x100xi32, #tpu.memory_space<vmem>>
          %dma_start3A_153 = tpu.memref_squeeze %dma_start3A_152 : memref<1x100xi32, #tpu.memory_space<vmem>> -> memref<100xi32, #tpu.memory_space<vmem>>
          %dma_start3A_154 = arith.constant 0 : i32
          %dma_start3A_155 = arith.constant 0 : i32
          %dma_start3A_156 = tpu.memref_slice %arg11[%dma_start3A_154, %dma_start3A_155] : memref<10000x128xf32, #tpu.memory_space<vmem_shared>> -> memref<10000x128xf32, #tpu.memory_space<vmem_shared>>
          tpu.enqueue_indirect_dma source(%arg10 : memref<100x128xf32, #tpu.memory_space<vmem>>) target(%dma_start3A_156 : memref<10000x128xf32, #tpu.memory_space<vmem_shared>>) offsets(%dma_start3A_153 : memref<100xi32, #tpu.memory_space<vmem>>) semaphore(%run_scoped3A : memref<!tpu.dma_semaphore, #tpu.memory_space<semaphore_mem>>) {add = true}
          %dma_wait3A_157 = arith.constant 0 : i32
          %dma_wait3A_158 = tpu.memref_slice %arg7[%add3A_141, %dma_wait3A_157] : memref<50x100xi32, #tpu.memory_space<vmem>> -> memref<1x100xi32, #tpu.memory_space<vmem>>
          %dma_wait3A_159 = tpu.memref_squeeze %dma_wait3A_158 : memref<1x100xi32, #tpu.memory_space<vmem>> -> memref<100xi32, #tpu.memory_space<vmem>>
          %dma_wait3A_160 = arith.constant 0 : i32
          %dma_wait3A_161 = arith.constant 0 : i32
          %dma_wait3A_162 = tpu.memref_slice %arg11[%dma_wait3A_160, %dma_wait3A_161] : memref<10000x128xf32, #tpu.memory_space<vmem_shared>> -> memref<10000x128xf32, #tpu.memory_space<vmem_shared>>
          tpu.wait_indirect_dma semaphore(%run_scoped3A : memref<!tpu.dma_semaphore, #tpu.memory_space<semaphore_mem>>) src(%arg10 : memref<100x128xf32, #tpu.memory_space<vmem>>) dst(%dma_wait3A_162 : memref<10000x128xf32, #tpu.memory_space<vmem_shared>>)
          tpu.yield
        }) : () -> ()
        %add3A_142 = arith.constant 2 : i32
        %add3A_143 = arith.addi %add3A_110, %add3A_142 : i32
        %add3A_144 = arith.constant 3 : i32
        %add3A_145 = arith.addi %add3A_143, %add3A_144 : i32
        %lt3A_146 = arith.constant 50 : i32
        %lt3A_147 = arith.cmpi slt, %add3A_145, %lt3A_146 : i32
        %convert_element_type3A_148 = arith.extui %lt3A_147 : i1 to i32
        %cond3A_149 = arith.constant 0 : i32
        %cond3A_150 = arith.cmpi ne, %convert_element_type3A_148, %cond3A_149 : i32
        scf.if %cond3A_150 {
          %add3A_151 = arith.constant 2 : i32
          %add3A_152 = arith.addi %add3A_110, %add3A_151 : i32
          %add3A_153 = arith.constant 3 : i32
          %add3A_154 = arith.addi %add3A_152, %add3A_153 : i32
          %dma_start3A_155 = arith.constant 0 : i32
          %dma_start3A_156 = tpu.memref_slice %arg6[%add3A_154, %dma_start3A_155] : memref<50x100xi32, #tpu.memory_space<vmem>> -> memref<1x100xi32, #tpu.memory_space<vmem>>
          %dma_start3A_157 = tpu.memref_squeeze %dma_start3A_156 : memref<1x100xi32, #tpu.memory_space<vmem>> -> memref<100xi32, #tpu.memory_space<vmem>>
          %dma_start3A_158 = arith.constant 0 : i32
          %dma_start3A_159 = arith.constant 0 : i32
          %dma_start3A_160 = tpu.memref_slice %arg2[%dma_start3A_158, %dma_start3A_159] : memref<10000x128xf32, #tpu.memory_space<hbm>> -> memref<10000x128xf32, #tpu.memory_space<hbm>>
          tpu.enqueue_indirect_dma source(%dma_start3A_160 : memref<10000x128xf32, #tpu.memory_space<hbm>>) target(%arg10 : memref<100x128xf32, #tpu.memory_space<vmem>>) offsets(%dma_start3A_157 : memref<100xi32, #tpu.memory_space<vmem>>) semaphore(%arg14 : memref<!tpu.dma_semaphore, #tpu.memory_space<semaphore_mem>>)
        } else {
        }
      } else {
      }
    }
    %scan3A_96 = arith.constant 17 : i32
    %barrier3A_97 = arith.constant 0 : index
    tpu.barrier barrier_id(%barrier3A_97)
    %mul3A_98 = arith.constant 632 : i32
    %mul3A_99 = arith.muli %arg1, %mul3A_98 : i32
    %lt3A = arith.constant 15 : i32
    %lt3A_100 = arith.cmpi slt, %arg1, %lt3A : i32
    %convert_element_type3A = arith.extui %lt3A_100 : i1 to i32
    %cond3A = arith.constant 0 : i32
    %cond3A_101 = arith.cmpi ne, %convert_element_type3A, %cond3A : i32
    scf.if %cond3A_101 {
      "tpu.region"() ({
        %run_scoped3A = tpu.sem_alloc : memref<!tpu.dma_semaphore, #tpu.memory_space<semaphore_mem>>
        %dma_start3A_106 = arith.constant 0 : i32
        %dma_start3A_107 = tpu.memref_slice %arg5[%arg0, %mul3A_99, %dma_start3A_106] : memref<2x10000x128xf32, #tpu.memory_space<hbm>> -> memref<1x632x128xf32, #tpu.memory_space<hbm>>
        %dma_start3A_108 = tpu.memref_squeeze %dma_start3A_107 : memref<1x632x128xf32, #tpu.memory_space<hbm>> -> memref<632x128xf32, #tpu.memory_space<hbm>>
        %dma_start3A_109 = arith.constant 0 : i32
        %dma_start3A_110 = tpu.memref_slice %arg11[%mul3A_99, %dma_start3A_109] : memref<10000x128xf32, #tpu.memory_space<vmem_shared>> -> memref<632x128xf32, #tpu.memory_space<vmem_shared>>
        tpu.enqueue_dma source(%dma_start3A_110 : memref<632x128xf32, #tpu.memory_space<vmem_shared>>) target(%dma_start3A_108 : memref<632x128xf32, #tpu.memory_space<hbm>>) target_semaphore(%run_scoped3A : memref<!tpu.dma_semaphore, #tpu.memory_space<semaphore_mem>>)
        %dma_wait3A_111 = arith.constant 0 : i32
        %dma_wait3A_112 = tpu.memref_slice %arg5[%arg0, %mul3A_99, %dma_wait3A_111] : memref<2x10000x128xf32, #tpu.memory_space<hbm>> -> memref<1x632x128xf32, #tpu.memory_space<hbm>>
        %dma_wait3A_113 = tpu.memref_squeeze %dma_wait3A_112 : memref<1x632x128xf32, #tpu.memory_space<hbm>> -> memref<632x128xf32, #tpu.memory_space<hbm>>
        %dma_wait3A_114 = arith.constant 0 : i32
        %dma_wait3A_115 = tpu.memref_slice %arg11[%mul3A_99, %dma_wait3A_114] : memref<10000x128xf32, #tpu.memory_space<vmem_shared>> -> memref<632x128xf32, #tpu.memory_space<vmem_shared>>
        tpu.wait_dma2 semaphore(%run_scoped3A : memref<!tpu.dma_semaphore, #tpu.memory_space<semaphore_mem>>) src(%dma_wait3A_115 : memref<632x128xf32, #tpu.memory_space<vmem_shared>>) dst(%dma_wait3A_113 : memref<632x128xf32, #tpu.memory_space<hbm>>)
        tpu.yield
      }) : () -> ()
    } else {
    }
    %eq3A = arith.constant 15 : i32
    %eq3A_102 = arith.cmpi eq, %arg1, %eq3A : i32
    %convert_element_type3A_103 = arith.extui %eq3A_102 : i1 to i32
    %cond3A_104 = arith.constant 0 : i32
    %cond3A_105 = arith.cmpi ne, %convert_element_type3A_103, %cond3A_104 : i32
    scf.if %cond3A_105 {
      "tpu.region"() ({
        %run_scoped3A = tpu.sem_alloc : memref<!tpu.dma_semaphore, #tpu.memory_space<semaphore_mem>>
        %dma_start3A_106 = arith.constant 0 : i32
        %dma_start3A_107 = tpu.memref_slice %arg5[%arg0, %mul3A_99, %dma_start3A_106] : memref<2x10000x128xf32, #tpu.memory_space<hbm>> -> memref<1x520x128xf32, #tpu.memory_space<hbm>>
        %dma_start3A_108 = tpu.memref_squeeze %dma_start3A_107 : memref<1x520x128xf32, #tpu.memory_space<hbm>> -> memref<520x128xf32, #tpu.memory_space<hbm>>
        %dma_start3A_109 = arith.constant 0 : i32
        %dma_start3A_110 = tpu.memref_slice %arg11[%mul3A_99, %dma_start3A_109] : memref<10000x128xf32, #tpu.memory_space<vmem_shared>> -> memref<520x128xf32, #tpu.memory_space<vmem_shared>>
        tpu.enqueue_dma source(%dma_start3A_110 : memref<520x128xf32, #tpu.memory_space<vmem_shared>>) target(%dma_start3A_108 : memref<520x128xf32, #tpu.memory_space<hbm>>) target_semaphore(%run_scoped3A : memref<!tpu.dma_semaphore, #tpu.memory_space<semaphore_mem>>)
        %dma_wait3A_111 = arith.constant 0 : i32
        %dma_wait3A_112 = tpu.memref_slice %arg5[%arg0, %mul3A_99, %dma_wait3A_111] : memref<2x10000x128xf32, #tpu.memory_space<hbm>> -> memref<1x520x128xf32, #tpu.memory_space<hbm>>
        %dma_wait3A_113 = tpu.memref_squeeze %dma_wait3A_112 : memref<1x520x128xf32, #tpu.memory_space<hbm>> -> memref<520x128xf32, #tpu.memory_space<hbm>>
        %dma_wait3A_114 = arith.constant 0 : i32
        %dma_wait3A_115 = tpu.memref_slice %arg11[%mul3A_99, %dma_wait3A_114] : memref<10000x128xf32, #tpu.memory_space<vmem_shared>> -> memref<520x128xf32, #tpu.memory_space<vmem_shared>>
        tpu.wait_dma2 semaphore(%run_scoped3A : memref<!tpu.dma_semaphore, #tpu.memory_space<semaphore_mem>>) src(%dma_wait3A_115 : memref<520x128xf32, #tpu.memory_space<vmem_shared>>) dst(%dma_wait3A_113 : memref<520x128xf32, #tpu.memory_space<hbm>>)
        tpu.yield
      }) : () -> ()
    } else {
    }
    return
  }
}

module attributes {stable_mosaic.version = 14 : i64} {
  func.func @body(%arg0: i32, %arg1: memref<1000x128xf32, #tpu.memory_space<vmem>>, %arg2: memref<128x128xf32, #tpu.memory_space<vmem>>, %arg3: memref<1000x128xf32, #tpu.memory_space<vmem>>) attributes {dimension_semantics = [#tpu.dimension_semantics<arbitrary>], iteration_bounds = array<i64: 10>, scalar_prefetch = 0 : i64, scratch_operands = 0 : i64, tpu.core_type = #tpu.core_type<tc>, window_params = [{transform_indices = @transform_0, window_bounds = array<i64: 1000, 128>}, {pipeline_mode = #tpu.pipeline_mode<synchronous>, transform_indices = @transform_1, window_bounds = array<i64: 128, 128>}, {transform_indices = @transform_2, window_bounds = array<i64: 1000, 128>}]} {
    %get3A = arith.constant 0 : index
    %get3A_0 = arith.constant 0 : index
    %get3A_1 = vector.load %arg1[%get3A, %get3A_0] : memref<1000x128xf32, #tpu.memory_space<vmem>>, vector<1000x128xf32>
    %get3A_2 = arith.constant 0 : index
    %get3A_3 = arith.constant 0 : index
    %get3A_4 = vector.load %arg2[%get3A_2, %get3A_3] : memref<128x128xf32, #tpu.memory_space<vmem>>, vector<128x128xf32>
    %dot_general3A = arith.constant dense<0.000000e+00> : vector<1000x128xf32>
    %dot_general3A_5 = tpu.matmul %get3A_1, %get3A_4, %dot_general3A {dimension_numbers = #tpu.dot_dimension_numbers<[1], [0], [0], [1], [0, 0, 1, 1], [], []>, transpose_lhs_hint = false} : vector<1000x128xf32>, vector<128x128xf32>, vector<1000x128xf32> -> vector<1000x128xf32>
    %swap3A = arith.constant 0 : index
    %swap3A_6 = arith.constant 0 : index
    %swap3A_7 = vector.load %arg3[%swap3A, %swap3A_6] : memref<1000x128xf32, #tpu.memory_space<vmem>>, vector<1000x128xf32>
    tpu.vector_store %arg3[%swap3A, %swap3A_6], %dot_general3A_5 {strides = array<i32>} : memref<1000x128xf32, #tpu.memory_space<vmem>>, vector<1000x128xf32>,
    return
  }
  func.func @transform_0(%arg0: i32) -> (i32, i32) {
    %c0_i32 = arith.constant 0 : i32
    %c0_i32_0 = arith.constant 0 : i32
    return %arg0, %c0_i32 : i32, i32
  }
  func.func @transform_1(%arg0: i32) -> (i32, i32) {
    %c0_i32 = arith.constant 0 : i32
    %c0_i32_0 = arith.constant 0 : i32
    %c0_i32_1 = arith.constant 0 : i32
    return %c0_i32, %c0_i32_0 : i32, i32
  }
  func.func @transform_2(%arg0: i32) -> (i32, i32) {
    %c0_i32 = arith.constant 0 : i32
    %c0_i32_0 = arith.constant 0 : i32
    return %arg0, %c0_i32 : i32, i32
  }
}

module attributes {stable_mosaic.version = 14 : i64} {
  func.func @body(%arg0: i32, %arg1: memref<1000x128xf32, #tpu.memory_space<vmem>>, %arg2: memref<1000x128xf32, #tpu.memory_space<vmem>>, %arg3: memref<128x64xf32, #tpu.memory_space<vmem>>, %arg4: memref<1000x64xf32, #tpu.memory_space<vmem>>) attributes {dimension_semantics = [#tpu.dimension_semantics<arbitrary>], iteration_bounds = array<i64: 10>, scalar_prefetch = 0 : i64, scratch_operands = 0 : i64, tpu.core_type = #tpu.core_type<tc>, window_params = [{transform_indices = @transform_0, window_bounds = array<i64: 1000, 128>}, {transform_indices = @transform_1, window_bounds = array<i64: 1000, 128>}, {pipeline_mode = #tpu.pipeline_mode<synchronous>, transform_indices = @transform_2, window_bounds = array<i64: 128, 64>}, {transform_indices = @transform_3, window_bounds = array<i64: 1000, 64>}]} {
    %get3A = arith.constant 0 : index
    %get3A_0 = arith.constant 0 : index
    %get3A_1 = vector.load %arg1[%get3A, %get3A_0] : memref<1000x128xf32, #tpu.memory_space<vmem>>, vector<1000x128xf32>
    %get3A_2 = arith.constant 0 : index
    %get3A_3 = arith.constant 0 : index
    %get3A_4 = vector.load %arg2[%get3A_2, %get3A_3] : memref<1000x128xf32, #tpu.memory_space<vmem>>, vector<1000x128xf32>
    %add3A = arith.addf %get3A_1, %get3A_4 : vector<1000x128xf32>
    %max3A = arith.constant 0.000000e+00 : f32
    %max3A_5 = vector.broadcast %max3A : f32 to vector<1000x128xf32>
    %max3A_6 = arith.maximumf %add3A, %max3A_5 : vector<1000x128xf32>
    %get3A_7 = arith.constant 0 : index
    %get3A_8 = arith.constant 0 : index
    %get3A_9 = vector.load %arg3[%get3A_7, %get3A_8] : memref<128x64xf32, #tpu.memory_space<vmem>>, vector<128x64xf32>
    %dot_general3A = arith.constant dense<0.000000e+00> : vector<1000x64xf32>
    %dot_general3A_10 = tpu.matmul %max3A_6, %get3A_9, %dot_general3A {dimension_numbers = #tpu.dot_dimension_numbers<[1], [0], [0], [1], [0, 0, 1, 1], [], []>, transpose_lhs_hint = false} : vector<1000x128xf32>, vector<128x64xf32>, vector<1000x64xf32> -> vector<1000x64xf32>
    %swap3A = arith.constant 0 : index
    %swap3A_11 = arith.constant 0 : index
    %swap3A_12 = vector.load %arg4[%swap3A, %swap3A_11] : memref<1000x64xf32, #tpu.memory_space<vmem>>, vector<1000x64xf32>
    tpu.vector_store %arg4[%swap3A, %swap3A_11], %dot_general3A_10 {strides = array<i32>} : memref<1000x64xf32, #tpu.memory_space<vmem>>, vector<1000x64xf32>,
    return
  }
  func.func @transform_0(%arg0: i32) -> (i32, i32) {
    %c0_i32 = arith.constant 0 : i32
    %c0_i32_0 = arith.constant 0 : i32
    return %arg0, %c0_i32 : i32, i32
  }
  func.func @transform_1(%arg0: i32) -> (i32, i32) {
    %c0_i32 = arith.constant 0 : i32
    %c0_i32_0 = arith.constant 0 : i32
    return %arg0, %c0_i32 : i32, i32
  }
  func.func @transform_2(%arg0: i32) -> (i32, i32) {
    %c0_i32 = arith.constant 0 : i32
    %c0_i32_0 = arith.constant 0 : i32
    %c0_i32_1 = arith.constant 0 : i32
    return %c0_i32, %c0_i32_0 : i32, i32
  }
  func.func @transform_3(%arg0: i32) -> (i32, i32) {
    %c0_i32 = arith.constant 0 : i32
    %c0_i32_0 = arith.constant 0 : i32
    return %arg0, %c0_i32 : i32, i32
  }
}

module attributes {stable_mosaic.version = 14 : i64} {
  func.func @body(%arg0: memref<10000x64xf32, #tpu.memory_space<vmem>>, %arg1: memref<10000x64xf32, #tpu.memory_space<vmem>>, %arg2: memref<10000x64xf32, #tpu.memory_space<vmem>>) attributes {dimension_semantics = [], scalar_prefetch = 0 : i64, scratch_operands = 0 : i64, tpu.core_type = #tpu.core_type<tc>} {
    %get3A = arith.constant 0 : index
    %get3A_0 = arith.constant 0 : index
    %get3A_1 = vector.load %arg0[%get3A, %get3A_0] : memref<10000x64xf32, #tpu.memory_space<vmem>>, vector<10000x64xf32>
    %get3A_2 = arith.constant 0 : index
    %get3A_3 = arith.constant 0 : index
    %get3A_4 = vector.load %arg1[%get3A_2, %get3A_3] : memref<10000x64xf32, #tpu.memory_space<vmem>>, vector<10000x64xf32>
    %add3A = arith.addf %get3A_1, %get3A_4 : vector<10000x64xf32>
    %swap3A = arith.constant 0 : index
    %swap3A_5 = arith.constant 0 : index
    %swap3A_6 = vector.load %arg2[%swap3A, %swap3A_5] : memref<10000x64xf32, #tpu.memory_space<vmem>>, vector<10000x64xf32>
    tpu.vector_store %arg2[%swap3A, %swap3A_5], %add3A {strides = array<i32>} : memref<10000x64xf32, #tpu.memory_space<vmem>>, vector<10000x64xf32>,
    return
  }
}

</mosaic_0001>

<sc_bundles>
// kernel: kernel.10.cloned.1.call-start
scs
__scs_entry_jumppad:
0x0: {  	(pc) =	sbr.rel $0x88, $3  }
0x1: {  	(tag) =	ssettag $0x0;
	lr =	simm.s32 $0x1  }
0x2: {  	[smem:$0x3F9D] =	sst lr;
	_ =	strace $0xD0000000  }
0x3: {  	_ = 	snop  }
0x4: {  	_ = 	snop  }
0x5: {  	_ = 	snop  }
0x6: {  	_ = 	snop  }
0x7: {  	_ = 	snop  }
__scs_overlays_trampoline_lowered:
0x8: {  	[smem:$0x3FAC] =	sst s0  }
0x9: {  	[smem:$0x3FAD] =	sst s1  }
0xa: {  	[smem:$0x3FAE] =	sst s2  }
0xb: {  	[smem:$0x3FAF] =	sst s3  }
0xc: {  	[smem:$0x3FB0] =	sst s4  }
0xd: {  	[smem:$0x3FB1] =	sst s5  }
0xe: {  	[smem:$0x3FB2] =	sst s6  }
0xf: {  	[smem:$0x3FB3] =	sst s7  }
0x10: {  	[smem:$0x3FB4] =	sst s8  }
0x11: {  	[smem:$0x3FB5] =	sst s9;
	s0 =	simm.s32 @!p0 $0x0  }
0x12: {  	s1 =	sld [smem:$0x3F9B];
	s0 =	simm.s32 @p0 $0x1  }
0x13: {  	[smem:$0x3FB6] =	sst s0;
	s0 =	simm.s32 @!p1 $0x0  }
0x14: {  	s2 =	sld [smem:$0x3F9A];
	s0 =	simm.s32 @p1 $0x1  }
0x15: {  	[smem:$0x3FB7] =	sst s0;
	s0 =	simm.s32 @!p2 $0x0  }
0x16: {  	s3 =	sld [smem:$0x3FDB];
	s0 =	simm.s32 @p2 $0x1  }
0x17: {  	s4 =	simm.s32 $0x1BF5;
	[smem:$0x3FB9] =	sst s0  }
0x18: {  	s0 =	sld [smem:$0x3F9C];
	_ =	swait.ge [sflag:s4], $0x0  }
0x19: {  	s7 =	sld [smem:$0x3F9D]  }
0x1a: {  	s8 =	sadd.s32 $0xFFFFE003, lr  }
0x1b: {  	s9 =	sadd.s32 $0xFFFFFEF7, lr;
	s5 =	simm.s32 $0xFFFFFFFF;
	p2 =	slt.u32 s8, $0xFFFFF086  }
0x1c: {  	p1 =	slt.u32 s9, $0xF7A;
	s5 =	simm.s32 @!p2 $0x0  }
0x1d: {  	s5 =	simm.s32 @p1 $0x1;
	p0 =	seq.s32 s7, s2  }
0x1e: {  	s7 =	smul.u32 @!p0 $0xF7A, s2;
	p2 =	seq.s32 @!p0 s5, $0x0  }
0x1f: {  	s9 =	smul.u32 $0xF7A, s1;
	s8 =	simm.s32 @!p0 $0x1BF5;
	p2 =	por !p2, p0  }
0x20: {  	[sflag:s8] =	ssyncset.s32 @!p0 $0xFFFFF086;
	s6 =	sadd.s32 @!p0 s3, s7;
	s7 =	simm.s32 @!p0 $0x108  }
0x21: {  	s3 =	sadd.s32 s3, s9;
	s6 =	sadd.s32 @!p0 $0x88, s6;
	s7 =	simm.s32 @p2 $0x1082  }
0x22: {  	[simem:s7], [sflag:s8] =	dma.local @!p0 [hbm:s6], $0xF7A  }
0x23: {  	s9 =	sor.u32 $0xD0000000, s2;
	s6 =	simm.s32 $0x108;
	_ =	swait.ge @!p0 [sflag:s8], $0x0  }
0x24: {  	s3 =	sadd.s32 $0x88, s3;
	s6 =	simm.s32 @!p1 $0x1082;
	[sflag:s4] =	ssyncset.s32 $0xFFFFF086  }
0x25: {  	[simem:s6], [sflag:s4] =	dma.local [hbm:s3], $0xF7A  }
0x26: {  	[smem:$0x3F9D] =	sst s1;
	(tag) =	ssettag s2;
	_ =	strace s9  }
0x27: {  	s1 =	sld [smem:$0x3FAD]  }
0x28: {  	s2 =	sld [smem:$0x3FAE]  }
0x29: {  	s4 =	sld [smem:$0x3FB0]  }
0x2a: {  	p0 =	seq.s32 s5, $0x0;
	s5 =	sld [smem:$0x3FB1]  }
0x2b: {  	s6 =	sld [smem:$0x3FB2]  }
0x2c: {  	s7 =	sld [smem:$0x3FB3]  }
0x2d: {  	s3 =	simm.s32 $0x108;
	s8 =	sld [smem:$0x3FB4]  }
0x2e: {  	s3 =	simm.s32 @!p0 $0x1082;
	s9 =	sld [smem:$0x3FB5]  }
0x2f: {  	lr =	sadd.s32 s0, s3;
	s0 =	sld [smem:$0x3FAC]  }
0x30: {  	s3 =	sld [smem:$0x3FAF]  }
0x31: {  	[smem:$0x3FB8] =	sst s10  }
0x32: {  	s10 =	sld [smem:$0x3FB6];
	_ =	sdelay $0x3  }
0x33: {  	p0 =	seq.s32 s10, $0x1;
	s10 =	sld [smem:$0x3FB8];
	_ =	sdelay $0x3  }
0x34: {  	[smem:$0x3FB8] =	sst s10  }
0x35: {  	s10 =	sld [smem:$0x3FB7];
	_ =	sdelay $0x3  }
0x36: {  	p1 =	seq.s32 s10, $0x1;
	s10 =	sld [smem:$0x3FB8];
	_ =	sdelay $0x3  }
0x37: {  	[smem:$0x3FB8] =	sst s10  }
0x38: {  	s10 =	sld [smem:$0x3FB9]  }
0x39: {  	_ = 	snop;
	(pc) =	sbr.ind lr, $3  }
0x3a: {  	_ = 	snop  }
0x3b: {  	_ = 	snop  }
0x3c: {  	p2 =	seq.s32 s10, $0x1;
	s10 =	sld [smem:$0x3FB8]  }
0x3d: {  	_ =	shalt  }
0x3e: {  	_ =	shalt  }
0x3f: {  	_ =	shalt  }
0x40: {  	_ =	shalt  }
0x41: {  	_ =	shalt  }
0x42: {  	_ =	shalt  }
0x43: {  	_ =	shalt  }
0x44: {  	_ =	shalt  }
0x45: {  	_ =	shalt  }
0x46: {  	_ =	shalt  }
0x47: {  	_ =	shalt  }
0x48: {  	_ =	shalt  }
0x49: {  	_ =	shalt  }
0x4a: {  	_ =	shalt  }
0x4b: {  	_ =	shalt  }
0x4c: {  	_ =	shalt  }
0x4d: {  	_ =	shalt  }
0x4e: {  	_ =	shalt  }
0x4f: {  	_ =	shalt  }
0x50: {  	_ =	shalt  }
0x51: {  	_ =	shalt  }
0x52: {  	_ =	shalt  }
0x53: {  	_ =	shalt  }
0x54: {  	_ =	shalt  }
0x55: {  	_ =	shalt  }
0x56: {  	_ =	shalt  }
0x57: {  	_ =	shalt  }
0x58: {  	_ =	shalt  }
0x59: {  	_ =	shalt  }
0x5a: {  	_ =	shalt  }
0x5b: {  	_ =	shalt  }
0x5c: {  	_ =	shalt  }
0x5d: {  	_ =	shalt  }
0x5e: {  	_ =	shalt  }
0x5f: {  	_ =	shalt  }
0x60: {  	_ =	shalt  }
0x61: {  	_ =	shalt  }
0x62: {  	_ =	shalt  }
0x63: {  	_ =	shalt  }
0x64: {  	_ =	shalt  }
0x65: {  	_ =	shalt  }
0x66: {  	_ =	shalt  }
0x67: {  	_ =	shalt  }
0x68: {  	_ =	shalt  }
0x69: {  	_ =	shalt  }
0x6a: {  	_ =	shalt  }
0x6b: {  	_ =	shalt  }
0x6c: {  	_ =	shalt  }
0x6d: {  	_ =	shalt  }
0x6e: {  	_ =	shalt  }
0x6f: {  	_ =	shalt  }
0x70: {  	_ =	shalt  }
0x71: {  	_ =	shalt  }
0x72: {  	_ =	shalt  }
0x73: {  	_ =	shalt  }
0x74: {  	_ =	shalt  }
0x75: {  	_ =	shalt  }
0x76: {  	_ =	shalt  }
0x77: {  	_ =	shalt  }
0x78: {  	_ =	shalt  }
0x79: {  	_ =	shalt  }
0x7a: {  	_ =	shalt  }
0x7b: {  	_ =	shalt  }
0x7c: {  	_ =	shalt  }
0x7d: {  	_ =	shalt  }
0x7e: {  	_ =	shalt  }
0x7f: {  	_ =	shalt  }
0x80: {  	_ =	shalt  }
0x81: {  	_ =	shalt  }
0x82: {  	_ =	shalt  }
0x83: {  	_ =	shalt  }
0x84: {  	_ =	shalt  }
0x85: {  	_ =	shalt  }
0x86: {  	_ =	shalt  }
0x87: {  	_ =	shalt  }
.Lfunc_end0:
.L_simem_size_0:
called_computation.1_lowered:
.L_overlay_start_0:
0x88: {  	s2 =	sld [smem:$0x3FD9]  }
0x89: {  	s3 =	sld [smem:$0x3FFE];
	_ =	sdelay $0x1  }
0x8a: {  	s1 =	srdreg.scid  }
0x8b: {  	s0 =	sand.u32 $0x1, s1  }
0x8c: {  	s17 =	sshll.u32 s0, $0xA;
	s2 =	sadd.s32 s3, s2  }
0x8d: {  	s2 =	sadd.s32 s2, s17  }
0x8e: {  	[smem:$0x3FC4] =	sst s2  }
0x8f: {  	_ = 	snop  }
0x90: {  	s2 =	sld [smem:$0x3FD0];
	(tm) =	ssettm $0x1  }
0x91: {  	s18 =	sld [smem:$0x3FFB];
	_ =	sdelay $0x3  }
0x92: {  	_ =	strace s18  }
0x93: {  	s3 =	sld [smem:$0x3FFC];
	_ =	sdelay $0x3  }
0x94: {  	_ =	strace s3  }
0x95: {  	s3 =	sld [smem:$0x3FFD];
	_ =	sdelay $0x3  }
0x96: {  	_ =	strace s3  }
0x97: {  	_ =	strace $0x8FFFFFFF  }
0x98: {  	s19 =	sld [smem:$0x3FDB];
	_ =	sdelay $0x1  }
0x99: {  	s4 =	simm.s32 $_scs_section_size  }
0x9a: {  	s5 =	simm.s32 $_size__tile_overlayer_lowered;
	s6 =	simm.s32 $_tile_overlayer_lowered  }
0x9b: {  	s22 =	simm.s32 $0x1BFF;
	s21 =	sshll.u32 s6, $0x1;
	s3 =	sadd.s32 s4, s19  }
0x9c: {  	s7 =	simm.s32 $0x0;
	s20 =	sshll.u32 s5, $0x1;
	s5 =	sadd.s32 s21, s3  }
0x9d: {  	[timem:s7], [sflag:s22] =	dma.local [hbm:s5], s20  }
0x9e: {  	_ =	swait.ge [sflag:s22], s20  }
0x9f: {  	s4 =	ssub.s32 $0x0, s20;
	[sflag:s22] =	ssyncset.done $0x0  }
0xa0: {  	[sflag:s22] =	ssyncadd.s32 s4;
	_ =	sdelay $0x1  }
0xa1: {  	s23 =	simm.s32 $0x1B8B  }
0xa2: {  	_ =	swait.ge [sflag:s23], $0x1  }
0xa3: {  	[sflag:s23] =	ssyncset.done $0x0  }
0xa4: {  	s25 =	simm.s32 $0x1B8E;
	s24 =	sld [smem:$0x3FFE];
	[sflag:s23] =	ssyncadd.s32 $0xFFFFFFFF  }
0xa5: {  	s26 =	simm.s32 $execute0_lowered;
	[smem:$0x3FD2] =	sst s25  }
0xa6: {  	s5 =	sshll.u32 s26, $0x1;
	_ =	strace $0x80000049;
	[dreg:$0x1] =	wrdreg $0xFFFFFFFF  }
0xa7: {  	s28 =	simm.s32 $_size_execute0_lowered;
	s3 =	sadd.s32 s3, s5;
	[dreg:$0x0] =	wrdreg $0x0  }
0xa8: {  	s5 =	sshll.u32 s28, $0x1;
	[dreg:$0x2] =	wrdreg s3  }
0xa9: {  	[dreg:$0x3] =	wrdreg s5  }
0xaa: {  	[dreg:$0x4] =	wrdreg $0xC0  }
0xab: {  	_ =	task [dreg:s7], $0x5FFFF  }
0xac: {  	[dreg:$0x1] =	wrdreg $0xFFFFFFFF  }
0xad: {  	[dreg:$0x0] =	wrdreg $0x60  }
0xae: {  	[dreg:$0x2] =	wrdreg s2  }
0xaf: {  	[dreg:$0x3] =	wrdreg s24  }
0xb0: {  	[dreg:$0x4] =	wrdreg $0xBEA00  }
0xb1: {  	[dreg:$0x5] =	wrdreg $0x9  }
0xb2: {  	_ =	task.clear_ibuf [dreg:s7], $0x6FFFF;
	_ =	strace $0x90000049  }
0xb3: {  	s29 =	simm.s32 $0x9;
	_ =	strace $0x8000004B  }
0xb4: {  	_ =	swait.ge [sflag:s29], $0x1  }
0xb5: {  	[sflag:s29] =	ssyncadd.s32 $0xFFFFFFFF  }
0xb6: {  	_ =	strace $0x9000004B  }
0xb7: {  	_ =	sfence  }
0xb8: {  	s30 =	sld [smem:$0x0];
	_ =	sdelay $0x2  }
0xb9: {  	s31 =	sshll.u32 s1, $0xD;
	s1 =	sshrl.u32 s1, $0x2  }
0xba: {  	s3 =	sand.u32 $0x4000, s31;
	s1 =	sadd.s32 s1, s30  }
0xbb: {  	s0 =	sor.u32 s3, s0;
	s1 =	sshll.u32 s1, $0x11  }
0xbc: {  	s0 =	sor.u32 s1, s0  }
0xbd: {  	s0 =	sadd.s32 $0x8F2B, s0  }
0xbe: {  	[sflag:s0] =	ssyncadd.remote.s32 $0x1  }
0xbf: {  	_ =	sfence.sel $0xFFFF  }
0xc0: {  	[dreg:$0x0] =	wrdreg $0xFFFFFFFF;
	(pc) =	sbr.abs _section_cstart, $3  }
0xc1: {  	[dreg:$0x1] =	wrdreg $0xFFFFFFFF  }
0xc2: {  	_ =	task.clear_ibuf [dreg:s7], $0x2FFFF;
	_ =	strace $0x9FFFFFFF  }
0xc3: {  	(tm) =	ssettm $0x7FFFFFFF  }
tec
execute0_lowered:
.L_overlay_start_1:
0x0: {  	(tag) =	ssettag $0x1  }
0x1: {  	s1 =	rddreg [dreg:$0x0]  }
0x2: {  	s0 =	rddreg [dreg:$0x1]  }
0x3: {  	s3 =	rddreg [dreg:$0x2]  }
0x4: {  	s4 =	simm.s32 $0x0;
	s2 =	srdreg.scid;
	s10 =	stileid.u32  }
0x5: {  	s29 =	simm.s32 $0x41A0;
	s31 =	simm.s32 $0x5AA0;
	[smem:$0x7FF] =	sst s4  }
0x6: {  	s2 =	sand.u32 $0x1, s2;
	s16 =	sshll.u32 s10, $0x1;
	s5 =	sadd.s32 $0xB600, s0  }
0x7: {  	s6 =	sadd.s32 $0x1200, s0;
	s0 =	sadd.s32 $0x15A00, s0;
	s9 =	smul.u32 $0x27100, s10  }
0x8: {  	s19 =	smul.u32 $0x9E00, s10;
	p0 =	seq.s32 s10, $0xF;
	s10 =	simm.s32 $0x5  }
0x9: {  	_ =	strace $0x8000004A;
	s4 =	sor.u32 s2, s16;
	s7 =	ssub.s32 $0x2, s2  }
0xa: {  	s2 =	smul.u32 $0x9C400, s2;
	s8 =	sshrl.u32 s7, $0x1;
	s18 =	sshrl.u32 s9, $0x2  }
0xb: {  	s4 =	smul.u32 $0x28A0, s4;
	s8 =	ssub.s32 s7, s8;
	s7 =	sadd.s32 s18, s3  }
0xc: {  	s9 =	simm.s32 $0x3;
	s21 =	sadd.s32 s19, s2;
	s20 =	sadd.s32 $0x9600, s7  }
0xd: {  	s2 =	sshrl.u32 s2, $0x3;
	s23 =	smax.u32 s8, $0x1;
	[dreg:$0x6] =	wrdreg s20  }
0xe: {  	s4 =	sshrl.u32 s4, $0x3;
	s24 =	sadd.s32 $0x1900, s7;
	[dreg:$0xb] =	wrdreg s23  }
0xf: {  	s22 =	sshrl.u32 s21, $0x3;
	s25 =	sadd.s32 $0x3200, s7;
	[dreg:$0xc] =	wrdreg s24  }
0x10: {  	s26 =	sadd.s32 $0x4B00, s7;
	s28 =	sadd.s32 $0x6400, s7;
	[dreg:$0xd] =	wrdreg s25  }
0x11: {  	s30 =	sadd.s32 $0x7D00, s7;
	s21 =	simm.s32 $0x7;
	[dreg:$0xe] =	wrdreg s26  }
0x12: {  	s8 =	simm.s32 $0xA5A0;
	s17 =	sadd.s32 s5, s4;
	[dreg:$0xf] =	wrdreg s28  }
0x13: {  	s11 =	sadd.s32 s6, s4;
	s4 =	sadd.s32 $0x28A, s4;
	[dreg:$0x10] =	wrdreg s30  }
0x14: {  	s20 =	simm.s32 $0x28A0;
	s23 =	simm.s32 $0x2;
	[dreg:$0x4] =	wrdreg s17  }
0x15: {  	s26 =	simm.s32 $0x64;
	[dreg:$0x5] =	wrdreg s11;
	s5 =	sadd.s32 s5, s4  }
0x16: {  	s4 =	sadd.s32 s6, s4;
	s6 =	simm.s32 $0x208;
	[dreg:$0x7] =	wrdreg s5  }
0x17: {  	s11 =	simm.s32 $0x0;
	[dreg:$0x8] =	wrdreg s4;
	s4 =	sadd.s32 s0, s22  }
.Ltmp0:
0x18: {  	s0 =	sadd.s32 s0, s2;
	s22 =	simm.s32 $0x1;
	(pc) =	sbr.rel .LBB2_1-.Ltmp0, $4  }
0x19: {  	s2 =	simm.s32 $0x73A0;
	[dreg:$0x9] =	wrdreg s4;
	s0 =	sadd.s32 $0x12840, s0  }
0x1a: {  	s4 =	sadd.s32 s19, s3;
	[dreg:$0xa] =	wrdreg s0;
	s0 =	sadd.s32 $0x94200, s3  }
0x1b: {  	s5 =	simm.s32 $0x8CA0;
	s25 =	sshrl.u32 @!p0 s4, $0x3;
	s0 =	sshrl.u32 @p0 s0, $0x3  }
0x1c: {  	v0 =	vimm.f32 $0.0e+00;
	s4 =	simm.s32 $0x1A0;
	[dreg:$0x11] =	wrdreg s0;
	s0 =	simm.s32 $0x138  }
.LBB2_12:
0x1d: {  	_ =	swait.ge [sflag:s23], $0x1900  }
0x1e: {  	[sflag:s23] =	ssyncset.done $0x0  }
0x1f: {  	s12 =	sadd.s32 $0x14B8, s19;
	[sflag:s23] =	ssyncadd.s32 $0xFFFFE700  }
0x20: {  	[spmem:s3] =	stream.indirect.scatter.add.f32 [tilespmem:s29], [sflag:$0x7], $0x40, s12, s26, $0xb8;
	[tilespmem:$0x15AE0] =	vst v63  }
0x21: {  	_ =	swait.ge [sflag:s21], $0x1900  }
0x22: {  	[sflag:s21] =	ssyncset.done $0x0  }
0x23: {  	[sflag:s21] =	ssyncadd.s32 $0xFFFFE700  }
.LBB2_9:
0x24: {  	[bflag:$0x0] =	sbarrier.arrive $0xFFFF  }
0x25: {  	s13 =	rddreg [dreg:$0xa]  }
0x26: {  	s12 =	simm.s32 @p0 $0x1FC7;
	s14 =	rddreg [dreg:$0x11]  }
0x27: {  	[hbm:s13], [sflag:s12] =	dma.local @p0 [spmem:s14], $0x1040  }
0x28: {  	s12 =	simm.s32 @p0 $0x7  }
0x29: {  	s13 =	stileid.u32;
	_ =	swait.ge @p0 [sflag:s12], $0x1040  }
0x2a: {  	s13 =	sshll.u32 @!p0 s13, $0x6;
	[sflag:s12] =	ssyncset.done @p0 $0x0  }
0x2b: {  	[sflag:s12] =	ssyncadd.s32 @p0 $0xFFFFEFC0;
	s12 =	sor.u32 @!p0 $0x1C07, s13;
	s13 =	rddreg [dreg:$0x9]  }
0x2c: {  	[hbm:s13], [sflag:s12] =	dma.local @!p0 [spmem:s25], $0x13C0  }
0x2d: {  	s12 =	simm.s32 @!p0 $0x7  }
0x2e: {  	_ =	swait.ge @!p0 [sflag:s12], $0x13C0  }
0x2f: {  	s11 =	sadd.s32 $0x1, s11;
	s30 =	rddreg [dreg:$0xb]  }
0x30: {  	p1 =	sne.s32 s11, s30  }
.Ltmp1:
0x31: {  	_ = 	snop;
	(pc) =	sbr.rel @!p1 .LBB2_10-.Ltmp1, $3  }
0x32: {  	_ =	sdelay $0x1  }
0x33: {  	[sflag:s12] =	ssyncset.done @!p0 $0x0  }
0x34: {  	[sflag:s12] =	ssyncadd.s32 @!p0 $0xFFFFEC40  }
.LBB2_1:
0x35: {  	s12 =	simm.s32 $0x0;
	s13 =	rddreg [dreg:$0x4]  }
0x36: {  	[tilespmem:s12], [sflag:$0x1] =	stream.linear.gather [hbm4b:s13+s12], $0x1450, $0x38;
	[tilespmem:$0x15AE0] =	vst v63  }
0x37: {  	s30 =	rddreg [dreg:$0x5];
	s14 =	simm.s32 $0x1450  }
0x38: {  	[tilespmem:s14], [sflag:$0x2] =	stream.linear.gather [hbm4b:s30+s12], $0x1450, $0x38;
	[tilespmem:$0x15AE0] =	vst v63  }
0x39: {  	s13 =	simm.s32 $0x100;
	s12 =	simm.s32 $0x0  }
.LBB2_2:
0x3a: {  	p1 =	sne.s32 s13, $0x6300;
	[tilespmem:s12+$0x28D0] =	vst v0;
	s19 =	smov.u32 s13;
	s13 =	sadd.s32 $0x100, s13  }
.Ltmp2:
0x3b: {  	[tilespmem:s12+$0x28C0] =	vst v0;
	(pc) =	sbr.rel @p1 .LBB2_2-.Ltmp2, $3  }
0x3c: {  	[tilespmem:s12+$0x28A0] =	vst v0  }
0x3d: {  	[tilespmem:s12+$0x28B0] =	vst v0;
	_ =	sdelay $0x1  }
0x3e: {  	s12 =	sshra.s32 s19, $0x2  }
0x3f: {  	[tilespmem:s12+$0x28D0] =	vst v0  }
0x40: {  	[tilespmem:s12+$0x28C0] =	vst v0  }
0x41: {  	[tilespmem:s12+$0x28A0] =	vst v0  }
0x42: {  	[tilespmem:s12+$0x28B0] =	vst v0  }
0x43: {  	[spmem:s7] =	stream.linear.scatter [tilespmem:s20], [sflag:$0x7], $0x1900, $0x38;
	[tilespmem:$0x15AE0] =	vst v63  }
0x44: {  	_ =	swait.ge [sflag:s21], $0x1900  }
0x45: {  	[sflag:s21] =	ssyncset.done $0x0  }
0x46: {  	s16 =	rddreg [dreg:$0xc];
	[sflag:s21] =	ssyncadd.s32 $0xFFFFE700  }
0x47: {  	[spmem:s16] =	stream.linear.scatter [tilespmem:s20], [sflag:$0x7], $0x1900, $0x38;
	[tilespmem:$0x15AE0] =	vst v63  }
0x48: {  	_ =	swait.ge [sflag:s21], $0x1900  }
0x49: {  	[sflag:s21] =	ssyncset.done $0x0  }
0x4a: {  	s17 =	rddreg [dreg:$0xd];
	[sflag:s21] =	ssyncadd.s32 $0xFFFFE700  }
0x4b: {  	[spmem:s17] =	stream.linear.scatter [tilespmem:s20], [sflag:$0x7], $0x1900, $0x38;
	[tilespmem:$0x15AE0] =	vst v63  }
0x4c: {  	_ =	swait.ge [sflag:s21], $0x1900  }
0x4d: {  	[sflag:s21] =	ssyncset.done $0x0  }
0x4e: {  	s18 =	rddreg [dreg:$0xe];
	[sflag:s21] =	ssyncadd.s32 $0xFFFFE700  }
0x4f: {  	[spmem:s18] =	stream.linear.scatter [tilespmem:s20], [sflag:$0x7], $0x1900, $0x38;
	[tilespmem:$0x15AE0] =	vst v63  }
0x50: {  	_ =	swait.ge [sflag:s21], $0x1900  }
0x51: {  	[sflag:s21] =	ssyncset.done $0x0  }
0x52: {  	s19 =	rddreg [dreg:$0xf];
	[sflag:s21] =	ssyncadd.s32 $0xFFFFE700  }
0x53: {  	[spmem:s19] =	stream.linear.scatter [tilespmem:s20], [sflag:$0x7], $0x1900, $0x38;
	[tilespmem:$0x15AE0] =	vst v63  }
0x54: {  	_ =	swait.ge [sflag:s21], $0x1900  }
0x55: {  	[sflag:s21] =	ssyncset.done $0x0  }
0x56: {  	s24 =	rddreg [dreg:$0x10];
	[sflag:s21] =	ssyncadd.s32 $0xFFFFE700  }
0x57: {  	[spmem:s24] =	stream.linear.scatter [tilespmem:s20], [sflag:$0x7], $0x1900, $0x38;
	[tilespmem:$0x15AE0] =	vst v63  }
0x58: {  	_ =	swait.ge [sflag:s21], $0x1900  }
0x59: {  	[sflag:s21] =	ssyncset.done $0x0  }
0x5a: {  	s28 =	rddreg [dreg:$0x6];
	[sflag:s21] =	ssyncadd.s32 $0xFFFFE700  }
0x5b: {  	[spmem:s28] =	stream.linear.scatter [tilespmem:s20], [sflag:$0x7], $0x640, $0x38;
	[tilespmem:$0x15AE0] =	vst v63  }
0x5c: {  	_ =	swait.ge [sflag:s21], $0x640  }
0x5d: {  	[sflag:s21] =	ssyncset.done $0x0  }
0x5e: {  	[sflag:s21] =	ssyncadd.s32 $0xFFFFF9C0  }
0x5f: {  	[bflag:$0x0] =	sbarrier.arrive $0xFFFF  }
0x60: {  	_ =	swait.ge [sflag:s22], $0x1450  }
0x61: {  	[sflag:s22] =	ssyncset.done $0x0  }
0x62: {  	[sflag:s22] =	ssyncadd.s32 $0xFFFFEBB0  }
0x63: {  	_ =	swait.ge [sflag:s23], $0x1450  }
0x64: {  	[sflag:s23] =	ssyncset.done $0x0  }
0x65: {  	s12 =	simm.s32 $0x0;
	[sflag:s23] =	ssyncadd.s32 $0xFFFFEBB0  }
0x66: {  	[tilespmem:s20], [sflag:$0x1] =	stream.indirect.gather [hbm4b:s1+s26], $0x40, s12, s26, $0xb8;
	[tilespmem:$0x15AE0] =	vst v63  }
0x67: {  	s13 =	simm.s32 $0x68  }
0x68: {  	[tilespmem:s29], [sflag:$0x2] =	stream.indirect.gather [hbm4b:s1+s26], $0x40, s13, s26, $0xb8;
	[tilespmem:$0x15AE0] =	vst v63  }
0x69: {  	s30 =	simm.s32 $0xD0  }
0x6a: {  	[tilespmem:s31], [sflag:$0x3] =	stream.indirect.gather [hbm4b:s1+s26], $0x40, s30, s26, $0xb8;
	[tilespmem:$0x15AE0] =	vst v63  }
0x6b: {  	_ = 	snop  }
0x6c: {  	[tilespmem:s2], [sflag:$0x4] =	stream.indirect.gather [hbm4b:s1+s26], $0x40, s0, s26, $0xb8;
	[tilespmem:$0x15AE0] =	vst v63  }
0x6d: {  	_ = 	snop  }
0x6e: {  	[tilespmem:s5], [sflag:$0x5] =	stream.indirect.gather [hbm4b:s1+s26], $0x40, s4, s26, $0xb8;
	[tilespmem:$0x15AE0] =	vst v63  }
0x6f: {  	s13 =	simm.s32 $0x0  }
0x70: {  	[tilespmem:s8], [sflag:$0x6] =	stream.indirect.gather [hbm4b:s1+s26], $0x40, s6, s26, $0xb8;
	[tilespmem:$0x15AE0] =	vst v63  }
.LBB2_4:
0x71: {  	_ =	swait.ge [sflag:s22], $0x1900  }
0x72: {  	s19 =	sshra.s32 s12, $0x2;
	p1 =	seq.s32 s12, $0x4E00;
	[sflag:s22] =	ssyncset.done $0x0  }
.Ltmp3:
0x73: {  	s14 =	sadd.s32 $0x1450, s19;
	[sflag:s22] =	ssyncadd.s32 $0xFFFFE700;
	(pc) =	sbr.rel @p1 .LBB2_11-.Ltmp3, $4  }
0x74: {  	[spmem:s3] =	stream.indirect.scatter.add.f32 [tilespmem:s20], [sflag:$0x7], $0x40, s14, s26, $0xb8;
	[tilespmem:$0x15AE0] =	vst v63  }
0x75: {  	_ =	swait.ge [sflag:s21], $0x1900  }
0x76: {  	[sflag:s21] =	ssyncset.done $0x0  }
0x77: {  	[sflag:s21] =	ssyncadd.s32 $0xFFFFE700  }
0x78: {  	s14 =	sadd.s32 $0x270, s19  }
0x79: {  	[tilespmem:s20], [sflag:$0x1] =	stream.indirect.gather [hbm4b:s1+s26], $0x40, s14, s26, $0xb8;
	[tilespmem:$0x15AE0] =	vst v63  }
0x7a: {  	_ =	swait.ge [sflag:s23], $0x1900  }
0x7b: {  	[sflag:s23] =	ssyncset.done $0x0  }
0x7c: {  	s18 =	sadd.s32 $0x14B8, s19;
	[sflag:s23] =	ssyncadd.s32 $0xFFFFE700  }
0x7d: {  	[spmem:s3] =	stream.indirect.scatter.add.f32 [tilespmem:s29], [sflag:$0x7], $0x40, s18, s26, $0xb8;
	[tilespmem:$0x15AE0] =	vst v63  }
0x7e: {  	_ =	swait.ge [sflag:s21], $0x1900  }
0x7f: {  	[sflag:s21] =	ssyncset.done $0x0  }
0x80: {  	s24 =	sadd.s32 $0x2D8, s19;
	[sflag:s21] =	ssyncadd.s32 $0xFFFFE700  }
0x81: {  	[tilespmem:s29], [sflag:$0x2] =	stream.indirect.gather [hbm4b:s1+s26], $0x40, s24, s26, $0xb8;
	[tilespmem:$0x15AE0] =	vst v63  }
0x82: {  	_ =	swait.ge [sflag:s9], $0x1900  }
0x83: {  	[sflag:s9] =	ssyncset.done $0x0  }
0x84: {  	s28 =	sadd.s32 $0x1520, s19;
	[sflag:s9] =	ssyncadd.s32 $0xFFFFE700  }
0x85: {  	[spmem:s3] =	stream.indirect.scatter.add.f32 [tilespmem:s31], [sflag:$0x7], $0x40, s28, s26, $0xb8;
	[tilespmem:$0x15AE0] =	vst v63  }
0x86: {  	_ =	swait.ge [sflag:s21], $0x1900  }
0x87: {  	p1 =	sgt.u32 s13, $0x6;
	[sflag:s21] =	ssyncset.done $0x0  }
0x88: {  	s14 =	simm.s32 @p1 $0x4;
	[sflag:s21] =	ssyncadd.s32 $0xFFFFE700  }
0x89: {  	_ =	swait.ge @p1 [sflag:s14], $0x1900  }
0x8a: {  	[sflag:s14] =	ssyncset.done @p1 $0x0  }
0x8b: {  	[sflag:s14] =	ssyncadd.s32 @p1 $0xFFFFE700;
	s14 =	sshra.s32 @p1 s12, $0x2  }
0x8c: {  	s16 =	simm.s32 @p1 $0x64;
	s17 =	simm.s32 @p1 $0x73A0;
	s15 =	sadd.s32 @p1 $0x1588, s14  }
0x8d: {  	[spmem:s3] =	stream.indirect.scatter.add.f32 @p1 [tilespmem:s17], [sflag:$0x7], $0x40, s15, s16, $0xb8;
	[tilespmem:$0x15AE0] =	vst v63  }
0x8e: {  	s15 =	simm.s32 @p1 $0x7  }
0x8f: {  	_ =	swait.ge @p1 [sflag:s15], $0x1900  }
0x90: {  	s30 =	simm.s32 @!p1 $0x5AA0;
	s17 =	sshra.s32 @!p1 s12, $0x2;
	[sflag:s15] =	ssyncset.done @p1 $0x0  }
0x91: {  	s28 =	simm.s32 @!p1 $0x64;
	s18 =	sadd.s32 @!p1 $0x340, s17;
	[sflag:s15] =	ssyncadd.s32 @p1 $0xFFFFE700  }
0x92: {  	[tilespmem:s30], [sflag:$0x3] =	stream.indirect.gather @!p1 [hbm4b:s1+s28], $0x40, s18, s28, $0xb8;
	[tilespmem:$0x15AE0] =	vst v63  }
0x93: {  	s18 =	simm.s32 @!p1 $0x4  }
0x94: {  	_ =	swait.ge @!p1 [sflag:s18], $0x1900  }
0x95: {  	[sflag:s18] =	ssyncset.done @!p1 $0x0  }
0x96: {  	s30 =	simm.s32 @!p1 $0x73A0;
	[sflag:s18] =	ssyncadd.s32 @!p1 $0xFFFFE700;
	s18 =	sadd.s32 @!p1 $0x1588, s17  }
0x97: {  	[spmem:s3] =	stream.indirect.scatter.add.f32 @!p1 [tilespmem:s30], [sflag:$0x7], $0x40, s18, s28, $0xb8;
	[tilespmem:$0x15AE0] =	vst v63  }
0x98: {  	s18 =	simm.s32 @!p1 $0x7  }
0x99: {  	_ =	swait.ge @!p1 [sflag:s18], $0x1900  }
0x9a: {  	[sflag:s18] =	ssyncset.done @!p1 $0x0  }
0x9b: {  	s24 =	sadd.s32 @!p1 $0x3A8, s17;
	[sflag:s18] =	ssyncadd.s32 @!p1 $0xFFFFE700  }
0x9c: {  	[tilespmem:s30], [sflag:$0x4] =	stream.indirect.gather @!p1 [hbm4b:s1+s28], $0x40, s24, s28, $0xb8;
	[tilespmem:$0x15AE0] =	vst v63  }
0x9d: {  	_ =	swait.ge [sflag:s10], $0x1900  }
0x9e: {  	[sflag:s10] =	ssyncset.done $0x0  }
0x9f: {  	s30 =	sadd.s32 $0x15F0, s19;
	[sflag:s10] =	ssyncadd.s32 $0xFFFFE700  }
0xa0: {  	[spmem:s3] =	stream.indirect.scatter.add.f32 [tilespmem:s5], [sflag:$0x7], $0x40, s30, s26, $0xb8;
	[tilespmem:$0x15AE0] =	vst v63  }
0xa1: {  	_ =	swait.ge [sflag:s21], $0x1900  }
0xa2: {  	[sflag:s21] =	ssyncset.done $0x0  }
0xa3: {  	s19 =	simm.s32 @p1 $0x6;
	[sflag:s21] =	ssyncadd.s32 $0xFFFFE700  }
0xa4: {  	_ =	swait.ge @p1 [sflag:s19], $0x1900  }
0xa5: {  	[sflag:s19] =	ssyncset.done @p1 $0x0  }
0xa6: {  	s14 =	sadd.s32 @p1 $0x1658, s14;
	[sflag:s19] =	ssyncadd.s32 @p1 $0xFFFFE700;
	s19 =	simm.s32 @p1 $0xA5A0  }
0xa7: {  	[spmem:s3] =	stream.indirect.scatter.add.f32 @p1 [tilespmem:s19], [sflag:$0x7], $0x40, s14, s16, $0xb8;
	[tilespmem:$0x15AE0] =	vst v63  }
0xa8: {  	_ =	swait.ge @p1 [sflag:s15], $0x1900  }
0xa9: {  	[sflag:s15] =	ssyncset.done @p1 $0x0  }
0xaa: {  	s14 =	sadd.s32 @!p1 $0x410, s17;
	[sflag:s15] =	ssyncadd.s32 @p1 $0xFFFFE700;
	s15 =	simm.s32 @!p1 $0x8CA0  }
0xab: {  	[tilespmem:s15], [sflag:$0x5] =	stream.indirect.gather @!p1 [hbm4b:s1+s28], $0x40, s14, s28, $0xb8;
	[tilespmem:$0x15AE0] =	vst v63  }
0xac: {  	s14 =	simm.s32 @!p1 $0x6  }
0xad: {  	_ =	swait.ge @!p1 [sflag:s14], $0x1900  }
0xae: {  	[sflag:s14] =	ssyncset.done @!p1 $0x0  }
0xaf: {  	s15 =	simm.s32 @!p1 $0xA5A0;
	[sflag:s14] =	ssyncadd.s32 @!p1 $0xFFFFE700;
	s14 =	sadd.s32 @!p1 $0x1658, s17  }
0xb0: {  	[spmem:s3] =	stream.indirect.scatter.add.f32 @!p1 [tilespmem:s15], [sflag:$0x7], $0x40, s14, s28, $0xb8;
	[tilespmem:$0x15AE0] =	vst v63  }
0xb1: {  	_ =	swait.ge @!p1 [sflag:s18], $0x1900  }
0xb2: {  	[sflag:s18] =	ssyncset.done @!p1 $0x0  }
0xb3: {  	s12 =	sadd.s32 $0x9C0, s12;
	s14 =	sadd.s32 @!p1 $0x478, s17;
	[sflag:s18] =	ssyncadd.s32 @!p1 $0xFFFFE700  }
0xb4: {  	[tilespmem:s15], [sflag:$0x6] =	stream.indirect.gather @!p1 [hbm4b:s1+s28], $0x40, s14, s28, $0xb8;
	[tilespmem:$0x15AE0] =	vst v63  }
0xb5: {  	p1 =	sne.s32 s12, $0x57C0  }
.Ltmp4:
0xb6: {  	_ = 	snop;
	(pc) =	sbr.rel @p1 .LBB2_4-.Ltmp4, $4  }
.Ltmp5:
0xb7: {  	_ = 	snop;
	(pc) =	sbr.rel @!p1 .LBB2_6-.Ltmp5, $4  }
0xb8: {  	_ = 	snop  }
0xb9: {  	_ = 	snop  }
0xba: {  	s13 =	sadd.s32 $0x1, s13  }
0xbb: {  	_ = 	snop  }
.LBB2_11:
0xbc: {  	_ =	swait.ge [sflag:s23], $0x1900  }
0xbd: {  	[sflag:s23] =	ssyncset.done $0x0  }
0xbe: {  	s12 =	sadd.s32 $0x14B8, s19;
	[sflag:s23] =	ssyncadd.s32 $0xFFFFE700  }
0xbf: {  	[spmem:s3] =	stream.indirect.scatter.add.f32 [tilespmem:s29], [sflag:$0x7], $0x40, s12, s26, $0xb8;
	[tilespmem:$0x15AE0] =	vst v63  }
0xc0: {  	_ =	swait.ge [sflag:s21], $0x1900  }
0xc1: {  	[sflag:s21] =	ssyncset.done $0x0  }
0xc2: {  	[sflag:s21] =	ssyncadd.s32 $0xFFFFE700  }
.LBB2_6:
0xc3: {  	s12 =	simm.s32 $0x0;
	s13 =	rddreg [dreg:$0x7]  }
0xc4: {  	[tilespmem:s12], [sflag:$0x7] =	stream.linear.gather [hbm4b:s13+s12], $0x1450, $0x38;
	[tilespmem:$0x15AE0] =	vst v63  }
0xc5: {  	_ =	swait.ge [sflag:s21], $0x1450  }
0xc6: {  	[sflag:s21] =	ssyncset.done $0x0  }
0xc7: {  	s14 =	simm.s32 $0x1450;
	s24 =	rddreg [dreg:$0x8];
	[sflag:s21] =	ssyncadd.s32 $0xFFFFEBB0  }
0xc8: {  	[tilespmem:s14], [sflag:$0x7] =	stream.linear.gather [hbm4b:s24+s12], $0x1450, $0x38;
	[tilespmem:$0x15AE0] =	vst v63  }
0xc9: {  	_ =	swait.ge [sflag:s21], $0x1450  }
0xca: {  	[sflag:s21] =	ssyncset.done $0x0  }
0xcb: {  	[sflag:s21] =	ssyncadd.s32 $0xFFFFEBB0  }
0xcc: {  	[tilespmem:s20], [sflag:$0x1] =	stream.indirect.gather [hbm4b:s1+s26], $0x40, s12, s26, $0xb8;
	[tilespmem:$0x15AE0] =	vst v63  }
0xcd: {  	s28 =	simm.s32 $0x68  }
0xce: {  	[tilespmem:s29], [sflag:$0x2] =	stream.indirect.gather [hbm4b:s1+s26], $0x40, s28, s26, $0xb8;
	[tilespmem:$0x15AE0] =	vst v63  }
0xcf: {  	s30 =	simm.s32 $0xD0  }
0xd0: {  	[tilespmem:s31], [sflag:$0x3] =	stream.indirect.gather [hbm4b:s1+s26], $0x40, s30, s26, $0xb8;
	[tilespmem:$0x15AE0] =	vst v63  }
0xd1: {  	_ = 	snop  }
0xd2: {  	[tilespmem:s2], [sflag:$0x4] =	stream.indirect.gather [hbm4b:s1+s26], $0x40, s0, s26, $0xb8;
	[tilespmem:$0x15AE0] =	vst v63  }
0xd3: {  	_ = 	snop  }
0xd4: {  	[tilespmem:s5], [sflag:$0x5] =	stream.indirect.gather [hbm4b:s1+s26], $0x40, s4, s26, $0xb8;
	[tilespmem:$0x15AE0] =	vst v63  }
0xd5: {  	s13 =	simm.s32 $0x0  }
0xd6: {  	[tilespmem:s8], [sflag:$0x6] =	stream.indirect.gather [hbm4b:s1+s26], $0x40, s6, s26, $0xb8;
	[tilespmem:$0x15AE0] =	vst v63  }
.LBB2_7:
0xd7: {  	_ =	swait.ge [sflag:s22], $0x1900  }
0xd8: {  	s19 =	sshra.s32 s12, $0x2;
	p1 =	seq.s32 s12, $0x4E00;
	[sflag:s22] =	ssyncset.done $0x0  }
.Ltmp6:
0xd9: {  	s14 =	sadd.s32 $0x1450, s19;
	[sflag:s22] =	ssyncadd.s32 $0xFFFFE700;
	(pc) =	sbr.rel @p1 .LBB2_12-.Ltmp6, $4  }
0xda: {  	[spmem:s3] =	stream.indirect.scatter.add.f32 [tilespmem:s20], [sflag:$0x7], $0x40, s14, s26, $0xb8;
	[tilespmem:$0x15AE0] =	vst v63  }
0xdb: {  	_ =	swait.ge [sflag:s21], $0x1900  }
0xdc: {  	[sflag:s21] =	ssyncset.done $0x0  }
0xdd: {  	[sflag:s21] =	ssyncadd.s32 $0xFFFFE700  }
0xde: {  	s14 =	sadd.s32 $0x270, s19  }
0xdf: {  	[tilespmem:s20], [sflag:$0x1] =	stream.indirect.gather [hbm4b:s1+s26], $0x40, s14, s26, $0xb8;
	[tilespmem:$0x15AE0] =	vst v63  }
0xe0: {  	_ =	swait.ge [sflag:s23], $0x1900  }
0xe1: {  	[sflag:s23] =	ssyncset.done $0x0  }
0xe2: {  	s18 =	sadd.s32 $0x14B8, s19;
	[sflag:s23] =	ssyncadd.s32 $0xFFFFE700  }
0xe3: {  	[spmem:s3] =	stream.indirect.scatter.add.f32 [tilespmem:s29], [sflag:$0x7], $0x40, s18, s26, $0xb8;
	[tilespmem:$0x15AE0] =	vst v63  }
0xe4: {  	_ =	swait.ge [sflag:s21], $0x1900  }
0xe5: {  	[sflag:s21] =	ssyncset.done $0x0  }
0xe6: {  	s24 =	sadd.s32 $0x2D8, s19;
	[sflag:s21] =	ssyncadd.s32 $0xFFFFE700  }
0xe7: {  	[tilespmem:s29], [sflag:$0x2] =	stream.indirect.gather [hbm4b:s1+s26], $0x40, s24, s26, $0xb8;
	[tilespmem:$0x15AE0] =	vst v63  }
0xe8: {  	_ =	swait.ge [sflag:s9], $0x1900  }
0xe9: {  	[sflag:s9] =	ssyncset.done $0x0  }
0xea: {  	s28 =	sadd.s32 $0x1520, s19;
	[sflag:s9] =	ssyncadd.s32 $0xFFFFE700  }
0xeb: {  	[spmem:s3] =	stream.indirect.scatter.add.f32 [tilespmem:s31], [sflag:$0x7], $0x40, s28, s26, $0xb8;
	[tilespmem:$0x15AE0] =	vst v63  }
0xec: {  	_ =	swait.ge [sflag:s21], $0x1900  }
0xed: {  	p1 =	sgt.u32 s13, $0x6;
	[sflag:s21] =	ssyncset.done $0x0  }
0xee: {  	s14 =	simm.s32 @p1 $0x4;
	[sflag:s21] =	ssyncadd.s32 $0xFFFFE700  }
0xef: {  	_ =	swait.ge @p1 [sflag:s14], $0x1900  }
0xf0: {  	[sflag:s14] =	ssyncset.done @p1 $0x0  }
0xf1: {  	[sflag:s14] =	ssyncadd.s32 @p1 $0xFFFFE700;
	s14 =	sshra.s32 @p1 s12, $0x2  }
0xf2: {  	s16 =	simm.s32 @p1 $0x64;
	s17 =	simm.s32 @p1 $0x73A0;
	s15 =	sadd.s32 @p1 $0x1588, s14  }
0xf3: {  	[spmem:s3] =	stream.indirect.scatter.add.f32 @p1 [tilespmem:s17], [sflag:$0x7], $0x40, s15, s16, $0xb8;
	[tilespmem:$0x15AE0] =	vst v63  }
0xf4: {  	s15 =	simm.s32 @p1 $0x7  }
0xf5: {  	_ =	swait.ge @p1 [sflag:s15], $0x1900  }
0xf6: {  	s24 =	simm.s32 @!p1 $0x64;
	s17 =	sshra.s32 @!p1 s12, $0x2;
	[sflag:s15] =	ssyncset.done @p1 $0x0  }
0xf7: {  	s28 =	simm.s32 @!p1 $0x5AA0;
	s18 =	sadd.s32 @!p1 $0x340, s17;
	[sflag:s15] =	ssyncadd.s32 @p1 $0xFFFFE700  }
0xf8: {  	[tilespmem:s28], [sflag:$0x3] =	stream.indirect.gather @!p1 [hbm4b:s1+s24], $0x40, s18, s24, $0xb8;
	[tilespmem:$0x15AE0] =	vst v63  }
0xf9: {  	s18 =	simm.s32 @!p1 $0x4  }
0xfa: {  	_ =	swait.ge @!p1 [sflag:s18], $0x1900  }
0xfb: {  	[sflag:s18] =	ssyncset.done @!p1 $0x0  }
0xfc: {  	s28 =	simm.s32 @!p1 $0x73A0;
	[sflag:s18] =	ssyncadd.s32 @!p1 $0xFFFFE700;
	s18 =	sadd.s32 @!p1 $0x1588, s17  }
0xfd: {  	[spmem:s3] =	stream.indirect.scatter.add.f32 @!p1 [tilespmem:s28], [sflag:$0x7], $0x40, s18, s24, $0xb8;
	[tilespmem:$0x15AE0] =	vst v63  }
0xfe: {  	s18 =	simm.s32 @!p1 $0x7  }
0xff: {  	_ =	swait.ge @!p1 [sflag:s18], $0x1900  }
0x100: {  	[sflag:s18] =	ssyncset.done @!p1 $0x0  }
0x101: {  	s30 =	sadd.s32 @!p1 $0x3A8, s17;
	[sflag:s18] =	ssyncadd.s32 @!p1 $0xFFFFE700  }
0x102: {  	[tilespmem:s28], [sflag:$0x4] =	stream.indirect.gather @!p1 [hbm4b:s1+s24], $0x40, s30, s24, $0xb8;
	[tilespmem:$0x15AE0] =	vst v63  }
0x103: {  	_ =	swait.ge [sflag:s10], $0x1900  }
0x104: {  	[sflag:s10] =	ssyncset.done $0x0  }
0x105: {  	s30 =	sadd.s32 $0x15F0, s19;
	[sflag:s10] =	ssyncadd.s32 $0xFFFFE700  }
0x106: {  	[spmem:s3] =	stream.indirect.scatter.add.f32 [tilespmem:s5], [sflag:$0x7], $0x40, s30, s26, $0xb8;
	[tilespmem:$0x15AE0] =	vst v63  }
0x107: {  	_ =	swait.ge [sflag:s21], $0x1900  }
0x108: {  	[sflag:s21] =	ssyncset.done $0x0  }
0x109: {  	s19 =	simm.s32 @p1 $0x6;
	[sflag:s21] =	ssyncadd.s32 $0xFFFFE700  }
0x10a: {  	_ =	swait.ge @p1 [sflag:s19], $0x1900  }
0x10b: {  	[sflag:s19] =	ssyncset.done @p1 $0x0  }
0x10c: {  	s14 =	sadd.s32 @p1 $0x1658, s14;
	[sflag:s19] =	ssyncadd.s32 @p1 $0xFFFFE700;
	s19 =	simm.s32 @p1 $0xA5A0  }
0x10d: {  	[spmem:s3] =	stream.indirect.scatter.add.f32 @p1 [tilespmem:s19], [sflag:$0x7], $0x40, s14, s16, $0xb8;
	[tilespmem:$0x15AE0] =	vst v63  }
0x10e: {  	_ =	swait.ge @p1 [sflag:s15], $0x1900  }
0x10f: {  	[sflag:s15] =	ssyncset.done @p1 $0x0  }
0x110: {  	s14 =	sadd.s32 @!p1 $0x410, s17;
	[sflag:s15] =	ssyncadd.s32 @p1 $0xFFFFE700;
	s15 =	simm.s32 @!p1 $0x8CA0  }
0x111: {  	[tilespmem:s15], [sflag:$0x5] =	stream.indirect.gather @!p1 [hbm4b:s1+s24], $0x40, s14, s24, $0xb8;
	[tilespmem:$0x15AE0] =	vst v63  }
0x112: {  	s14 =	simm.s32 @!p1 $0x6  }
0x113: {  	_ =	swait.ge @!p1 [sflag:s14], $0x1900  }
0x114: {  	[sflag:s14] =	ssyncset.done @!p1 $0x0  }
0x115: {  	s15 =	simm.s32 @!p1 $0xA5A0;
	[sflag:s14] =	ssyncadd.s32 @!p1 $0xFFFFE700;
	s14 =	sadd.s32 @!p1 $0x1658, s17  }
0x116: {  	[spmem:s3] =	stream.indirect.scatter.add.f32 @!p1 [tilespmem:s15], [sflag:$0x7], $0x40, s14, s24, $0xb8;
	[tilespmem:$0x15AE0] =	vst v63  }
0x117: {  	_ =	swait.ge @!p1 [sflag:s18], $0x1900  }
0x118: {  	[sflag:s18] =	ssyncset.done @!p1 $0x0  }
0x119: {  	s12 =	sadd.s32 $0x9C0, s12;
	s14 =	sadd.s32 @!p1 $0x478, s17;
	[sflag:s18] =	ssyncadd.s32 @!p1 $0xFFFFE700  }
0x11a: {  	[tilespmem:s15], [sflag:$0x6] =	stream.indirect.gather @!p1 [hbm4b:s1+s24], $0x40, s14, s24, $0xb8;
	[tilespmem:$0x15AE0] =	vst v63  }
0x11b: {  	p1 =	sne.s32 s12, $0x57C0  }
.Ltmp7:
0x11c: {  	_ = 	snop;
	(pc) =	sbr.rel @p1 .LBB2_7-.Ltmp7, $4  }
.Ltmp8:
0x11d: {  	_ = 	snop;
	(pc) =	sbr.rel @!p1 .LBB2_9-.Ltmp8, $4  }
0x11e: {  	_ = 	snop  }
0x11f: {  	_ = 	snop  }
0x120: {  	s13 =	sadd.s32 $0x1, s13  }
0x121: {  	_ = 	snop  }
.LBB2_10:
0x122: {  	_ =	sfence.sel $0x180000  }
0x123: {  	[bflag:$0x0] =	sbarrier.arrive $0xFFFF  }
0x124: {  	_ =	strace $0x9000004A  }
0x125: {  	s0 =	stileid.u32;
	[bflag:$0x2] =	sbarrier.arrive $0xFFFF  }
0x126: {  	p0 =	sne.s32 s0, $0x0;
	s0 =	rddreg [dreg:$0x3]  }
0x127: {  	s0 =	sadd.s32 @!p0 $0x100000, s0  }
0x128: {  	[sflag:s0] =	ssyncadd.tile.s32 @!p0 $0x1;
	_ =	shalt  }
.Lfunc_end2:
_tile_overlayer_lowered:
.L_overlay_start_2:
0x129: {  	(tag) =	ssettag $0x2  }
0x12a: {  	s0 =	rddreg [dreg:$0x0];
	s2 =	stileid.u32  }
0x12b: {  	s1 =	rddreg [dreg:$0x1];
	p0 =	sne.s32 s2, $0x0  }
0x12c: {  	s3 =	rddreg [dreg:$0x2];
	[bflag:$0x3] =	sbarrier.arrive $0xFFFF;
	s2 =	simm.s32 @!p0 $0x1C07  }
0x12d: {  	[timem:s3], [sflag:s2] =	dma.local @!p0 [hbm:s0], s1  }
0x12e: {  	s0 =	simm.s32 @!p0 $0x7  }
0x12f: {  	_ =	swait.ge @!p0 [sflag:s0], s1  }
0x130: {  	s1 =	ssub.s32 @!p0 $0x0, s1;
	[sflag:s0] =	ssyncset.done @!p0 $0x0  }
0x131: {  	[sflag:s0] =	ssyncadd.s32 @!p0 s1  }
0x132: {  	[bflag:$0x3] =	sbarrier.arrive $0xFFFF  }
0x133: {  	_ =	shalt  }

// kernel: kernel.7.cloned.1.call-start
scs
__scs_entry_jumppad:
0x0: {  	(pc) =	sbr.rel $0x88, $3  }
0x1: {  	(tag) =	ssettag $0x0;
	lr =	simm.s32 $0x1  }
0x2: {  	[smem:$0x3F9D] =	sst lr;
	_ =	strace $0xD0000000  }
0x3: {  	_ = 	snop  }
0x4: {  	_ = 	snop  }
0x5: {  	_ = 	snop  }
0x6: {  	_ = 	snop  }
0x7: {  	_ = 	snop  }
__scs_overlays_trampoline_lowered:
0x8: {  	[smem:$0x3FAC] =	sst s0  }
0x9: {  	[smem:$0x3FAD] =	sst s1  }
0xa: {  	[smem:$0x3FAE] =	sst s2  }
0xb: {  	[smem:$0x3FAF] =	sst s3  }
0xc: {  	[smem:$0x3FB0] =	sst s4  }
0xd: {  	[smem:$0x3FB1] =	sst s5  }
0xe: {  	[smem:$0x3FB2] =	sst s6  }
0xf: {  	[smem:$0x3FB3] =	sst s7  }
0x10: {  	[smem:$0x3FB4] =	sst s8  }
0x11: {  	[smem:$0x3FB5] =	sst s9;
	s0 =	simm.s32 @!p0 $0x0  }
0x12: {  	s1 =	sld [smem:$0x3F9B];
	s0 =	simm.s32 @p0 $0x1  }
0x13: {  	[smem:$0x3FB6] =	sst s0;
	s0 =	simm.s32 @!p1 $0x0  }
0x14: {  	s2 =	sld [smem:$0x3F9A];
	s0 =	simm.s32 @p1 $0x1  }
0x15: {  	[smem:$0x3FB7] =	sst s0;
	s0 =	simm.s32 @!p2 $0x0  }
0x16: {  	s3 =	sld [smem:$0x3FDB];
	s0 =	simm.s32 @p2 $0x1  }
0x17: {  	s4 =	simm.s32 $0x1BF5;
	[smem:$0x3FB9] =	sst s0  }
0x18: {  	s0 =	sld [smem:$0x3F9C];
	_ =	swait.ge [sflag:s4], $0x0  }
0x19: {  	s7 =	sld [smem:$0x3F9D]  }
0x1a: {  	s8 =	sadd.s32 $0xFFFFE003, lr  }
0x1b: {  	s9 =	sadd.s32 $0xFFFFFEF7, lr;
	s5 =	simm.s32 $0xFFFFFFFF;
	p2 =	slt.u32 s8, $0xFFFFF086  }
0x1c: {  	p1 =	slt.u32 s9, $0xF7A;
	s5 =	simm.s32 @!p2 $0x0  }
0x1d: {  	s5 =	simm.s32 @p1 $0x1;
	p0 =	seq.s32 s7, s2  }
0x1e: {  	s7 =	smul.u32 @!p0 $0xF7A, s2;
	p2 =	seq.s32 @!p0 s5, $0x0  }
0x1f: {  	s9 =	smul.u32 $0xF7A, s1;
	s8 =	simm.s32 @!p0 $0x1BF5;
	p2 =	por !p2, p0  }
0x20: {  	[sflag:s8] =	ssyncset.s32 @!p0 $0xFFFFF086;
	s6 =	sadd.s32 @!p0 s3, s7;
	s7 =	simm.s32 @!p0 $0x108  }
0x21: {  	s3 =	sadd.s32 s3, s9;
	s6 =	sadd.s32 @!p0 $0x88, s6;
	s7 =	simm.s32 @p2 $0x1082  }
0x22: {  	[simem:s7], [sflag:s8] =	dma.local @!p0 [hbm:s6], $0xF7A  }
0x23: {  	s9 =	sor.u32 $0xD0000000, s2;
	s6 =	simm.s32 $0x108;
	_ =	swait.ge @!p0 [sflag:s8], $0x0  }
0x24: {  	s3 =	sadd.s32 $0x88, s3;
	s6 =	simm.s32 @!p1 $0x1082;
	[sflag:s4] =	ssyncset.s32 $0xFFFFF086  }
0x25: {  	[simem:s6], [sflag:s4] =	dma.local [hbm:s3], $0xF7A  }
0x26: {  	[smem:$0x3F9D] =	sst s1;
	(tag) =	ssettag s2;
	_ =	strace s9  }
0x27: {  	s1 =	sld [smem:$0x3FAD]  }
0x28: {  	s2 =	sld [smem:$0x3FAE]  }
0x29: {  	s4 =	sld [smem:$0x3FB0]  }
0x2a: {  	p0 =	seq.s32 s5, $0x0;
	s5 =	sld [smem:$0x3FB1]  }
0x2b: {  	s6 =	sld [smem:$0x3FB2]  }
0x2c: {  	s7 =	sld [smem:$0x3FB3]  }
0x2d: {  	s3 =	simm.s32 $0x108;
	s8 =	sld [smem:$0x3FB4]  }
0x2e: {  	s3 =	simm.s32 @!p0 $0x1082;
	s9 =	sld [smem:$0x3FB5]  }
0x2f: {  	lr =	sadd.s32 s0, s3;
	s0 =	sld [smem:$0x3FAC]  }
0x30: {  	s3 =	sld [smem:$0x3FAF]  }
0x31: {  	[smem:$0x3FB8] =	sst s10  }
0x32: {  	s10 =	sld [smem:$0x3FB6];
	_ =	sdelay $0x3  }
0x33: {  	p0 =	seq.s32 s10, $0x1;
	s10 =	sld [smem:$0x3FB8];
	_ =	sdelay $0x3  }
0x34: {  	[smem:$0x3FB8] =	sst s10  }
0x35: {  	s10 =	sld [smem:$0x3FB7];
	_ =	sdelay $0x3  }
0x36: {  	p1 =	seq.s32 s10, $0x1;
	s10 =	sld [smem:$0x3FB8];
	_ =	sdelay $0x3  }
0x37: {  	[smem:$0x3FB8] =	sst s10  }
0x38: {  	s10 =	sld [smem:$0x3FB9]  }
0x39: {  	_ = 	snop;
	(pc) =	sbr.ind lr, $3  }
0x3a: {  	_ = 	snop  }
0x3b: {  	_ = 	snop  }
0x3c: {  	p2 =	seq.s32 s10, $0x1;
	s10 =	sld [smem:$0x3FB8]  }
0x3d: {  	_ =	shalt  }
0x3e: {  	_ =	shalt  }
0x3f: {  	_ =	shalt  }
0x40: {  	_ =	shalt  }
0x41: {  	_ =	shalt  }
0x42: {  	_ =	shalt  }
0x43: {  	_ =	shalt  }
0x44: {  	_ =	shalt  }
0x45: {  	_ =	shalt  }
0x46: {  	_ =	shalt  }
0x47: {  	_ =	shalt  }
0x48: {  	_ =	shalt  }
0x49: {  	_ =	shalt  }
0x4a: {  	_ =	shalt  }
0x4b: {  	_ =	shalt  }
0x4c: {  	_ =	shalt  }
0x4d: {  	_ =	shalt  }
0x4e: {  	_ =	shalt  }
0x4f: {  	_ =	shalt  }
0x50: {  	_ =	shalt  }
0x51: {  	_ =	shalt  }
0x52: {  	_ =	shalt  }
0x53: {  	_ =	shalt  }
0x54: {  	_ =	shalt  }
0x55: {  	_ =	shalt  }
0x56: {  	_ =	shalt  }
0x57: {  	_ =	shalt  }
0x58: {  	_ =	shalt  }
0x59: {  	_ =	shalt  }
0x5a: {  	_ =	shalt  }
0x5b: {  	_ =	shalt  }
0x5c: {  	_ =	shalt  }
0x5d: {  	_ =	shalt  }
0x5e: {  	_ =	shalt  }
0x5f: {  	_ =	shalt  }
0x60: {  	_ =	shalt  }
0x61: {  	_ =	shalt  }
0x62: {  	_ =	shalt  }
0x63: {  	_ =	shalt  }
0x64: {  	_ =	shalt  }
0x65: {  	_ =	shalt  }
0x66: {  	_ =	shalt  }
0x67: {  	_ =	shalt  }
0x68: {  	_ =	shalt  }
0x69: {  	_ =	shalt  }
0x6a: {  	_ =	shalt  }
0x6b: {  	_ =	shalt  }
0x6c: {  	_ =	shalt  }
0x6d: {  	_ =	shalt  }
0x6e: {  	_ =	shalt  }
0x6f: {  	_ =	shalt  }
0x70: {  	_ =	shalt  }
0x71: {  	_ =	shalt  }
0x72: {  	_ =	shalt  }
0x73: {  	_ =	shalt  }
0x74: {  	_ =	shalt  }
0x75: {  	_ =	shalt  }
0x76: {  	_ =	shalt  }
0x77: {  	_ =	shalt  }
0x78: {  	_ =	shalt  }
0x79: {  	_ =	shalt  }
0x7a: {  	_ =	shalt  }
0x7b: {  	_ =	shalt  }
0x7c: {  	_ =	shalt  }
0x7d: {  	_ =	shalt  }
0x7e: {  	_ =	shalt  }
0x7f: {  	_ =	shalt  }
0x80: {  	_ =	shalt  }
0x81: {  	_ =	shalt  }
0x82: {  	_ =	shalt  }
0x83: {  	_ =	shalt  }
0x84: {  	_ =	shalt  }
0x85: {  	_ =	shalt  }
0x86: {  	_ =	shalt  }
0x87: {  	_ =	shalt  }
.Lfunc_end0:
.L_simem_size_0:
called_computation_lowered:
.L_overlay_start_0:
0x88: {  	s2 =	sld [smem:$0x3FD9]  }
0x89: {  	s3 =	sld [smem:$0x3FFE];
	_ =	sdelay $0x1  }
0x8a: {  	s1 =	srdreg.scid  }
0x8b: {  	s0 =	sand.u32 $0x1, s1  }
0x8c: {  	s16 =	sshll.u32 s0, $0xA;
	s2 =	sadd.s32 s3, s2  }
0x8d: {  	s2 =	sadd.s32 s2, s16  }
0x8e: {  	[smem:$0x3FC4] =	sst s2  }
0x8f: {  	_ = 	snop  }
0x90: {  	(tm) =	ssettm $0x1  }
0x91: {  	s17 =	sld [smem:$0x3FFB];
	_ =	sdelay $0x3  }
0x92: {  	_ =	strace s17  }
0x93: {  	s2 =	sld [smem:$0x3FFC];
	_ =	sdelay $0x3  }
0x94: {  	_ =	strace s2  }
0x95: {  	s2 =	sld [smem:$0x3FFD];
	_ =	sdelay $0x3  }
0x96: {  	_ =	strace s2  }
0x97: {  	_ =	strace $0x8FFFFFFF  }
0x98: {  	s18 =	sld [smem:$0x3FDB];
	_ =	sdelay $0x1  }
0x99: {  	s19 =	simm.s32 $_scs_section_size  }
0x9a: {  	s4 =	simm.s32 $_size__tile_overlayer_lowered;
	s5 =	simm.s32 $_tile_overlayer_lowered  }
0x9b: {  	s22 =	simm.s32 $0x1BFF;
	s21 =	sshll.u32 s5, $0x1;
	s2 =	sadd.s32 s19, s18  }
0x9c: {  	s6 =	simm.s32 $0x0;
	s20 =	sshll.u32 s4, $0x1;
	s4 =	sadd.s32 s21, s2  }
0x9d: {  	[timem:s6], [sflag:s22] =	dma.local [hbm:s4], s20  }
0x9e: {  	_ =	swait.ge [sflag:s22], s20  }
0x9f: {  	s3 =	ssub.s32 $0x0, s20;
	[sflag:s22] =	ssyncset.done $0x0  }
0xa0: {  	[sflag:s22] =	ssyncadd.s32 s3;
	_ =	sdelay $0x1  }
0xa1: {  	s23 =	simm.s32 $0x1B8B  }
0xa2: {  	_ =	swait.ge [sflag:s23], $0x1  }
0xa3: {  	[sflag:s23] =	ssyncset.done $0x0  }
0xa4: {  	s25 =	simm.s32 $0x1B8E;
	s24 =	sld [smem:$0x3FFE];
	[sflag:s23] =	ssyncadd.s32 $0xFFFFFFFF  }
0xa5: {  	s26 =	simm.s32 $execute0_lowered;
	[smem:$0x3FD2] =	sst s25  }
0xa6: {  	s4 =	sshll.u32 s26, $0x1;
	_ =	strace $0x80000046;
	[dreg:$0x1] =	wrdreg $0xFFFFFFFF  }
0xa7: {  	s28 =	simm.s32 $_size_execute0_lowered;
	s2 =	sadd.s32 s2, s4;
	[dreg:$0x0] =	wrdreg $0x0  }
0xa8: {  	s4 =	sshll.u32 s28, $0x1;
	[dreg:$0x2] =	wrdreg s2  }
0xa9: {  	[dreg:$0x3] =	wrdreg s4  }
0xaa: {  	[dreg:$0x4] =	wrdreg $0xC0  }
0xab: {  	_ =	task [dreg:s6], $0x5FFFF  }
0xac: {  	[dreg:$0x1] =	wrdreg $0xFFFFFFFF  }
0xad: {  	[dreg:$0x0] =	wrdreg $0x60  }
0xae: {  	[dreg:$0x2] =	wrdreg s24  }
0xaf: {  	[dreg:$0x3] =	wrdreg $0xBEA00  }
0xb0: {  	[dreg:$0x4] =	wrdreg $0x9  }
0xb1: {  	_ =	task.clear_ibuf [dreg:s6], $0x5FFFF;
	_ =	strace $0x90000046  }
0xb2: {  	s29 =	simm.s32 $0x9;
	_ =	strace $0x80000048  }
0xb3: {  	_ =	swait.ge [sflag:s29], $0x1  }
0xb4: {  	[sflag:s29] =	ssyncadd.s32 $0xFFFFFFFF  }
0xb5: {  	_ =	strace $0x90000048  }
0xb6: {  	_ =	sfence  }
0xb7: {  	s30 =	sld [smem:$0x0];
	_ =	sdelay $0x2  }
0xb8: {  	s31 =	sshll.u32 s1, $0xD;
	s1 =	sshrl.u32 s1, $0x2  }
0xb9: {  	s3 =	sand.u32 $0x4000, s31;
	s1 =	sadd.s32 s1, s30  }
0xba: {  	s0 =	sor.u32 s3, s0;
	s1 =	sshll.u32 s1, $0x11  }
0xbb: {  	s0 =	sor.u32 s1, s0  }
0xbc: {  	s0 =	sadd.s32 $0x8F2B, s0  }
0xbd: {  	[sflag:s0] =	ssyncadd.remote.s32 $0x1  }
0xbe: {  	_ =	sfence.sel $0xFFFF  }
0xbf: {  	[dreg:$0x0] =	wrdreg $0xFFFFFFFF;
	(pc) =	sbr.abs _section_cstart, $3  }
0xc0: {  	[dreg:$0x1] =	wrdreg $0xFFFFFFFF  }
0xc1: {  	_ =	task.clear_ibuf [dreg:s6], $0x2FFFF;
	_ =	strace $0x9FFFFFFF  }
0xc2: {  	(tm) =	ssettm $0x7FFFFFFF  }
0xc3: {  	_ =	shalt  }
tec
execute0_lowered:
.L_overlay_start_1:
0x0: {  	(tag) =	ssettag $0x1  }
0x1: {  	s0 =	rddreg [dreg:$0x0]  }
0x2: {  	s2 =	rddreg [dreg:$0x1]  }
0x3: {  	s3 =	simm.s32 $0x0;
	s1 =	srdreg.scid;
	s9 =	stileid.u32  }
0x4: {  	s19 =	simm.s32 $0x1450;
	s28 =	simm.s32 $0x68;
	s29 =	simm.s32 $0x5AA0  }
0x5: {  	s30 =	simm.s32 $0xD0;
	s31 =	simm.s32 $0x8CA0;
	[smem:$0x7FF] =	sst s3  }
0x6: {  	s1 =	sand.u32 $0x1, s1;
	s20 =	sshll.u32 s9, $0x1;
	s4 =	sadd.s32 $0x15A00, s0  }
0x7: {  	s7 =	sadd.s32 $0xB600, s0;
	s8 =	smul.u32 $0x4E200, s9;
	s10 =	sadd.s32 $0x1200, s0  }
0x8: {  	s0 =	sadd.s32 $0x3CC00, s0;
	s23 =	smul.u32 $0x13C00, s9;
	p0 =	seq.s32 s9, $0xF  }
0x9: {  	_ =	strace $0x80000047;
	s3 =	sor.u32 s1, s20;
	s5 =	ssub.s32 $0x2, s1  }
0xa: {  	s1 =	smul.u32 $0x138800, s1;
	s20 =	simm.s32 $0x28A0;
	s6 =	sshrl.u32 s5, $0x1  }
0xb: {  	s3 =	smul.u32 $0x28A0, s3;
	s21 =	sshrl.u32 s8, $0x2;
	s5 =	ssub.s32 s5, s6  }
0xc: {  	s6 =	sadd.s32 s21, s2;
	s25 =	sadd.s32 s23, s1;
	s1 =	sshrl.u32 s1, $0x3  }
0xd: {  	s21 =	simm.s32 $0x4;
	s3 =	sshrl.u32 s3, $0x3;
	s24 =	sadd.s32 $0x12C00, s6  }
0xe: {  	s26 =	sshrl.u32 s25, $0x3;
	s1 =	sadd.s32 s0, s1;
	s13 =	smax.u32 s5, $0x1  }
0xf: {  	s14 =	sadd.s32 $0x3200, s6;
	s15 =	sadd.s32 $0x6400, s6;
	s16 =	sadd.s32 $0x9600, s6  }
0x10: {  	s17 =	sadd.s32 $0xC800, s6;
	s18 =	sadd.s32 $0xFA00, s6;
	s5 =	simm.s32 $0x0  }
0x11: {  	s22 =	sadd.s32 s7, s3;
	s11 =	sadd.s32 s10, s3;
	[dreg:$0x5] =	wrdreg s24  }
0x12: {  	s3 =	sadd.s32 $0x28A, s3;
	s12 =	sadd.s32 $0x25080, s1;
	[dreg:$0x3] =	wrdreg s22  }
0x13: {  	s1 =	sadd.s32 $0x128400, s2;
	[dreg:$0x4] =	wrdreg s11;
	s7 =	sadd.s32 s7, s3  }
0x14: {  	s10 =	sadd.s32 s10, s3;
	s11 =	sadd.s32 s0, s26;
	s0 =	sadd.s32 s23, s2  }
0x15: {  	s22 =	simm.s32 $0x1;
	s23 =	simm.s32 $0x2;
	s24 =	sshrl.u32 @p0 s1, $0x3  }
0x16: {  	s26 =	simm.s32 $0x64;
	s1 =	simm.s32 $0x27D0;
	s3 =	simm.s32 $0x2838  }
0x17: {  	v0 =	vimm.f32 $0.0e+00;
	[dreg:$0x6] =	wrdreg s7;
	s25 =	sshrl.u32 @!p0 s0, $0x3;
	s0 =	simm.s32 $0x3  }
.LBB2_1:
0x18: {  	s7 =	simm.s32 $0x0;
	s8 =	rddreg [dreg:$0x3]  }
0x19: {  	[tilespmem:s7], [sflag:$0x1] =	stream.linear.gather [hbm4b:s8+s7], $0x1450, $0x38;
	[tilespmem:$0x1F720] =	vst v63  }
0x1a: {  	s9 =	rddreg [dreg:$0x4]  }
0x1b: {  	[tilespmem:s19], [sflag:$0x2] =	stream.linear.gather [hbm4b:s9+s7], $0x1450, $0x38;
	[tilespmem:$0x1F720] =	vst v63  }
0x1c: {  	s8 =	simm.s32 $0x3C0;
	s7 =	simm.s32 $0x70  }
.LBB2_2:
0x1d: {  	p1 =	sne.s32 s8, $0xC7C0;
	[tilespmem:s7+$0x28A0] =	vst v0  }
0x1e: {  	[tilespmem:s7+$0x2830] =	vst v0  }
0x1f: {  	[tilespmem:s7+$0x2840] =	vst v0  }
.Ltmp0:
0x20: {  	[tilespmem:s7+$0x2850] =	vst v0;
	(pc) =	sbr.rel @p1 .LBB2_2-.Ltmp0, $4  }
0x21: {  	[tilespmem:s7+$0x2860] =	vst v0  }
0x22: {  	[tilespmem:s7+$0x2870] =	vst v0  }
0x23: {  	[tilespmem:s7+$0x2880] =	vst v0  }
0x24: {  	[tilespmem:s7+$0x2890] =	vst v0;
	s7 =	sshra.s32 s8, $0x2;
	s8 =	sadd.s32 $0x200, s8  }
0x25: {  	[tilespmem:s7+$0x28A0] =	vst v0  }
0x26: {  	[tilespmem:s7+$0x2830] =	vst v0  }
0x27: {  	[tilespmem:s7+$0x2840] =	vst v0  }
0x28: {  	[tilespmem:s7+$0x2850] =	vst v0  }
0x29: {  	[tilespmem:s7+$0x2860] =	vst v0  }
0x2a: {  	[tilespmem:s7+$0x2870] =	vst v0  }
0x2b: {  	[tilespmem:s7+$0x2880] =	vst v0  }
0x2c: {  	[tilespmem:s7+$0x2890] =	vst v0  }
0x2d: {  	[spmem:s6] =	stream.linear.scatter [tilespmem:s20], [sflag:$0x4], $0x3200, $0x38;
	[tilespmem:$0x1F720] =	vst v63  }
0x2e: {  	_ =	swait.ge [sflag:s21], $0x3200  }
0x2f: {  	[sflag:s21] =	ssyncset.done $0x0  }
0x30: {  	[sflag:s21] =	ssyncadd.s32 $0xFFFFCE00  }
0x31: {  	[spmem:s14] =	stream.linear.scatter [tilespmem:s20], [sflag:$0x4], $0x3200, $0x38;
	[tilespmem:$0x1F720] =	vst v63  }
0x32: {  	_ =	swait.ge [sflag:s21], $0x3200  }
0x33: {  	[sflag:s21] =	ssyncset.done $0x0  }
0x34: {  	[sflag:s21] =	ssyncadd.s32 $0xFFFFCE00  }
0x35: {  	[spmem:s15] =	stream.linear.scatter [tilespmem:s20], [sflag:$0x4], $0x3200, $0x38;
	[tilespmem:$0x1F720] =	vst v63  }
0x36: {  	_ =	swait.ge [sflag:s21], $0x3200  }
0x37: {  	[sflag:s21] =	ssyncset.done $0x0  }
0x38: {  	[sflag:s21] =	ssyncadd.s32 $0xFFFFCE00  }
0x39: {  	[spmem:s16] =	stream.linear.scatter [tilespmem:s20], [sflag:$0x4], $0x3200, $0x38;
	[tilespmem:$0x1F720] =	vst v63  }
0x3a: {  	_ =	swait.ge [sflag:s21], $0x3200  }
0x3b: {  	[sflag:s21] =	ssyncset.done $0x0  }
0x3c: {  	[sflag:s21] =	ssyncadd.s32 $0xFFFFCE00  }
0x3d: {  	[spmem:s17] =	stream.linear.scatter [tilespmem:s20], [sflag:$0x4], $0x3200, $0x38;
	[tilespmem:$0x1F720] =	vst v63  }
0x3e: {  	_ =	swait.ge [sflag:s21], $0x3200  }
0x3f: {  	[sflag:s21] =	ssyncset.done $0x0  }
0x40: {  	[sflag:s21] =	ssyncadd.s32 $0xFFFFCE00  }
0x41: {  	[spmem:s18] =	stream.linear.scatter [tilespmem:s20], [sflag:$0x4], $0x3200, $0x38;
	[tilespmem:$0x1F720] =	vst v63  }
0x42: {  	_ =	swait.ge [sflag:s21], $0x3200  }
0x43: {  	[sflag:s21] =	ssyncset.done $0x0  }
0x44: {  	s9 =	rddreg [dreg:$0x5];
	[sflag:s21] =	ssyncadd.s32 $0xFFFFCE00  }
0x45: {  	[spmem:s9] =	stream.linear.scatter [tilespmem:s20], [sflag:$0x4], $0xC80, $0x38;
	[tilespmem:$0x1F720] =	vst v63  }
0x46: {  	_ =	swait.ge [sflag:s21], $0xC80  }
0x47: {  	[sflag:s21] =	ssyncset.done $0x0  }
0x48: {  	[sflag:s21] =	ssyncadd.s32 $0xFFFFF380  }
0x49: {  	[bflag:$0x0] =	sbarrier.arrive $0xFFFF  }
0x4a: {  	_ =	swait.ge [sflag:s22], $0x1450  }
0x4b: {  	[sflag:s22] =	ssyncset.done $0x0  }
0x4c: {  	[sflag:s22] =	ssyncadd.s32 $0xFFFFEBB0  }
0x4d: {  	_ =	swait.ge [sflag:s23], $0x1450  }
0x4e: {  	[sflag:s23] =	ssyncset.done $0x0  }
0x4f: {  	s8 =	simm.s32 $0x0;
	[sflag:s23] =	ssyncadd.s32 $0xFFFFEBB0  }
0x50: {  	[tilespmem:s20], [sflag:$0x1] =	stream.indirect.gather [hbm4b:s4+s26], $0x80, s8, s26, $0xb8;
	[tilespmem:$0x1F720] =	vst v63  }
0x51: {  	_ = 	snop  }
0x52: {  	[tilespmem:s29], [sflag:$0x2] =	stream.indirect.gather [hbm4b:s4+s26], $0x80, s28, s26, $0xb8;
	[tilespmem:$0x1F720] =	vst v63  }
0x53: {  	_ = 	snop  }
0x54: {  	[tilespmem:s31], [sflag:$0x3] =	stream.indirect.gather [hbm4b:s4+s26], $0x80, s30, s26, $0xb8;
	[tilespmem:$0x1F720] =	vst v63  }
0x55: {  	_ =	swait.ge [sflag:s22], $0x3200  }
0x56: {  	[sflag:s22] =	ssyncset.done $0x0  }
0x57: {  	s9 =	simm.s32 $0x1450;
	[sflag:s22] =	ssyncadd.s32 $0xFFFFCE00  }
0x58: {  	[spmem:s2] =	stream.indirect.scatter.add.f32 [tilespmem:s20], [sflag:$0x4], $0x80, s9, s26, $0xb8;
	[tilespmem:$0x1F720] =	vst v63  }
0x59: {  	_ =	swait.ge [sflag:s21], $0x3200  }
0x5a: {  	[sflag:s21] =	ssyncset.done $0x0  }
0x5b: {  	s8 =	simm.s32 $0x138;
	[sflag:s21] =	ssyncadd.s32 $0xFFFFCE00  }
0x5c: {  	[tilespmem:s20], [sflag:$0x1] =	stream.indirect.gather [hbm4b:s4+s26], $0x80, s8, s26, $0xb8;
	[tilespmem:$0x1F720] =	vst v63  }
0x5d: {  	_ =	swait.ge [sflag:s23], $0x3200  }
0x5e: {  	[sflag:s23] =	ssyncset.done $0x0  }
0x5f: {  	s9 =	simm.s32 $0x14B8;
	[sflag:s23] =	ssyncadd.s32 $0xFFFFCE00  }
0x60: {  	[spmem:s2] =	stream.indirect.scatter.add.f32 [tilespmem:s29], [sflag:$0x4], $0x80, s9, s26, $0xb8;
	[tilespmem:$0x1F720] =	vst v63  }
0x61: {  	_ =	swait.ge [sflag:s21], $0x3200  }
0x62: {  	[sflag:s21] =	ssyncset.done $0x0  }
0x63: {  	s8 =	simm.s32 $0x1A0;
	[sflag:s21] =	ssyncadd.s32 $0xFFFFCE00  }
0x64: {  	[tilespmem:s29], [sflag:$0x2] =	stream.indirect.gather [hbm4b:s4+s26], $0x80, s8, s26, $0xb8;
	[tilespmem:$0x1F720] =	vst v63  }
0x65: {  	_ =	swait.ge [sflag:s0], $0x3200  }
0x66: {  	[sflag:s0] =	ssyncset.done $0x0  }
0x67: {  	s9 =	simm.s32 $0x1520;
	[sflag:s0] =	ssyncadd.s32 $0xFFFFCE00  }
0x68: {  	[spmem:s2] =	stream.indirect.scatter.add.f32 [tilespmem:s31], [sflag:$0x4], $0x80, s9, s26, $0xb8;
	[tilespmem:$0x1F720] =	vst v63  }
0x69: {  	_ =	swait.ge [sflag:s21], $0x3200  }
0x6a: {  	[sflag:s21] =	ssyncset.done $0x0  }
0x6b: {  	s7 =	simm.s32 $0x4E0;
	s8 =	simm.s32 $0x208;
	[sflag:s21] =	ssyncadd.s32 $0xFFFFCE00  }
.LBB2_4:
0x6c: {  	[tilespmem:s31], [sflag:$0x3] =	stream.indirect.gather [hbm4b:s4+s26], $0x80, s8, s26, $0xb8;
	[tilespmem:$0x1F720] =	vst v63  }
0x6d: {  	s8 =	smov.u32 s7;
	s7 =	sadd.s32 $0x4E0, s7;
	_ =	swait.ge [sflag:s22], $0x3200  }
0x6e: {  	s8 =	sshra.s32 s8, $0x2;
	p1 =	sne.s32 s7, $0x4920;
	[sflag:s22] =	ssyncset.done $0x0  }
0x6f: {  	s9 =	sadd.s32 $0x1450, s8;
	[sflag:s22] =	ssyncadd.s32 $0xFFFFCE00  }
0x70: {  	[spmem:s2] =	stream.indirect.scatter.add.f32 [tilespmem:s20], [sflag:$0x4], $0x80, s9, s26, $0xb8;
	[tilespmem:$0x1F720] =	vst v63  }
0x71: {  	_ =	swait.ge [sflag:s21], $0x3200  }
0x72: {  	[sflag:s21] =	ssyncset.done $0x0  }
0x73: {  	s9 =	sadd.s32 $0x138, s8;
	[sflag:s21] =	ssyncadd.s32 $0xFFFFCE00  }
0x74: {  	[tilespmem:s20], [sflag:$0x1] =	stream.indirect.gather [hbm4b:s4+s26], $0x80, s9, s26, $0xb8;
	[tilespmem:$0x1F720] =	vst v63  }
0x75: {  	_ =	swait.ge [sflag:s23], $0x3200  }
0x76: {  	[sflag:s23] =	ssyncset.done $0x0  }
0x77: {  	s9 =	sadd.s32 $0x14B8, s8;
	[sflag:s23] =	ssyncadd.s32 $0xFFFFCE00  }
0x78: {  	[spmem:s2] =	stream.indirect.scatter.add.f32 [tilespmem:s29], [sflag:$0x4], $0x80, s9, s26, $0xb8;
	[tilespmem:$0x1F720] =	vst v63  }
0x79: {  	_ =	swait.ge [sflag:s21], $0x3200  }
0x7a: {  	[sflag:s21] =	ssyncset.done $0x0  }
0x7b: {  	s9 =	sadd.s32 $0x1A0, s8;
	[sflag:s21] =	ssyncadd.s32 $0xFFFFCE00  }
0x7c: {  	[tilespmem:s29], [sflag:$0x2] =	stream.indirect.gather [hbm4b:s4+s26], $0x80, s9, s26, $0xb8;
	[tilespmem:$0x1F720] =	vst v63  }
0x7d: {  	_ =	swait.ge [sflag:s0], $0x3200  }
0x7e: {  	[sflag:s0] =	ssyncset.done $0x0  }
.Ltmp1:
0x7f: {  	s9 =	sadd.s32 $0x1520, s8;
	[sflag:s0] =	ssyncadd.s32 $0xFFFFCE00;
	(pc) =	sbr.rel @p1 .LBB2_4-.Ltmp1, $4  }
0x80: {  	[spmem:s2] =	stream.indirect.scatter.add.f32 [tilespmem:s31], [sflag:$0x4], $0x80, s9, s26, $0xb8;
	[tilespmem:$0x1F720] =	vst v63  }
0x81: {  	_ =	swait.ge [sflag:s21], $0x3200  }
0x82: {  	[sflag:s21] =	ssyncset.done $0x0  }
0x83: {  	s8 =	sadd.s32 $0x208, s8;
	[sflag:s21] =	ssyncadd.s32 $0xFFFFCE00  }
0x84: {  	[tilespmem:s31], [sflag:$0x3] =	stream.indirect.gather [hbm4b:s4+s26], $0x80, s8, s26, $0xb8;
	[tilespmem:$0x1F720] =	vst v63  }
0x85: {  	_ =	swait.ge [sflag:s22], $0x3200  }
0x86: {  	s7 =	sshra.s32 s7, $0x2;
	[sflag:s22] =	ssyncset.done $0x0  }
0x87: {  	s9 =	sadd.s32 $0x1450, s7;
	[sflag:s22] =	ssyncadd.s32 $0xFFFFCE00  }
0x88: {  	[spmem:s2] =	stream.indirect.scatter.add.f32 [tilespmem:s20], [sflag:$0x4], $0x80, s9, s26, $0xb8;
	[tilespmem:$0x1F720] =	vst v63  }
0x89: {  	_ =	swait.ge [sflag:s21], $0x3200  }
0x8a: {  	[sflag:s21] =	ssyncset.done $0x0  }
0x8b: {  	s9 =	sadd.s32 $0x138, s7;
	[sflag:s21] =	ssyncadd.s32 $0xFFFFCE00  }
0x8c: {  	[tilespmem:s20], [sflag:$0x1] =	stream.indirect.gather [hbm4b:s4+s26], $0x80, s9, s26, $0xb8;
	[tilespmem:$0x1F720] =	vst v63  }
0x8d: {  	_ =	swait.ge [sflag:s23], $0x3200  }
0x8e: {  	[sflag:s23] =	ssyncset.done $0x0  }
0x8f: {  	s9 =	sadd.s32 $0x14B8, s7;
	[sflag:s23] =	ssyncadd.s32 $0xFFFFCE00  }
0x90: {  	[spmem:s2] =	stream.indirect.scatter.add.f32 [tilespmem:s29], [sflag:$0x4], $0x80, s9, s26, $0xb8;
	[tilespmem:$0x1F720] =	vst v63  }
0x91: {  	_ =	swait.ge [sflag:s21], $0x3200  }
0x92: {  	[sflag:s21] =	ssyncset.done $0x0  }
0x93: {  	s9 =	sadd.s32 $0x1A0, s7;
	[sflag:s21] =	ssyncadd.s32 $0xFFFFCE00  }
0x94: {  	[tilespmem:s29], [sflag:$0x2] =	stream.indirect.gather [hbm4b:s4+s26], $0x80, s9, s26, $0xb8;
	[tilespmem:$0x1F720] =	vst v63  }
0x95: {  	_ =	swait.ge [sflag:s0], $0x3200  }
0x96: {  	[sflag:s0] =	ssyncset.done $0x0  }
0x97: {  	s7 =	sadd.s32 $0x1520, s7;
	[sflag:s0] =	ssyncadd.s32 $0xFFFFCE00  }
0x98: {  	[spmem:s2] =	stream.indirect.scatter.add.f32 [tilespmem:s31], [sflag:$0x4], $0x80, s7, s26, $0xb8;
	[tilespmem:$0x1F720] =	vst v63  }
0x99: {  	_ =	swait.ge [sflag:s21], $0x3200  }
0x9a: {  	[sflag:s21] =	ssyncset.done $0x0  }
0x9b: {  	[sflag:s21] =	ssyncadd.s32 $0xFFFFCE00  }
0x9c: {  	_ =	swait.ge [sflag:s22], $0x3200  }
0x9d: {  	[sflag:s22] =	ssyncset.done $0x0  }
0x9e: {  	[sflag:s22] =	ssyncadd.s32 $0xFFFFCE00  }
0x9f: {  	[spmem:s2] =	stream.indirect.scatter.add.f32 [tilespmem:s20], [sflag:$0x4], $0x80, s1, s26, $0xb8;
	[tilespmem:$0x1F720] =	vst v63  }
0xa0: {  	_ =	swait.ge [sflag:s21], $0x3200  }
0xa1: {  	[sflag:s21] =	ssyncset.done $0x0  }
0xa2: {  	[sflag:s21] =	ssyncadd.s32 $0xFFFFCE00  }
0xa3: {  	_ =	swait.ge [sflag:s23], $0x3200  }
0xa4: {  	[sflag:s23] =	ssyncset.done $0x0  }
0xa5: {  	[sflag:s23] =	ssyncadd.s32 $0xFFFFCE00  }
0xa6: {  	[spmem:s2] =	stream.indirect.scatter.add.f32 [tilespmem:s29], [sflag:$0x4], $0x80, s3, s26, $0xb8;
	[tilespmem:$0x1F720] =	vst v63  }
0xa7: {  	_ =	swait.ge [sflag:s21], $0x3200  }
0xa8: {  	[sflag:s21] =	ssyncset.done $0x0  }
0xa9: {  	s7 =	simm.s32 $0x0;
	s9 =	rddreg [dreg:$0x6];
	[sflag:s21] =	ssyncadd.s32 $0xFFFFCE00  }
0xaa: {  	[tilespmem:s7], [sflag:$0x4] =	stream.linear.gather [hbm4b:s9+s7], $0x1450, $0x38;
	[tilespmem:$0x1F720] =	vst v63  }
0xab: {  	_ =	swait.ge [sflag:s21], $0x1450  }
0xac: {  	[sflag:s21] =	ssyncset.done $0x0  }
0xad: {  	[sflag:s21] =	ssyncadd.s32 $0xFFFFEBB0  }
0xae: {  	[tilespmem:s19], [sflag:$0x4] =	stream.linear.gather [hbm4b:s10+s7], $0x1450, $0x38;
	[tilespmem:$0x1F720] =	vst v63  }
0xaf: {  	_ =	swait.ge [sflag:s21], $0x1450  }
0xb0: {  	[sflag:s21] =	ssyncset.done $0x0  }
0xb1: {  	[sflag:s21] =	ssyncadd.s32 $0xFFFFEBB0  }
0xb2: {  	[tilespmem:s20], [sflag:$0x1] =	stream.indirect.gather [hbm4b:s4+s26], $0x80, s7, s26, $0xb8;
	[tilespmem:$0x1F720] =	vst v63  }
0xb3: {  	_ = 	snop  }
0xb4: {  	[tilespmem:s29], [sflag:$0x2] =	stream.indirect.gather [hbm4b:s4+s26], $0x80, s28, s26, $0xb8;
	[tilespmem:$0x1F720] =	vst v63  }
0xb5: {  	_ = 	snop  }
0xb6: {  	[tilespmem:s31], [sflag:$0x3] =	stream.indirect.gather [hbm4b:s4+s26], $0x80, s30, s26, $0xb8;
	[tilespmem:$0x1F720] =	vst v63  }
0xb7: {  	_ =	swait.ge [sflag:s22], $0x3200  }
0xb8: {  	[sflag:s22] =	ssyncset.done $0x0  }
0xb9: {  	s9 =	simm.s32 $0x1450;
	[sflag:s22] =	ssyncadd.s32 $0xFFFFCE00  }
0xba: {  	[spmem:s2] =	stream.indirect.scatter.add.f32 [tilespmem:s20], [sflag:$0x4], $0x80, s9, s26, $0xb8;
	[tilespmem:$0x1F720] =	vst v63  }
0xbb: {  	_ =	swait.ge [sflag:s21], $0x3200  }
0xbc: {  	[sflag:s21] =	ssyncset.done $0x0  }
0xbd: {  	s8 =	simm.s32 $0x138;
	[sflag:s21] =	ssyncadd.s32 $0xFFFFCE00  }
0xbe: {  	[tilespmem:s20], [sflag:$0x1] =	stream.indirect.gather [hbm4b:s4+s26], $0x80, s8, s26, $0xb8;
	[tilespmem:$0x1F720] =	vst v63  }
0xbf: {  	_ =	swait.ge [sflag:s23], $0x3200  }
0xc0: {  	[sflag:s23] =	ssyncset.done $0x0  }
0xc1: {  	s9 =	simm.s32 $0x14B8;
	[sflag:s23] =	ssyncadd.s32 $0xFFFFCE00  }
0xc2: {  	[spmem:s2] =	stream.indirect.scatter.add.f32 [tilespmem:s29], [sflag:$0x4], $0x80, s9, s26, $0xb8;
	[tilespmem:$0x1F720] =	vst v63  }
0xc3: {  	_ =	swait.ge [sflag:s21], $0x3200  }
0xc4: {  	[sflag:s21] =	ssyncset.done $0x0  }
0xc5: {  	s8 =	simm.s32 $0x1A0;
	[sflag:s21] =	ssyncadd.s32 $0xFFFFCE00  }
0xc6: {  	[tilespmem:s29], [sflag:$0x2] =	stream.indirect.gather [hbm4b:s4+s26], $0x80, s8, s26, $0xb8;
	[tilespmem:$0x1F720] =	vst v63  }
0xc7: {  	_ =	swait.ge [sflag:s0], $0x3200  }
0xc8: {  	[sflag:s0] =	ssyncset.done $0x0  }
0xc9: {  	s9 =	simm.s32 $0x1520;
	[sflag:s0] =	ssyncadd.s32 $0xFFFFCE00  }
0xca: {  	[spmem:s2] =	stream.indirect.scatter.add.f32 [tilespmem:s31], [sflag:$0x4], $0x80, s9, s26, $0xb8;
	[tilespmem:$0x1F720] =	vst v63  }
0xcb: {  	_ =	swait.ge [sflag:s21], $0x3200  }
0xcc: {  	[sflag:s21] =	ssyncset.done $0x0  }
0xcd: {  	s7 =	simm.s32 $0x4E0;
	s8 =	simm.s32 $0x208;
	[sflag:s21] =	ssyncadd.s32 $0xFFFFCE00  }
.LBB2_6:
0xce: {  	[tilespmem:s31], [sflag:$0x3] =	stream.indirect.gather [hbm4b:s4+s26], $0x80, s8, s26, $0xb8;
	[tilespmem:$0x1F720] =	vst v63  }
0xcf: {  	s8 =	smov.u32 s7;
	s7 =	sadd.s32 $0x4E0, s7;
	_ =	swait.ge [sflag:s22], $0x3200  }
0xd0: {  	s8 =	sshra.s32 s8, $0x2;
	p1 =	sne.s32 s7, $0x4920;
	[sflag:s22] =	ssyncset.done $0x0  }
0xd1: {  	s9 =	sadd.s32 $0x1450, s8;
	[sflag:s22] =	ssyncadd.s32 $0xFFFFCE00  }
0xd2: {  	[spmem:s2] =	stream.indirect.scatter.add.f32 [tilespmem:s20], [sflag:$0x4], $0x80, s9, s26, $0xb8;
	[tilespmem:$0x1F720] =	vst v63  }
0xd3: {  	_ =	swait.ge [sflag:s21], $0x3200  }
0xd4: {  	[sflag:s21] =	ssyncset.done $0x0  }
0xd5: {  	s9 =	sadd.s32 $0x138, s8;
	[sflag:s21] =	ssyncadd.s32 $0xFFFFCE00  }
0xd6: {  	[tilespmem:s20], [sflag:$0x1] =	stream.indirect.gather [hbm4b:s4+s26], $0x80, s9, s26, $0xb8;
	[tilespmem:$0x1F720] =	vst v63  }
0xd7: {  	_ =	swait.ge [sflag:s23], $0x3200  }
0xd8: {  	[sflag:s23] =	ssyncset.done $0x0  }
0xd9: {  	s9 =	sadd.s32 $0x14B8, s8;
	[sflag:s23] =	ssyncadd.s32 $0xFFFFCE00  }
0xda: {  	[spmem:s2] =	stream.indirect.scatter.add.f32 [tilespmem:s29], [sflag:$0x4], $0x80, s9, s26, $0xb8;
	[tilespmem:$0x1F720] =	vst v63  }
0xdb: {  	_ =	swait.ge [sflag:s21], $0x3200  }
0xdc: {  	[sflag:s21] =	ssyncset.done $0x0  }
0xdd: {  	s9 =	sadd.s32 $0x1A0, s8;
	[sflag:s21] =	ssyncadd.s32 $0xFFFFCE00  }
0xde: {  	[tilespmem:s29], [sflag:$0x2] =	stream.indirect.gather [hbm4b:s4+s26], $0x80, s9, s26, $0xb8;
	[tilespmem:$0x1F720] =	vst v63  }
0xdf: {  	_ =	swait.ge [sflag:s0], $0x3200  }
0xe0: {  	[sflag:s0] =	ssyncset.done $0x0  }
.Ltmp2:
0xe1: {  	s9 =	sadd.s32 $0x1520, s8;
	[sflag:s0] =	ssyncadd.s32 $0xFFFFCE00;
	(pc) =	sbr.rel @p1 .LBB2_6-.Ltmp2, $4  }
0xe2: {  	[spmem:s2] =	stream.indirect.scatter.add.f32 [tilespmem:s31], [sflag:$0x4], $0x80, s9, s26, $0xb8;
	[tilespmem:$0x1F720] =	vst v63  }
0xe3: {  	_ =	swait.ge [sflag:s21], $0x3200  }
0xe4: {  	[sflag:s21] =	ssyncset.done $0x0  }
0xe5: {  	s8 =	sadd.s32 $0x208, s8;
	[sflag:s21] =	ssyncadd.s32 $0xFFFFCE00  }
0xe6: {  	[tilespmem:s31], [sflag:$0x3] =	stream.indirect.gather [hbm4b:s4+s26], $0x80, s8, s26, $0xb8;
	[tilespmem:$0x1F720] =	vst v63  }
0xe7: {  	_ =	swait.ge [sflag:s22], $0x3200  }
0xe8: {  	s7 =	sshra.s32 s7, $0x2;
	[sflag:s22] =	ssyncset.done $0x0  }
0xe9: {  	s9 =	sadd.s32 $0x1450, s7;
	[sflag:s22] =	ssyncadd.s32 $0xFFFFCE00  }
0xea: {  	[spmem:s2] =	stream.indirect.scatter.add.f32 [tilespmem:s20], [sflag:$0x4], $0x80, s9, s26, $0xb8;
	[tilespmem:$0x1F720] =	vst v63  }
0xeb: {  	_ =	swait.ge [sflag:s21], $0x3200  }
0xec: {  	[sflag:s21] =	ssyncset.done $0x0  }
0xed: {  	s9 =	sadd.s32 $0x138, s7;
	[sflag:s21] =	ssyncadd.s32 $0xFFFFCE00  }
0xee: {  	[tilespmem:s20], [sflag:$0x1] =	stream.indirect.gather [hbm4b:s4+s26], $0x80, s9, s26, $0xb8;
	[tilespmem:$0x1F720] =	vst v63  }
0xef: {  	_ =	swait.ge [sflag:s23], $0x3200  }
0xf0: {  	[sflag:s23] =	ssyncset.done $0x0  }
0xf1: {  	s9 =	sadd.s32 $0x14B8, s7;
	[sflag:s23] =	ssyncadd.s32 $0xFFFFCE00  }
0xf2: {  	[spmem:s2] =	stream.indirect.scatter.add.f32 [tilespmem:s29], [sflag:$0x4], $0x80, s9, s26, $0xb8;
	[tilespmem:$0x1F720] =	vst v63  }
0xf3: {  	_ =	swait.ge [sflag:s21], $0x3200  }
0xf4: {  	[sflag:s21] =	ssyncset.done $0x0  }
0xf5: {  	s9 =	sadd.s32 $0x1A0, s7;
	[sflag:s21] =	ssyncadd.s32 $0xFFFFCE00  }
0xf6: {  	[tilespmem:s29], [sflag:$0x2] =	stream.indirect.gather [hbm4b:s4+s26], $0x80, s9, s26, $0xb8;
	[tilespmem:$0x1F720] =	vst v63  }
0xf7: {  	_ =	swait.ge [sflag:s0], $0x3200  }
0xf8: {  	[sflag:s0] =	ssyncset.done $0x0  }
0xf9: {  	s7 =	sadd.s32 $0x1520, s7;
	[sflag:s0] =	ssyncadd.s32 $0xFFFFCE00  }
0xfa: {  	[spmem:s2] =	stream.indirect.scatter.add.f32 [tilespmem:s31], [sflag:$0x4], $0x80, s7, s26, $0xb8;
	[tilespmem:$0x1F720] =	vst v63  }
0xfb: {  	_ =	swait.ge [sflag:s21], $0x3200  }
0xfc: {  	[sflag:s21] =	ssyncset.done $0x0  }
0xfd: {  	[sflag:s21] =	ssyncadd.s32 $0xFFFFCE00  }
0xfe: {  	_ =	swait.ge [sflag:s22], $0x3200  }
0xff: {  	[sflag:s22] =	ssyncset.done $0x0  }
0x100: {  	[sflag:s22] =	ssyncadd.s32 $0xFFFFCE00  }
0x101: {  	[spmem:s2] =	stream.indirect.scatter.add.f32 [tilespmem:s20], [sflag:$0x4], $0x80, s1, s26, $0xb8;
	[tilespmem:$0x1F720] =	vst v63  }
0x102: {  	_ =	swait.ge [sflag:s21], $0x3200  }
0x103: {  	[sflag:s21] =	ssyncset.done $0x0  }
0x104: {  	[sflag:s21] =	ssyncadd.s32 $0xFFFFCE00  }
0x105: {  	_ =	swait.ge [sflag:s23], $0x3200  }
0x106: {  	[sflag:s23] =	ssyncset.done $0x0  }
0x107: {  	[sflag:s23] =	ssyncadd.s32 $0xFFFFCE00  }
0x108: {  	[spmem:s2] =	stream.indirect.scatter.add.f32 [tilespmem:s29], [sflag:$0x4], $0x80, s3, s26, $0xb8;
	[tilespmem:$0x1F720] =	vst v63  }
0x109: {  	_ =	swait.ge [sflag:s21], $0x3200  }
0x10a: {  	[sflag:s21] =	ssyncset.done $0x0  }
0x10b: {  	[sflag:s21] =	ssyncadd.s32 $0xFFFFCE00  }
0x10c: {  	s7 =	simm.s32 @p0 $0x1FC4;
	[bflag:$0x0] =	sbarrier.arrive $0xFFFF  }
0x10d: {  	[hbm:s12], [sflag:s7] =	dma.local @p0 [spmem:s24], $0x2080  }
0x10e: {  	s7 =	simm.s32 @p0 $0x4  }
0x10f: {  	s8 =	stileid.u32;
	_ =	swait.ge @p0 [sflag:s7], $0x2080  }
0x110: {  	s5 =	sadd.s32 $0x1, s5;
	s8 =	sshll.u32 @!p0 s8, $0x6;
	[sflag:s7] =	ssyncset.done @p0 $0x0  }
0x111: {  	p1 =	sne.s32 s5, s13;
	[sflag:s7] =	ssyncadd.s32 @p0 $0xFFFFDF80;
	s7 =	sor.u32 @!p0 $0x1C04, s8  }
0x112: {  	[hbm:s11], [sflag:s7] =	dma.local @!p0 [spmem:s25], $0x2780  }
.Ltmp3:
0x113: {  	_ = 	snop;
	(pc) =	sbr.rel @p1 .LBB2_1-.Ltmp3, $4  }
0x114: {  	s7 =	simm.s32 @!p0 $0x4  }
0x115: {  	_ =	swait.ge @!p0 [sflag:s7], $0x2780  }
0x116: {  	[sflag:s7] =	ssyncset.done @!p0 $0x0  }
0x117: {  	[sflag:s7] =	ssyncadd.s32 @!p0 $0xFFFFD880  }
0x118: {  	_ =	sfence.sel $0x180000  }
0x119: {  	[bflag:$0x0] =	sbarrier.arrive $0xFFFF  }
0x11a: {  	_ =	strace $0x90000047  }
0x11b: {  	s0 =	stileid.u32;
	[bflag:$0x2] =	sbarrier.arrive $0xFFFF  }
0x11c: {  	p0 =	sne.s32 s0, $0x0;
	s0 =	rddreg [dreg:$0x2]  }
0x11d: {  	s0 =	sadd.s32 @!p0 $0x100000, s0  }
0x11e: {  	[sflag:s0] =	ssyncadd.tile.s32 @!p0 $0x1;
	_ =	shalt  }
.Lfunc_end2:
_tile_overlayer_lowered:
.L_overlay_start_2:
0x11f: {  	(tag) =	ssettag $0x2  }
0x120: {  	s0 =	rddreg [dreg:$0x0];
	s2 =	stileid.u32  }
0x121: {  	s1 =	rddreg [dreg:$0x1];
	p0 =	sne.s32 s2, $0x0  }
0x122: {  	s3 =	rddreg [dreg:$0x2];
	[bflag:$0x3] =	sbarrier.arrive $0xFFFF;
	s2 =	simm.s32 @!p0 $0x1C04  }
0x123: {  	[timem:s3], [sflag:s2] =	dma.local @!p0 [hbm:s0], s1  }
0x124: {  	s0 =	simm.s32 @!p0 $0x4  }
0x125: {  	_ =	swait.ge @!p0 [sflag:s0], s1  }
0x126: {  	s1 =	ssub.s32 @!p0 $0x0, s1;
	[sflag:s0] =	ssyncset.done @!p0 $0x0  }
0x127: {  	[sflag:s0] =	ssyncadd.s32 @!p0 s1  }
0x128: {  	[bflag:$0x3] =	sbarrier.arrive $0xFFFF  }
0x129: {  	_ =	shalt  }

</sc_bundles>
